<compile_context>
chip_gen: v7x
topology: tpu7x:2x2x1
jax: 0.10.2.dev20260603
libtpu: 0.0.44.dev20260713+nightly
codegen_flags: <defaults>
</compile_context>

<pallas_src>
import functools

import jax
import jax.numpy as jnp
from jax import lax
from jax.experimental import pallas as pl
from jax.experimental.pallas import tpu as pltpu
from jax.experimental.pallas import tpu_sc as plsc

NN = 10000
NP = 10240
DD = 128
EE = 320000
NCORE = 2
NSUB = 16
NW = NCORE * NSUB
EW = 10240
EPAD = NW * EW
CHUNK = 128
NCHUNK = EW // CHUNK
NBUF = 2
ROWS_PER_TILE = NP // NSUB


def _sc_degree_body(dst_hbm, ones_hbm, z128_hbm, degp_hbm,
                    acc, ones_v, dst_i, ssem):
    c = lax.axis_index("c")
    s = lax.axis_index("s")
    wid = s * NCORE + c
    row0 = s * ROWS_PER_TILE
    pltpu.sync_copy(z128_hbm, acc.at[pl.ds(row0, ROWS_PER_TILE)])
    pltpu.sync_copy(ones_hbm, ones_v)
    pltpu.sync_copy(dst_hbm.at[wid], dst_i)
    plsc.subcore_barrier()

    def body(g, carry):
        handles = []
        for b in range(NBUF):
            j = g * NBUF + b
            handles.append(pltpu.async_copy(
                ones_v, acc.at[dst_i.at[j]], ssem.at[b], add=True))
        for h in handles:
            h.wait()
        return carry

    lax.fori_loop(0, NCHUNK // NBUF, body, 0)
    plsc.subcore_barrier()
    pltpu.sync_copy(acc.at[pl.ds(row0, ROWS_PER_TILE)],
                    degp_hbm.at[c, pl.ds(row0, ROWS_PER_TILE)])


def _sc_segsum_body(hn_hbm, src_hbm, dst_hbm, z128_hbm, accp_hbm,
                    acc, rows, src_b, dst_i, isem, gsem, ssem):
    c = lax.axis_index("c")
    s = lax.axis_index("s")
    wid = s * NCORE + c
    row0 = s * ROWS_PER_TILE
    pltpu.sync_copy(z128_hbm, acc.at[pl.ds(row0, ROWS_PER_TILE)])
    pltpu.sync_copy(dst_hbm.at[wid], dst_i)
    base = wid * NCHUNK
    for b in range(NBUF):
        pltpu.async_copy(src_hbm.at[base + b], src_b.at[b], isem.at[b])
    plsc.subcore_barrier()

    ngroup = NCHUNK // NBUF

    def body(g, carry):
        gh = []
        for b in range(NBUF):
            j = g * NBUF + b
            pltpu.make_async_copy(src_hbm.at[base], src_b.at[b],
                                  isem.at[b]).wait()
            gh.append(pltpu.async_copy(
                hn_hbm.at[src_b.at[b]], rows.at[b], gsem.at[b]))
        sh = []
        for b in range(NBUF):
            j = g * NBUF + b
            gh[b].wait()
            nxt = jnp.where(g + 1 < ngroup, (g + 1) * NBUF + b, b)
            pltpu.async_copy(src_hbm.at[base + nxt], src_b.at[b], isem.at[b])
            sh.append(pltpu.async_copy(
                rows.at[b], acc.at[dst_i.at[j]], ssem.at[b], add=True))
        for h in sh:
            h.wait()
        return carry

    lax.fori_loop(0, ngroup, body, 0)
    for b in range(NBUF):
        pltpu.make_async_copy(src_hbm.at[base], src_b.at[b], isem.at[b]).wait()
    plsc.subcore_barrier()
    pltpu.sync_copy(acc.at[pl.ds(row0, ROWS_PER_TILE)],
                    accp_hbm.at[c, pl.ds(row0, ROWS_PER_TILE)])


@functools.cache
def _sc_kernels():
    mesh = plsc.VectorSubcoreMesh(core_axis_name="c", subcore_axis_name="s")
    deg = pl.kernel(
        _sc_degree_body,
        out_type=jax.ShapeDtypeStruct((NCORE, NP, DD), jnp.float32),
        mesh=mesh,
        scratch_types=[
            pltpu.VMEM_SHARED((NP, DD), jnp.float32),
            pltpu.VMEM((CHUNK, DD), jnp.float32),
            pltpu.VMEM((NCHUNK, CHUNK), jnp.int32),
            pltpu.SemaphoreType.DMA((NBUF,)),
        ],
    )
    seg = pl.kernel(
        _sc_segsum_body,
        out_type=jax.ShapeDtypeStruct((NCORE, NP, DD), jnp.float32),
        mesh=mesh,
        scratch_types=[
            pltpu.VMEM_SHARED((NP, DD), jnp.float32),
            pltpu.VMEM((NBUF, CHUNK, DD), jnp.float32),
            pltpu.VMEM((NBUF, CHUNK), jnp.int32),
            pltpu.VMEM((NCHUNK, CHUNK), jnp.int32),
            pltpu.SemaphoreType.DMA((NBUF,)),
            pltpu.SemaphoreType.DMA((NBUF,)),
            pltpu.SemaphoreType.DMA((NBUF,)),
        ],
    )
    return deg, seg



def _bn_affine(g, b, m, v):
    scale = g * lax.rsqrt(v + 1e-5)
    return scale, b - m * scale


def _row_mask(x):
    keep = lax.broadcasted_iota(jnp.int32, (NP, 1), 0) < NN
    return jnp.where(keep, x, 0.0)


def _enc_body(h_ref, we_ref, be_ref, degp_ref, g_ref, b_ref, m_ref, v_ref,
              h0_ref, h0n_ref, norm_ref, cs_ref):
    h0 = jnp.dot(h_ref[...], we_ref[...],
                 preferred_element_type=jnp.float32) + be_ref[...]
    deg = jnp.maximum(degp_ref[0][:, 0:16] + degp_ref[1][:, 0:16], 1.0)
    norm16 = lax.rsqrt(deg)
    norm_ref[...] = norm16
    h0_ref[...] = h0
    h0n_ref[...] = h0 * norm16[:, 0:1]
    scale, shift = _bn_affine(g_ref[...], b_ref[...], m_ref[...], v_ref[...])
    z = jnp.maximum(jnp.maximum(h0, 0.0) * scale + shift, 0.0)
    cs_ref[...] = jnp.sum(_row_mask(z), axis=0, keepdims=True)


def _make_layer_body(emit_hn):
    def body(h_ref, accp_ref, norm_ref, ws_ref, wn_ref, bias_ref,
             g_ref, b_ref, m_ref, v_ref, hg_ref, hb_ref, hm_ref, hv_ref,
             *out_refs):
        nrm = norm_ref[...][:, 0:1]
        agg = (accp_ref[0] + accp_ref[1]) * nrm
        x = (jnp.dot(h_ref[...], ws_ref[...], preferred_element_type=jnp.float32)
             + jnp.dot(agg, wn_ref[...], preferred_element_type=jnp.float32)
             + bias_ref[...])
        scale, shift = _bn_affine(g_ref[...], b_ref[...], m_ref[...], v_ref[...])
        hnew = jnp.maximum(x * scale + shift, 0.0)
        out_refs[0][...] = hnew
        hs, hh = _bn_affine(hg_ref[...], hb_ref[...], hm_ref[...], hv_ref[...])
        z = jnp.maximum(hnew * hs + hh, 0.0)
        out_refs[1][...] = jnp.sum(_row_mask(z), axis=0, keepdims=True)
        if emit_hn:
            out_refs[2][...] = hnew * nrm
    return body


def _readout_body(c0_ref, c1_ref, c2_ref, c3_ref, w1_ref, b1_ref,
                  w2_ref, b2_ref, w3_ref, b3_ref, out_ref):
    hg = jnp.concatenate(
        [c0_ref[...], c1_ref[...], c2_ref[...], c3_ref[...]], axis=1) / NN
    o = jnp.maximum(jnp.dot(hg, w1_ref[...],
                            preferred_element_type=jnp.float32) + b1_ref[...], 0.0)
    o = jnp.maximum(jnp.dot(o, w2_ref[...],
                            preferred_element_type=jnp.float32) + b2_ref[...], 0.0)
    out_ref[...] = jnp.dot(o, w3_ref[...],
                           preferred_element_type=jnp.float32) + b3_ref[...]


def _f32(*shape):
    return jax.ShapeDtypeStruct(shape, jnp.float32)


_enc_call = pl.pallas_call(
    _enc_body,
    out_shape=[_f32(NP, DD), _f32(NP, DD), _f32(NP, 16), _f32(1, DD)],
)

_layer_call_mid = pl.pallas_call(
    _make_layer_body(True),
    out_shape=[_f32(NP, DD), _f32(1, DD), _f32(NP, DD)],
)

_layer_call_last = pl.pallas_call(
    _make_layer_body(False),
    out_shape=[_f32(NP, DD), _f32(1, DD)],
)

_readout_call = pl.pallas_call(_readout_body, out_shape=_f32(1, 10))


def kernel(h, edge_index, e, W_enc, b_enc, W_self, W_neigh, b_self, b_neigh,
           bn_gamma, bn_beta, bn_mean, bn_var, bnh_gamma, bnh_beta, bnh_mean,
           bnh_var, W_r1, b_r1, W_r2, b_r2, W_r3, b_r3):
    del e
    src = edge_index[0]
    dst = edge_index[1]
    npad = EPAD - EE
    src_p = jnp.concatenate(
        [src, jnp.zeros((npad,), jnp.int32)]).reshape(NW * NCHUNK, CHUNK)
    dst_p = jnp.concatenate(
        [dst, jnp.full((npad,), NP - 1, jnp.int32)]).reshape(NW, NCHUNK, CHUNK)
    h_pad = jnp.zeros((NP, DD), jnp.float32).at[:NN].set(h)
    ones128 = jnp.ones((CHUNK, DD), jnp.float32)
    z128 = jnp.zeros((ROWS_PER_TILE, DD), jnp.float32)

    def seg(sidx):
        sl = slice(sidx * DD, (sidx + 1) * DD)
        return (bnh_gamma[sl].reshape(1, DD), bnh_beta[sl].reshape(1, DD),
                bnh_mean[sl].reshape(1, DD), bnh_var[sl].reshape(1, DD))

    _sc_degree, _sc_segsum = _sc_kernels()
    degp = _sc_degree(dst_p, ones128, z128)
    h_cur, hn, norm16, cs0 = _enc_call(
        h_pad, W_enc, b_enc.reshape(1, DD), degp, *seg(0))

    colsums = [cs0]
    for l in range(3):
        accp = _sc_segsum(hn, src_p, dst_p, z128)
        bias = (b_self[l] + b_neigh[l]).reshape(1, DD)
        args = (h_cur, accp, norm16, W_self[l], W_neigh[l], bias,
                bn_gamma[l].reshape(1, DD), bn_beta[l].reshape(1, DD),
                bn_mean[l].reshape(1, DD), bn_var[l].reshape(1, DD),
                *seg(l + 1))
        if l < 2:
            h_cur, cs, hn = _layer_call_mid(*args)
        else:
            h_cur, cs = _layer_call_last(*args)
        colsums.append(cs)

    return _readout_call(*colsums, W_r1, b_r1.reshape(1, -1),
                         W_r2, b_r2.reshape(1, -1), W_r3, b_r3.reshape(1, -1))

# --- scband reference (transcript-rebuilt; emitter-appended) ---
"""Pipeline reference for scband-activation-graph-sage-net-64665027608595 (READ-ONLY COPY).

The authoritative reference and input builder live on the scoring server;
editing this copy changes nothing except your own understanding.
"""

import jax, jax.numpy as jnp
import numpy as np

N = 10000
E = 320000
D = 128
L = 3
NC = 10
H = (L + 1) * D

def setup_inputs(seed: int = 0):
    key = jax.random.key(seed)
    ks = jax.random.split(key, 12)
    h = jax.random.normal(ks[0], (N, D), dtype=jnp.float32)
    edge_index = jax.random.randint(ks[1], (2, E), 0, N, dtype=jnp.int32)
    e = jax.random.normal(ks[2], (E, 4), dtype=jnp.float32)
    s = 1.0 / np.sqrt(D)
    W_enc = jax.random.normal(ks[3], (D, D), dtype=jnp.float32) * s
    b_enc = jnp.zeros((D,), jnp.float32)
    W_self = jax.random.normal(ks[4], (L, D, D), dtype=jnp.float32) * s
    W_neigh = jax.random.normal(ks[5], (L, D, D), dtype=jnp.float32) * s
    b_self = jnp.zeros((L, D), jnp.float32)
    b_neigh = jnp.zeros((L, D), jnp.float32)
    bn_gamma = jnp.ones((L, D), jnp.float32)
    bn_beta = jnp.zeros((L, D), jnp.float32)
    bn_mean = jnp.zeros((L, D), jnp.float32)
    bn_var = jnp.ones((L, D), jnp.float32)
    bnh_gamma = jnp.ones((H,), jnp.float32)
    bnh_beta = jnp.zeros((H,), jnp.float32)
    bnh_mean = jnp.zeros((H,), jnp.float32)
    bnh_var = jnp.ones((H,), jnp.float32)
    W_r1 = jax.random.normal(ks[6], (H, H // 2), dtype=jnp.float32) * (1.0 / np.sqrt(H))
    b_r1 = jnp.zeros((H // 2,), jnp.float32)
    W_r2 = jax.random.normal(ks[7], (H // 2, H // 4), dtype=jnp.float32) * (1.0 / np.sqrt(H // 2))
    b_r2 = jnp.zeros((H // 4,), jnp.float32)
    W_r3 = jax.random.normal(ks[8], (H // 4, NC), dtype=jnp.float32) * (1.0 / np.sqrt(H // 4))
    b_r3 = jnp.zeros((NC,), jnp.float32)
    return {"h": h, "edge_index": edge_index, "e": e, "W_enc": W_enc, "b_enc": b_enc, "W_self": W_self, "W_neigh": W_neigh, "b_self": b_self, "b_neigh": b_neigh, "bn_gamma": bn_gamma, "bn_beta": bn_beta, "bn_mean": bn_mean, "bn_var": bn_var, "bnh_gamma": bnh_gamma, "bnh_beta": bnh_beta, "bnh_mean": bnh_mean, "bnh_var": bnh_var, "W_r1": W_r1, "b_r1": b_r1, "W_r2": W_r2, "b_r2": b_r2, "W_r3": W_r3, "b_r3": b_r3}

def reference(h, edge_index, e, W_enc, b_enc, W_self, W_neigh, b_self, b_neigh, bn_gamma, bn_beta, bn_mean, bn_var, bnh_gamma, bnh_beta, bnh_mean, bnh_var, W_r1, b_r1, W_r2, b_r2, W_r3, b_r3):
    src = edge_index[0]
    dst = edge_index[1]
    # node encoder (in_feat_dropout is identity at p=0.0 / eval)
    h = h @ W_enc + b_enc
    # in-degree based symmetric normalization
    deg = jax.ops.segment_sum(jnp.ones((E,), jnp.float32), dst, num_segments=N)
    deg = jnp.clip(deg, 1.0, None)
    norm = (deg ** -0.5)[:, None]
    b = h  # bundle starts with encoded features; grows to (L+1)*D
    for i in range(L):
        msg = (h * norm)[src]
        agg = jax.ops.segment_sum(msg, dst, num_segments=N) * norm
        h_new = h @ W_self[i] + b_self[i] + agg @ W_neigh[i] + b_neigh[i]
        h_new = bn_gamma[i] * (h_new - bn_mean[i]) / jnp.sqrt(bn_var[i] + 1e-5) + bn_beta[i]
        h = jax.nn.relu(h_new)
        b = jax.nn.relu(jnp.concatenate([b, h], axis=1))
    # final batchnorm over bundle (eval mode, running stats)
    b = bnh_gamma * (b - bnh_mean) / jnp.sqrt(bnh_var + 1e-5) + bnh_beta
    b = jax.nn.relu(b)
    # graph mean pooling (single graph in batch)
    hg = jnp.mean(b, axis=0, keepdims=True)
    # readout MLP
    out = jax.nn.relu(hg @ W_r1 + b_r1)
    out = jax.nn.relu(out @ W_r2 + b_r2)
    out = out @ W_r3 + b_r3
    return out

if __name__ == "__main__":
    import jax
    _d = setup_inputs()
    print(jax.jit(kernel)(*tuple(_d.values())))

</pallas_src>

<mosaic_0001>
#map = affine_map<(d0, d1) -> (0, 0, 0)>
#map1 = affine_map<(d0, d1) -> (0, 0)>
module attributes {stable_mosaic.version = 14 : i64} {
  func.func @_sc_degree_body(%arg0: i32, %arg1: i32, %arg2: memref<32x80x128xi32, #tpu.memory_space<hbm>>, %arg3: memref<128x128xf32, #tpu.memory_space<hbm>>, %arg4: memref<640x128xf32, #tpu.memory_space<hbm>>, %arg5: memref<2x10240x128xf32, #tpu.memory_space<hbm>>, %arg6: memref<10240x128xf32, #tpu.memory_space<vmem_shared>>, %arg7: memref<128x128xf32, #tpu.memory_space<vmem>>, %arg8: memref<80x128xi32, #tpu.memory_space<vmem>>, %arg9: memref<2x!tpu.dma_semaphore, #tpu.memory_space<semaphore_mem>>) attributes {dimension_semantics = [#tpu.dimension_semantics<core_parallel>, #tpu.dimension_semantics<subcore_parallel>], iteration_bounds = array<i64: 2, 16>, scalar_prefetch = 0 : i64, scratch_operands = 4 : i64, tpu.core_type = #tpu.core_type<sc_vector_subcore>, window_params = [{transform_indices = #map}, {transform_indices = #map1}, {transform_indices = #map1}, {transform_indices = #map}]} {
    %mul3A = arith.constant 2 : i32
    %mul3A_0 = arith.muli %arg1, %mul3A : i32
    %add3A = arith.addi %mul3A_0, %arg0 : i32
    %mul3A_1 = arith.constant 640 : i32
    %mul3A_2 = arith.muli %arg1, %mul3A_1 : i32
    "tpu.region"() ({
      %run_scoped3A = tpu.sem_alloc : memref<!tpu.dma_semaphore, #tpu.memory_space<semaphore_mem>>
      %dma_start3A = arith.constant 0 : i32
      %dma_start3A_9 = tpu.memref_slice %arg6[%mul3A_2, %dma_start3A] : memref<10240x128xf32, #tpu.memory_space<vmem_shared>> -> memref<640x128xf32, #tpu.memory_space<vmem_shared>>
      tpu.enqueue_dma source(%arg4 : memref<640x128xf32, #tpu.memory_space<hbm>>) target(%dma_start3A_9 : memref<640x128xf32, #tpu.memory_space<vmem_shared>>) target_semaphore(%run_scoped3A : memref<!tpu.dma_semaphore, #tpu.memory_space<semaphore_mem>>)
      %dma_wait3A = arith.constant 0 : i32
      %dma_wait3A_10 = tpu.memref_slice %arg6[%mul3A_2, %dma_wait3A] : memref<10240x128xf32, #tpu.memory_space<vmem_shared>> -> memref<640x128xf32, #tpu.memory_space<vmem_shared>>
      tpu.wait_dma2 semaphore(%run_scoped3A : memref<!tpu.dma_semaphore, #tpu.memory_space<semaphore_mem>>) src(%arg4 : memref<640x128xf32, #tpu.memory_space<hbm>>) dst(%dma_wait3A_10 : memref<640x128xf32, #tpu.memory_space<vmem_shared>>)
      tpu.yield
    }) : () -> ()
    "tpu.region"() ({
      %run_scoped3A = tpu.sem_alloc : memref<!tpu.dma_semaphore, #tpu.memory_space<semaphore_mem>>
      tpu.enqueue_dma source(%arg3 : memref<128x128xf32, #tpu.memory_space<hbm>>) target(%arg7 : memref<128x128xf32, #tpu.memory_space<vmem>>) target_semaphore(%run_scoped3A : memref<!tpu.dma_semaphore, #tpu.memory_space<semaphore_mem>>)
      tpu.wait_dma2 semaphore(%run_scoped3A : memref<!tpu.dma_semaphore, #tpu.memory_space<semaphore_mem>>) src(%arg3 : memref<128x128xf32, #tpu.memory_space<hbm>>) dst(%arg7 : memref<128x128xf32, #tpu.memory_space<vmem>>)
      tpu.yield
    }) : () -> ()
    "tpu.region"() ({
      %run_scoped3A = tpu.sem_alloc : memref<!tpu.dma_semaphore, #tpu.memory_space<semaphore_mem>>
      %dma_start3A = arith.constant 0 : i32
      %dma_start3A_9 = arith.constant 0 : i32
      %dma_start3A_10 = tpu.memref_slice %arg2[%add3A, %dma_start3A, %dma_start3A_9] : memref<32x80x128xi32, #tpu.memory_space<hbm>> -> memref<1x80x128xi32, #tpu.memory_space<hbm>>
      %dma_start3A_11 = tpu.memref_squeeze %dma_start3A_10 : memref<1x80x128xi32, #tpu.memory_space<hbm>> -> memref<80x128xi32, #tpu.memory_space<hbm>>
      %dma_start3A_12 = arith.constant 0 : i32
      %dma_start3A_13 = arith.constant 0 : i32
      %dma_start3A_14 = tpu.memref_slice %arg2[%add3A, %dma_start3A_12, %dma_start3A_13] : memref<32x80x128xi32, #tpu.memory_space<hbm>> -> memref<1x80x128xi32, #tpu.memory_space<hbm>>
      %dma_start3A_15 = tpu.memref_squeeze %dma_start3A_14 : memref<1x80x128xi32, #tpu.memory_space<hbm>> -> memref<80x128xi32, #tpu.memory_space<hbm>>
      tpu.enqueue_dma source(%dma_start3A_15 : memref<80x128xi32, #tpu.memory_space<hbm>>) target(%arg8 : memref<80x128xi32, #tpu.memory_space<vmem>>) target_semaphore(%run_scoped3A : memref<!tpu.dma_semaphore, #tpu.memory_space<semaphore_mem>>)
      %dma_wait3A = arith.constant 0 : i32
      %dma_wait3A_16 = arith.constant 0 : i32
      %dma_wait3A_17 = tpu.memref_slice %arg2[%add3A, %dma_wait3A, %dma_wait3A_16] : memref<32x80x128xi32, #tpu.memory_space<hbm>> -> memref<1x80x128xi32, #tpu.memory_space<hbm>>
      %dma_wait3A_18 = tpu.memref_squeeze %dma_wait3A_17 : memref<1x80x128xi32, #tpu.memory_space<hbm>> -> memref<80x128xi32, #tpu.memory_space<hbm>>
      %dma_wait3A_19 = arith.constant 0 : i32
      %dma_wait3A_20 = arith.constant 0 : i32
      %dma_wait3A_21 = tpu.memref_slice %arg2[%add3A, %dma_wait3A_19, %dma_wait3A_20] : memref<32x80x128xi32, #tpu.memory_space<hbm>> -> memref<1x80x128xi32, #tpu.memory_space<hbm>>
      %dma_wait3A_22 = tpu.memref_squeeze %dma_wait3A_21 : memref<1x80x128xi32, #tpu.memory_space<hbm>> -> memref<80x128xi32, #tpu.memory_space<hbm>>
      tpu.wait_dma2 semaphore(%run_scoped3A : memref<!tpu.dma_semaphore, #tpu.memory_space<semaphore_mem>>) src(%dma_wait3A_22 : memref<80x128xi32, #tpu.memory_space<hbm>>) dst(%arg8 : memref<80x128xi32, #tpu.memory_space<vmem>>)
      tpu.yield
    }) : () -> ()
    %barrier3A = arith.constant 0 : index
    tpu.barrier barrier_id(%barrier3A)
    %scan3A = arith.constant 0 : i32
    %scan3A_3 = arith.constant 0 : i32
    %scan3A_4 = arith.constant 40 : i32
    %scan3A_5 = arith.addi %scan3A_3, %scan3A_4 : i32
    %scan3A_6 = arith.constant 1 : i32
    scf.for %scan3A_9 = %scan3A_3 to %scan3A_5 step %scan3A_6  : i32 {
      %mul3A_10 = arith.constant 2 : i32
      %mul3A_11 = arith.muli %scan3A_9, %mul3A_10 : i32
      %add3A_12 = arith.constant 0 : i32
      %add3A_13 = arith.addi %mul3A_11, %add3A_12 : i32
      %dma_start3A = arith.constant 0 : i32
      %dma_start3A_14 = arith.constant 0 : i32
      %dma_start3A_15 = tpu.memref_slice %arg8[%add3A_13, %dma_start3A_14] : memref<80x128xi32, #tpu.memory_space<vmem>> -> memref<1x128xi32, #tpu.memory_space<vmem>>
      %dma_start3A_16 = tpu.memref_squeeze %dma_start3A_15 : memref<1x128xi32, #tpu.memory_space<vmem>> -> memref<128xi32, #tpu.memory_space<vmem>>
      %dma_start3A_17 = arith.constant 0 : i32
      %dma_start3A_18 = arith.constant 0 : i32
      %dma_start3A_19 = tpu.memref_slice %arg6[%dma_start3A_17, %dma_start3A_18] : memref<10240x128xf32, #tpu.memory_space<vmem_shared>> -> memref<10240x128xf32, #tpu.memory_space<vmem_shared>>
      %dma_start3A_20 = tpu.memref_slice %arg9[%dma_start3A] : memref<2x!tpu.dma_semaphore, #tpu.memory_space<semaphore_mem>> -> memref<1x!tpu.dma_semaphore, #tpu.memory_space<semaphore_mem>>
      %dma_start3A_21 = tpu.memref_squeeze %dma_start3A_20 : memref<1x!tpu.dma_semaphore, #tpu.memory_space<semaphore_mem>> -> memref<!tpu.dma_semaphore, #tpu.memory_space<semaphore_mem>>
      tpu.enqueue_indirect_dma source(%arg7 : memref<128x128xf32, #tpu.memory_space<vmem>>) target(%dma_start3A_19 : memref<10240x128xf32, #tpu.memory_space<vmem_shared>>) offsets(%dma_start3A_16 : memref<128xi32, #tpu.memory_space<vmem>>) semaphore(%dma_start3A_21 : memref<!tpu.dma_semaphore, #tpu.memory_space<semaphore_mem>>) {add = true}
      %mul3A_22 = arith.constant 2 : i32
      %mul3A_23 = arith.muli %scan3A_9, %mul3A_22 : i32
      %add3A_24 = arith.constant 1 : i32
      %add3A_25 = arith.addi %mul3A_23, %add3A_24 : i32
      %dma_start3A_26 = arith.constant 1 : i32
      %dma_start3A_27 = arith.constant 0 : i32
      %dma_start3A_28 = tpu.memref_slice %arg8[%add3A_25, %dma_start3A_27] : memref<80x128xi32, #tpu.memory_space<vmem>> -> memref<1x128xi32, #tpu.memory_space<vmem>>
      %dma_start3A_29 = tpu.memref_squeeze %dma_start3A_28 : memref<1x128xi32, #tpu.memory_space<vmem>> -> memref<128xi32, #tpu.memory_space<vmem>>
      %dma_start3A_30 = arith.constant 0 : i32
      %dma_start3A_31 = arith.constant 0 : i32
      %dma_start3A_32 = tpu.memref_slice %arg6[%dma_start3A_30, %dma_start3A_31] : memref<10240x128xf32, #tpu.memory_space<vmem_shared>> -> memref<10240x128xf32, #tpu.memory_space<vmem_shared>>
      %dma_start3A_33 = tpu.memref_slice %arg9[%dma_start3A_26] : memref<2x!tpu.dma_semaphore, #tpu.memory_space<semaphore_mem>> -> memref<1x!tpu.dma_semaphore, #tpu.memory_space<semaphore_mem>>
      %dma_start3A_34 = tpu.memref_squeeze %dma_start3A_33 : memref<1x!tpu.dma_semaphore, #tpu.memory_space<semaphore_mem>> -> memref<!tpu.dma_semaphore, #tpu.memory_space<semaphore_mem>>
      tpu.enqueue_indirect_dma source(%arg7 : memref<128x128xf32, #tpu.memory_space<vmem>>) target(%dma_start3A_32 : memref<10240x128xf32, #tpu.memory_space<vmem_shared>>) offsets(%dma_start3A_29 : memref<128xi32, #tpu.memory_space<vmem>>) semaphore(%dma_start3A_34 : memref<!tpu.dma_semaphore, #tpu.memory_space<semaphore_mem>>) {add = true}
      %dma_wait3A = arith.constant 0 : i32
      %dma_wait3A_35 = arith.constant 0 : i32
      %dma_wait3A_36 = tpu.memref_slice %arg8[%add3A_13, %dma_wait3A_35] : memref<80x128xi32, #tpu.memory_space<vmem>> -> memref<1x128xi32, #tpu.memory_space<vmem>>
      %dma_wait3A_37 = tpu.memref_squeeze %dma_wait3A_36 : memref<1x128xi32, #tpu.memory_space<vmem>> -> memref<128xi32, #tpu.memory_space<vmem>>
      %dma_wait3A_38 = arith.constant 0 : i32
      %dma_wait3A_39 = arith.constant 0 : i32
      %dma_wait3A_40 = tpu.memref_slice %arg6[%dma_wait3A_38, %dma_wait3A_39] : memref<10240x128xf32, #tpu.memory_space<vmem_shared>> -> memref<10240x128xf32, #tpu.memory_space<vmem_shared>>
      %dma_wait3A_41 = tpu.memref_slice %arg9[%dma_wait3A] : memref<2x!tpu.dma_semaphore, #tpu.memory_space<semaphore_mem>> -> memref<1x!tpu.dma_semaphore, #tpu.memory_space<semaphore_mem>>
      %dma_wait3A_42 = tpu.memref_squeeze %dma_wait3A_41 : memref<1x!tpu.dma_semaphore, #tpu.memory_space<semaphore_mem>> -> memref<!tpu.dma_semaphore, #tpu.memory_space<semaphore_mem>>
      tpu.wait_indirect_dma semaphore(%dma_wait3A_42 : memref<!tpu.dma_semaphore, #tpu.memory_space<semaphore_mem>>) src(%arg7 : memref<128x128xf32, #tpu.memory_space<vmem>>) dst(%dma_wait3A_40 : memref<10240x128xf32, #tpu.memory_space<vmem_shared>>)
      %dma_wait3A_43 = arith.constant 1 : i32
      %dma_wait3A_44 = arith.constant 0 : i32
      %dma_wait3A_45 = tpu.memref_slice %arg8[%add3A_25, %dma_wait3A_44] : memref<80x128xi32, #tpu.memory_space<vmem>> -> memref<1x128xi32, #tpu.memory_space<vmem>>
      %dma_wait3A_46 = tpu.memref_squeeze %dma_wait3A_45 : memref<1x128xi32, #tpu.memory_space<vmem>> -> memref<128xi32, #tpu.memory_space<vmem>>
      %dma_wait3A_47 = arith.constant 0 : i32
      %dma_wait3A_48 = arith.constant 0 : i32
      %dma_wait3A_49 = tpu.memref_slice %arg6[%dma_wait3A_47, %dma_wait3A_48] : memref<10240x128xf32, #tpu.memory_space<vmem_shared>> -> memref<10240x128xf32, #tpu.memory_space<vmem_shared>>
      %dma_wait3A_50 = tpu.memref_slice %arg9[%dma_wait3A_43] : memref<2x!tpu.dma_semaphore, #tpu.memory_space<semaphore_mem>> -> memref<1x!tpu.dma_semaphore, #tpu.memory_space<semaphore_mem>>
      %dma_wait3A_51 = tpu.memref_squeeze %dma_wait3A_50 : memref<1x!tpu.dma_semaphore, #tpu.memory_space<semaphore_mem>> -> memref<!tpu.dma_semaphore, #tpu.memory_space<semaphore_mem>>
      tpu.wait_indirect_dma semaphore(%dma_wait3A_51 : memref<!tpu.dma_semaphore, #tpu.memory_space<semaphore_mem>>) src(%arg7 : memref<128x128xf32, #tpu.memory_space<vmem>>) dst(%dma_wait3A_49 : memref<10240x128xf32, #tpu.memory_space<vmem_shared>>)
    }
    %scan3A_7 = arith.constant 40 : i32
    %barrier3A_8 = arith.constant 0 : index
    tpu.barrier barrier_id(%barrier3A_8)
    "tpu.region"() ({
      %run_scoped3A = tpu.sem_alloc : memref<!tpu.dma_semaphore, #tpu.memory_space<semaphore_mem>>
      %dma_start3A = arith.constant 0 : i32
      %dma_start3A_9 = tpu.memref_slice %arg5[%arg0, %mul3A_2, %dma_start3A] : memref<2x10240x128xf32, #tpu.memory_space<hbm>> -> memref<1x640x128xf32, #tpu.memory_space<hbm>>
      %dma_start3A_10 = tpu.memref_squeeze %dma_start3A_9 : memref<1x640x128xf32, #tpu.memory_space<hbm>> -> memref<640x128xf32, #tpu.memory_space<hbm>>
      %dma_start3A_11 = arith.constant 0 : i32
      %dma_start3A_12 = tpu.memref_slice %arg6[%mul3A_2, %dma_start3A_11] : memref<10240x128xf32, #tpu.memory_space<vmem_shared>> -> memref<640x128xf32, #tpu.memory_space<vmem_shared>>
      tpu.enqueue_dma source(%dma_start3A_12 : memref<640x128xf32, #tpu.memory_space<vmem_shared>>) target(%dma_start3A_10 : memref<640x128xf32, #tpu.memory_space<hbm>>) target_semaphore(%run_scoped3A : memref<!tpu.dma_semaphore, #tpu.memory_space<semaphore_mem>>)
      %dma_wait3A = arith.constant 0 : i32
      %dma_wait3A_13 = tpu.memref_slice %arg5[%arg0, %mul3A_2, %dma_wait3A] : memref<2x10240x128xf32, #tpu.memory_space<hbm>> -> memref<1x640x128xf32, #tpu.memory_space<hbm>>
      %dma_wait3A_14 = tpu.memref_squeeze %dma_wait3A_13 : memref<1x640x128xf32, #tpu.memory_space<hbm>> -> memref<640x128xf32, #tpu.memory_space<hbm>>
      %dma_wait3A_15 = arith.constant 0 : i32
      %dma_wait3A_16 = tpu.memref_slice %arg6[%mul3A_2, %dma_wait3A_15] : memref<10240x128xf32, #tpu.memory_space<vmem_shared>> -> memref<640x128xf32, #tpu.memory_space<vmem_shared>>
      tpu.wait_dma2 semaphore(%run_scoped3A : memref<!tpu.dma_semaphore, #tpu.memory_space<semaphore_mem>>) src(%dma_wait3A_16 : memref<640x128xf32, #tpu.memory_space<vmem_shared>>) dst(%dma_wait3A_14 : memref<640x128xf32, #tpu.memory_space<hbm>>)
      tpu.yield
    }) : () -> ()
    return
  }
}

#map = affine_map<(d0, d1) -> (0, 0)>
#map1 = affine_map<(d0, d1) -> (0, 0, 0)>
module attributes {stable_mosaic.version = 14 : i64} {
  func.func @_sc_segsum_body(%arg0: i32, %arg1: i32, %arg2: memref<10240x128xf32, #tpu.memory_space<hbm>>, %arg3: memref<2560x128xi32, #tpu.memory_space<hbm>>, %arg4: memref<32x80x128xi32, #tpu.memory_space<hbm>>, %arg5: memref<640x128xf32, #tpu.memory_space<hbm>>, %arg6: memref<2x10240x128xf32, #tpu.memory_space<hbm>>, %arg7: memref<10240x128xf32, #tpu.memory_space<vmem_shared>>, %arg8: memref<2x128x128xf32, #tpu.memory_space<vmem>>, %arg9: memref<2x128xi32, #tpu.memory_space<vmem>>, %arg10: memref<80x128xi32, #tpu.memory_space<vmem>>, %arg11: memref<2x!tpu.dma_semaphore, #tpu.memory_space<semaphore_mem>>, %arg12: memref<2x!tpu.dma_semaphore, #tpu.memory_space<semaphore_mem>>, %arg13: memref<2x!tpu.dma_semaphore, #tpu.memory_space<semaphore_mem>>) attributes {dimension_semantics = [#tpu.dimension_semantics<core_parallel>, #tpu.dimension_semantics<subcore_parallel>], iteration_bounds = array<i64: 2, 16>, scalar_prefetch = 0 : i64, scratch_operands = 7 : i64, tpu.core_type = #tpu.core_type<sc_vector_subcore>, window_params = [{transform_indices = #map}, {transform_indices = #map}, {transform_indices = #map1}, {transform_indices = #map}, {transform_indices = #map1}]} {
    %mul3A = arith.constant 2 : i32
    %mul3A_0 = arith.muli %arg1, %mul3A : i32
    %add3A = arith.addi %mul3A_0, %arg0 : i32
    %mul3A_1 = arith.constant 640 : i32
    %mul3A_2 = arith.muli %arg1, %mul3A_1 : i32
    "tpu.region"() ({
      %run_scoped3A = tpu.sem_alloc : memref<!tpu.dma_semaphore, #tpu.memory_space<semaphore_mem>>
      %dma_start3A_77 = arith.constant 0 : i32
      %dma_start3A_78 = tpu.memref_slice %arg7[%mul3A_2, %dma_start3A_77] : memref<10240x128xf32, #tpu.memory_space<vmem_shared>> -> memref<640x128xf32, #tpu.memory_space<vmem_shared>>
      tpu.enqueue_dma source(%arg5 : memref<640x128xf32, #tpu.memory_space<hbm>>) target(%dma_start3A_78 : memref<640x128xf32, #tpu.memory_space<vmem_shared>>) target_semaphore(%run_scoped3A : memref<!tpu.dma_semaphore, #tpu.memory_space<semaphore_mem>>)
      %dma_wait3A_79 = arith.constant 0 : i32
      %dma_wait3A_80 = tpu.memref_slice %arg7[%mul3A_2, %dma_wait3A_79] : memref<10240x128xf32, #tpu.memory_space<vmem_shared>> -> memref<640x128xf32, #tpu.memory_space<vmem_shared>>
      tpu.wait_dma2 semaphore(%run_scoped3A : memref<!tpu.dma_semaphore, #tpu.memory_space<semaphore_mem>>) src(%arg5 : memref<640x128xf32, #tpu.memory_space<hbm>>) dst(%dma_wait3A_80 : memref<640x128xf32, #tpu.memory_space<vmem_shared>>)
      tpu.yield
    }) : () -> ()
    "tpu.region"() ({
      %run_scoped3A = tpu.sem_alloc : memref<!tpu.dma_semaphore, #tpu.memory_space<semaphore_mem>>
      %dma_start3A_77 = arith.constant 0 : i32
      %dma_start3A_78 = arith.constant 0 : i32
      %dma_start3A_79 = tpu.memref_slice %arg4[%add3A, %dma_start3A_77, %dma_start3A_78] : memref<32x80x128xi32, #tpu.memory_space<hbm>> -> memref<1x80x128xi32, #tpu.memory_space<hbm>>
      %dma_start3A_80 = tpu.memref_squeeze %dma_start3A_79 : memref<1x80x128xi32, #tpu.memory_space<hbm>> -> memref<80x128xi32, #tpu.memory_space<hbm>>
      %dma_start3A_81 = arith.constant 0 : i32
      %dma_start3A_82 = arith.constant 0 : i32
      %dma_start3A_83 = tpu.memref_slice %arg4[%add3A, %dma_start3A_81, %dma_start3A_82] : memref<32x80x128xi32, #tpu.memory_space<hbm>> -> memref<1x80x128xi32, #tpu.memory_space<hbm>>
      %dma_start3A_84 = tpu.memref_squeeze %dma_start3A_83 : memref<1x80x128xi32, #tpu.memory_space<hbm>> -> memref<80x128xi32, #tpu.memory_space<hbm>>
      tpu.enqueue_dma source(%dma_start3A_84 : memref<80x128xi32, #tpu.memory_space<hbm>>) target(%arg10 : memref<80x128xi32, #tpu.memory_space<vmem>>) target_semaphore(%run_scoped3A : memref<!tpu.dma_semaphore, #tpu.memory_space<semaphore_mem>>)
      %dma_wait3A_85 = arith.constant 0 : i32
      %dma_wait3A_86 = arith.constant 0 : i32
      %dma_wait3A_87 = tpu.memref_slice %arg4[%add3A, %dma_wait3A_85, %dma_wait3A_86] : memref<32x80x128xi32, #tpu.memory_space<hbm>> -> memref<1x80x128xi32, #tpu.memory_space<hbm>>
      %dma_wait3A_88 = tpu.memref_squeeze %dma_wait3A_87 : memref<1x80x128xi32, #tpu.memory_space<hbm>> -> memref<80x128xi32, #tpu.memory_space<hbm>>
      %dma_wait3A_89 = arith.constant 0 : i32
      %dma_wait3A_90 = arith.constant 0 : i32
      %dma_wait3A_91 = tpu.memref_slice %arg4[%add3A, %dma_wait3A_89, %dma_wait3A_90] : memref<32x80x128xi32, #tpu.memory_space<hbm>> -> memref<1x80x128xi32, #tpu.memory_space<hbm>>
      %dma_wait3A_92 = tpu.memref_squeeze %dma_wait3A_91 : memref<1x80x128xi32, #tpu.memory_space<hbm>> -> memref<80x128xi32, #tpu.memory_space<hbm>>
      tpu.wait_dma2 semaphore(%run_scoped3A : memref<!tpu.dma_semaphore, #tpu.memory_space<semaphore_mem>>) src(%dma_wait3A_92 : memref<80x128xi32, #tpu.memory_space<hbm>>) dst(%arg10 : memref<80x128xi32, #tpu.memory_space<vmem>>)
      tpu.yield
    }) : () -> ()
    %mul3A_3 = arith.constant 80 : i32
    %mul3A_4 = arith.muli %add3A, %mul3A_3 : i32
    %add3A_5 = arith.constant 0 : i32
    %add3A_6 = arith.addi %mul3A_4, %add3A_5 : i32
    %dma_start3A = arith.constant 0 : i32
    %dma_start3A_7 = arith.constant 0 : i32
    %dma_start3A_8 = arith.constant 0 : i32
    %dma_start3A_9 = tpu.memref_slice %arg9[%dma_start3A, %dma_start3A_8] : memref<2x128xi32, #tpu.memory_space<vmem>> -> memref<1x128xi32, #tpu.memory_space<vmem>>
    %dma_start3A_10 = tpu.memref_squeeze %dma_start3A_9 : memref<1x128xi32, #tpu.memory_space<vmem>> -> memref<128xi32, #tpu.memory_space<vmem>>
    %dma_start3A_11 = arith.constant 0 : i32
    %dma_start3A_12 = tpu.memref_slice %arg3[%add3A_6, %dma_start3A_11] : memref<2560x128xi32, #tpu.memory_space<hbm>> -> memref<1x128xi32, #tpu.memory_space<hbm>>
    %dma_start3A_13 = tpu.memref_squeeze %dma_start3A_12 : memref<1x128xi32, #tpu.memory_space<hbm>> -> memref<128xi32, #tpu.memory_space<hbm>>
    %dma_start3A_14 = tpu.memref_slice %arg11[%dma_start3A_7] : memref<2x!tpu.dma_semaphore, #tpu.memory_space<semaphore_mem>> -> memref<1x!tpu.dma_semaphore, #tpu.memory_space<semaphore_mem>>
    %dma_start3A_15 = tpu.memref_squeeze %dma_start3A_14 : memref<1x!tpu.dma_semaphore, #tpu.memory_space<semaphore_mem>> -> memref<!tpu.dma_semaphore, #tpu.memory_space<semaphore_mem>>
    %dma_start3A_16 = arith.constant 0 : i32
    %dma_start3A_17 = tpu.memref_slice %arg9[%dma_start3A, %dma_start3A_16] : memref<2x128xi32, #tpu.memory_space<vmem>> -> memref<1x128xi32, #tpu.memory_space<vmem>>
    %dma_start3A_18 = tpu.memref_squeeze %dma_start3A_17 : memref<1x128xi32, #tpu.memory_space<vmem>> -> memref<128xi32, #tpu.memory_space<vmem>>
    %dma_start3A_19 = arith.constant 0 : i32
    %dma_start3A_20 = tpu.memref_slice %arg3[%add3A_6, %dma_start3A_19] : memref<2560x128xi32, #tpu.memory_space<hbm>> -> memref<1x128xi32, #tpu.memory_space<hbm>>
    %dma_start3A_21 = tpu.memref_squeeze %dma_start3A_20 : memref<1x128xi32, #tpu.memory_space<hbm>> -> memref<128xi32, #tpu.memory_space<hbm>>
    tpu.enqueue_dma source(%dma_start3A_21 : memref<128xi32, #tpu.memory_space<hbm>>) target(%dma_start3A_18 : memref<128xi32, #tpu.memory_space<vmem>>) target_semaphore(%dma_start3A_15 : memref<!tpu.dma_semaphore, #tpu.memory_space<semaphore_mem>>)
    %add3A_22 = arith.constant 1 : i32
    %add3A_23 = arith.addi %mul3A_4, %add3A_22 : i32
    %dma_start3A_24 = arith.constant 1 : i32
    %dma_start3A_25 = arith.constant 1 : i32
    %dma_start3A_26 = arith.constant 0 : i32
    %dma_start3A_27 = tpu.memref_slice %arg9[%dma_start3A_24, %dma_start3A_26] : memref<2x128xi32, #tpu.memory_space<vmem>> -> memref<1x128xi32, #tpu.memory_space<vmem>>
    %dma_start3A_28 = tpu.memref_squeeze %dma_start3A_27 : memref<1x128xi32, #tpu.memory_space<vmem>> -> memref<128xi32, #tpu.memory_space<vmem>>
    %dma_start3A_29 = arith.constant 0 : i32
    %dma_start3A_30 = tpu.memref_slice %arg3[%add3A_23, %dma_start3A_29] : memref<2560x128xi32, #tpu.memory_space<hbm>> -> memref<1x128xi32, #tpu.memory_space<hbm>>
    %dma_start3A_31 = tpu.memref_squeeze %dma_start3A_30 : memref<1x128xi32, #tpu.memory_space<hbm>> -> memref<128xi32, #tpu.memory_space<hbm>>
    %dma_start3A_32 = tpu.memref_slice %arg11[%dma_start3A_25] : memref<2x!tpu.dma_semaphore, #tpu.memory_space<semaphore_mem>> -> memref<1x!tpu.dma_semaphore, #tpu.memory_space<semaphore_mem>>
    %dma_start3A_33 = tpu.memref_squeeze %dma_start3A_32 : memref<1x!tpu.dma_semaphore, #tpu.memory_space<semaphore_mem>> -> memref<!tpu.dma_semaphore, #tpu.memory_space<semaphore_mem>>
    %dma_start3A_34 = arith.constant 0 : i32
    %dma_start3A_35 = tpu.memref_slice %arg9[%dma_start3A_24, %dma_start3A_34] : memref<2x128xi32, #tpu.memory_space<vmem>> -> memref<1x128xi32, #tpu.memory_space<vmem>>
    %dma_start3A_36 = tpu.memref_squeeze %dma_start3A_35 : memref<1x128xi32, #tpu.memory_space<vmem>> -> memref<128xi32, #tpu.memory_space<vmem>>
    %dma_start3A_37 = arith.constant 0 : i32
    %dma_start3A_38 = tpu.memref_slice %arg3[%add3A_23, %dma_start3A_37] : memref<2560x128xi32, #tpu.memory_space<hbm>> -> memref<1x128xi32, #tpu.memory_space<hbm>>
    %dma_start3A_39 = tpu.memref_squeeze %dma_start3A_38 : memref<1x128xi32, #tpu.memory_space<hbm>> -> memref<128xi32, #tpu.memory_space<hbm>>
    tpu.enqueue_dma source(%dma_start3A_39 : memref<128xi32, #tpu.memory_space<hbm>>) target(%dma_start3A_36 : memref<128xi32, #tpu.memory_space<vmem>>) target_semaphore(%dma_start3A_33 : memref<!tpu.dma_semaphore, #tpu.memory_space<semaphore_mem>>)
    %barrier3A = arith.constant 0 : index
    tpu.barrier barrier_id(%barrier3A)
    %scan3A = arith.constant 0 : i32
    %scan3A_40 = arith.constant 0 : i32
    %scan3A_41 = arith.constant 40 : i32
    %scan3A_42 = arith.addi %scan3A_40, %scan3A_41 : i32
    %scan3A_43 = arith.constant 1 : i32
    scf.for %scan3A_77 = %scan3A_40 to %scan3A_42 step %scan3A_43  : i32 {
      %mul3A_78 = arith.constant 2 : i32
      %mul3A_79 = arith.muli %scan3A_77, %mul3A_78 : i32
      %add3A_80 = arith.constant 0 : i32
      %add3A_81 = arith.addi %mul3A_79, %add3A_80 : i32
      %dma_wait3A_82 = arith.constant 0 : i32
      %dma_wait3A_83 = arith.constant 0 : i32
      %dma_wait3A_84 = arith.constant 0 : i32
      %dma_wait3A_85 = tpu.memref_slice %arg9[%dma_wait3A_82, %dma_wait3A_84] : memref<2x128xi32, #tpu.memory_space<vmem>> -> memref<1x128xi32, #tpu.memory_space<vmem>>
      %dma_wait3A_86 = tpu.memref_squeeze %dma_wait3A_85 : memref<1x128xi32, #tpu.memory_space<vmem>> -> memref<128xi32, #tpu.memory_space<vmem>>
      %dma_wait3A_87 = arith.constant 0 : i32
      %dma_wait3A_88 = tpu.memref_slice %arg3[%mul3A_4, %dma_wait3A_87] : memref<2560x128xi32, #tpu.memory_space<hbm>> -> memref<1x128xi32, #tpu.memory_space<hbm>>
      %dma_wait3A_89 = tpu.memref_squeeze %dma_wait3A_88 : memref<1x128xi32, #tpu.memory_space<hbm>> -> memref<128xi32, #tpu.memory_space<hbm>>
      %dma_wait3A_90 = tpu.memref_slice %arg11[%dma_wait3A_83] : memref<2x!tpu.dma_semaphore, #tpu.memory_space<semaphore_mem>> -> memref<1x!tpu.dma_semaphore, #tpu.memory_space<semaphore_mem>>
      %dma_wait3A_91 = tpu.memref_squeeze %dma_wait3A_90 : memref<1x!tpu.dma_semaphore, #tpu.memory_space<semaphore_mem>> -> memref<!tpu.dma_semaphore, #tpu.memory_space<semaphore_mem>>
      %dma_wait3A_92 = arith.constant 0 : i32
      %dma_wait3A_93 = tpu.memref_slice %arg9[%dma_wait3A_82, %dma_wait3A_92] : memref<2x128xi32, #tpu.memory_space<vmem>> -> memref<1x128xi32, #tpu.memory_space<vmem>>
      %dma_wait3A_94 = tpu.memref_squeeze %dma_wait3A_93 : memref<1x128xi32, #tpu.memory_space<vmem>> -> memref<128xi32, #tpu.memory_space<vmem>>
      %dma_wait3A_95 = arith.constant 0 : i32
      %dma_wait3A_96 = tpu.memref_slice %arg3[%mul3A_4, %dma_wait3A_95] : memref<2560x128xi32, #tpu.memory_space<hbm>> -> memref<1x128xi32, #tpu.memory_space<hbm>>
      %dma_wait3A_97 = tpu.memref_squeeze %dma_wait3A_96 : memref<1x128xi32, #tpu.memory_space<hbm>> -> memref<128xi32, #tpu.memory_space<hbm>>
      tpu.wait_dma2 semaphore(%dma_wait3A_91 : memref<!tpu.dma_semaphore, #tpu.memory_space<semaphore_mem>>) src(%dma_wait3A_97 : memref<128xi32, #tpu.memory_space<hbm>>) dst(%dma_wait3A_94 : memref<128xi32, #tpu.memory_space<vmem>>)
      %dma_start3A_98 = arith.constant 0 : i32
      %dma_start3A_99 = arith.constant 0 : i32
      %dma_start3A_100 = arith.constant 0 : i32
      %dma_start3A_101 = arith.constant 0 : i32
      %dma_start3A_102 = arith.constant 0 : i32
      %dma_start3A_103 = tpu.memref_slice %arg8[%dma_start3A_99, %dma_start3A_101, %dma_start3A_102] : memref<2x128x128xf32, #tpu.memory_space<vmem>> -> memref<1x128x128xf32, #tpu.memory_space<vmem>>
      %dma_start3A_104 = tpu.memref_squeeze %dma_start3A_103 : memref<1x128x128xf32, #tpu.memory_space<vmem>> -> memref<128x128xf32, #tpu.memory_space<vmem>>
      %dma_start3A_105 = arith.constant 0 : i32
      %dma_start3A_106 = tpu.memref_slice %arg9[%dma_start3A_98, %dma_start3A_105] : memref<2x128xi32, #tpu.memory_space<vmem>> -> memref<1x128xi32, #tpu.memory_space<vmem>>
      %dma_start3A_107 = tpu.memref_squeeze %dma_start3A_106 : memref<1x128xi32, #tpu.memory_space<vmem>> -> memref<128xi32, #tpu.memory_space<vmem>>
      %dma_start3A_108 = arith.constant 0 : i32
      %dma_start3A_109 = arith.constant 0 : i32
      %dma_start3A_110 = tpu.memref_slice %arg2[%dma_start3A_108, %dma_start3A_109] : memref<10240x128xf32, #tpu.memory_space<hbm>> -> memref<10240x128xf32, #tpu.memory_space<hbm>>
      %dma_start3A_111 = tpu.memref_slice %arg12[%dma_start3A_100] : memref<2x!tpu.dma_semaphore, #tpu.memory_space<semaphore_mem>> -> memref<1x!tpu.dma_semaphore, #tpu.memory_space<semaphore_mem>>
      %dma_start3A_112 = tpu.memref_squeeze %dma_start3A_111 : memref<1x!tpu.dma_semaphore, #tpu.memory_space<semaphore_mem>> -> memref<!tpu.dma_semaphore, #tpu.memory_space<semaphore_mem>>
      tpu.enqueue_indirect_dma source(%dma_start3A_110 : memref<10240x128xf32, #tpu.memory_space<hbm>>) target(%dma_start3A_104 : memref<128x128xf32, #tpu.memory_space<vmem>>) offsets(%dma_start3A_107 : memref<128xi32, #tpu.memory_space<vmem>>) semaphore(%dma_start3A_112 : memref<!tpu.dma_semaphore, #tpu.memory_space<semaphore_mem>>)
      %mul3A_113 = arith.constant 2 : i32
      %mul3A_114 = arith.muli %scan3A_77, %mul3A_113 : i32
      %add3A_115 = arith.constant 1 : i32
      %add3A_116 = arith.addi %mul3A_114, %add3A_115 : i32
      %dma_wait3A_117 = arith.constant 1 : i32
      %dma_wait3A_118 = arith.constant 1 : i32
      %dma_wait3A_119 = arith.constant 0 : i32
      %dma_wait3A_120 = tpu.memref_slice %arg9[%dma_wait3A_117, %dma_wait3A_119] : memref<2x128xi32, #tpu.memory_space<vmem>> -> memref<1x128xi32, #tpu.memory_space<vmem>>
      %dma_wait3A_121 = tpu.memref_squeeze %dma_wait3A_120 : memref<1x128xi32, #tpu.memory_space<vmem>> -> memref<128xi32, #tpu.memory_space<vmem>>
      %dma_wait3A_122 = arith.constant 0 : i32
      %dma_wait3A_123 = tpu.memref_slice %arg3[%mul3A_4, %dma_wait3A_122] : memref<2560x128xi32, #tpu.memory_space<hbm>> -> memref<1x128xi32, #tpu.memory_space<hbm>>
      %dma_wait3A_124 = tpu.memref_squeeze %dma_wait3A_123 : memref<1x128xi32, #tpu.memory_space<hbm>> -> memref<128xi32, #tpu.memory_space<hbm>>
      %dma_wait3A_125 = tpu.memref_slice %arg11[%dma_wait3A_118] : memref<2x!tpu.dma_semaphore, #tpu.memory_space<semaphore_mem>> -> memref<1x!tpu.dma_semaphore, #tpu.memory_space<semaphore_mem>>
      %dma_wait3A_126 = tpu.memref_squeeze %dma_wait3A_125 : memref<1x!tpu.dma_semaphore, #tpu.memory_space<semaphore_mem>> -> memref<!tpu.dma_semaphore, #tpu.memory_space<semaphore_mem>>
      %dma_wait3A_127 = arith.constant 0 : i32
      %dma_wait3A_128 = tpu.memref_slice %arg9[%dma_wait3A_117, %dma_wait3A_127] : memref<2x128xi32, #tpu.memory_space<vmem>> -> memref<1x128xi32, #tpu.memory_space<vmem>>
      %dma_wait3A_129 = tpu.memref_squeeze %dma_wait3A_128 : memref<1x128xi32, #tpu.memory_space<vmem>> -> memref<128xi32, #tpu.memory_space<vmem>>
      %dma_wait3A_130 = arith.constant 0 : i32
      %dma_wait3A_131 = tpu.memref_slice %arg3[%mul3A_4, %dma_wait3A_130] : memref<2560x128xi32, #tpu.memory_space<hbm>> -> memref<1x128xi32, #tpu.memory_space<hbm>>
      %dma_wait3A_132 = tpu.memref_squeeze %dma_wait3A_131 : memref<1x128xi32, #tpu.memory_space<hbm>> -> memref<128xi32, #tpu.memory_space<hbm>>
      tpu.wait_dma2 semaphore(%dma_wait3A_126 : memref<!tpu.dma_semaphore, #tpu.memory_space<semaphore_mem>>) src(%dma_wait3A_132 : memref<128xi32, #tpu.memory_space<hbm>>) dst(%dma_wait3A_129 : memref<128xi32, #tpu.memory_space<vmem>>)
      %dma_start3A_133 = arith.constant 1 : i32
      %dma_start3A_134 = arith.constant 1 : i32
      %dma_start3A_135 = arith.constant 1 : i32
      %dma_start3A_136 = arith.constant 0 : i32
      %dma_start3A_137 = arith.constant 0 : i32
      %dma_start3A_138 = tpu.memref_slice %arg8[%dma_start3A_134, %dma_start3A_136, %dma_start3A_137] : memref<2x128x128xf32, #tpu.memory_space<vmem>> -> memref<1x128x128xf32, #tpu.memory_space<vmem>>
      %dma_start3A_139 = tpu.memref_squeeze %dma_start3A_138 : memref<1x128x128xf32, #tpu.memory_space<vmem>> -> memref<128x128xf32, #tpu.memory_space<vmem>>
      %dma_start3A_140 = arith.constant 0 : i32
      %dma_start3A_141 = tpu.memref_slice %arg9[%dma_start3A_133, %dma_start3A_140] : memref<2x128xi32, #tpu.memory_space<vmem>> -> memref<1x128xi32, #tpu.memory_space<vmem>>
      %dma_start3A_142 = tpu.memref_squeeze %dma_start3A_141 : memref<1x128xi32, #tpu.memory_space<vmem>> -> memref<128xi32, #tpu.memory_space<vmem>>
      %dma_start3A_143 = arith.constant 0 : i32
      %dma_start3A_144 = arith.constant 0 : i32
      %dma_start3A_145 = tpu.memref_slice %arg2[%dma_start3A_143, %dma_start3A_144] : memref<10240x128xf32, #tpu.memory_space<hbm>> -> memref<10240x128xf32, #tpu.memory_space<hbm>>
      %dma_start3A_146 = tpu.memref_slice %arg12[%dma_start3A_135] : memref<2x!tpu.dma_semaphore, #tpu.memory_space<semaphore_mem>> -> memref<1x!tpu.dma_semaphore, #tpu.memory_space<semaphore_mem>>
      %dma_start3A_147 = tpu.memref_squeeze %dma_start3A_146 : memref<1x!tpu.dma_semaphore, #tpu.memory_space<semaphore_mem>> -> memref<!tpu.dma_semaphore, #tpu.memory_space<semaphore_mem>>
      tpu.enqueue_indirect_dma source(%dma_start3A_145 : memref<10240x128xf32, #tpu.memory_space<hbm>>) target(%dma_start3A_139 : memref<128x128xf32, #tpu.memory_space<vmem>>) offsets(%dma_start3A_142 : memref<128xi32, #tpu.memory_space<vmem>>) semaphore(%dma_start3A_147 : memref<!tpu.dma_semaphore, #tpu.memory_space<semaphore_mem>>)
      %mul3A_148 = arith.constant 2 : i32
      %mul3A_149 = arith.muli %scan3A_77, %mul3A_148 : i32
      %add3A_150 = arith.constant 0 : i32
      %add3A_151 = arith.addi %mul3A_149, %add3A_150 : i32
      %dma_wait3A_152 = arith.constant 0 : i32
      %dma_wait3A_153 = arith.constant 0 : i32
      %dma_wait3A_154 = arith.constant 0 : i32
      %dma_wait3A_155 = arith.constant 0 : i32
      %dma_wait3A_156 = arith.constant 0 : i32
      %dma_wait3A_157 = tpu.memref_slice %arg8[%dma_wait3A_153, %dma_wait3A_155, %dma_wait3A_156] : memref<2x128x128xf32, #tpu.memory_space<vmem>> -> memref<1x128x128xf32, #tpu.memory_space<vmem>>
      %dma_wait3A_158 = tpu.memref_squeeze %dma_wait3A_157 : memref<1x128x128xf32, #tpu.memory_space<vmem>> -> memref<128x128xf32, #tpu.memory_space<vmem>>
      %dma_wait3A_159 = arith.constant 0 : i32
      %dma_wait3A_160 = tpu.memref_slice %arg9[%dma_wait3A_152, %dma_wait3A_159] : memref<2x128xi32, #tpu.memory_space<vmem>> -> memref<1x128xi32, #tpu.memory_space<vmem>>
      %dma_wait3A_161 = tpu.memref_squeeze %dma_wait3A_160 : memref<1x128xi32, #tpu.memory_space<vmem>> -> memref<128xi32, #tpu.memory_space<vmem>>
      %dma_wait3A_162 = arith.constant 0 : i32
      %dma_wait3A_163 = arith.constant 0 : i32
      %dma_wait3A_164 = tpu.memref_slice %arg2[%dma_wait3A_162, %dma_wait3A_163] : memref<10240x128xf32, #tpu.memory_space<hbm>> -> memref<10240x128xf32, #tpu.memory_space<hbm>>
      %dma_wait3A_165 = tpu.memref_slice %arg12[%dma_wait3A_154] : memref<2x!tpu.dma_semaphore, #tpu.memory_space<semaphore_mem>> -> memref<1x!tpu.dma_semaphore, #tpu.memory_space<semaphore_mem>>
      %dma_wait3A_166 = tpu.memref_squeeze %dma_wait3A_165 : memref<1x!tpu.dma_semaphore, #tpu.memory_space<semaphore_mem>> -> memref<!tpu.dma_semaphore, #tpu.memory_space<semaphore_mem>>
      tpu.wait_indirect_dma semaphore(%dma_wait3A_166 : memref<!tpu.dma_semaphore, #tpu.memory_space<semaphore_mem>>) src(%dma_wait3A_164 : memref<10240x128xf32, #tpu.memory_space<hbm>>) dst(%dma_wait3A_158 : memref<128x128xf32, #tpu.memory_space<vmem>>)
      %add3A_167 = arith.constant 1 : i32
      %add3A_168 = arith.addi %scan3A_77, %add3A_167 : i32
      %lt3A = arith.constant 40 : i32
      %lt3A_169 = arith.cmpi slt, %add3A_168, %lt3A : i32
      %add3A_170 = arith.constant 1 : i32
      %add3A_171 = arith.addi %scan3A_77, %add3A_170 : i32
      %mul3A_172 = arith.constant 2 : i32
      %mul3A_173 = arith.muli %add3A_171, %mul3A_172 : i32
      %add3A_174 = arith.constant 0 : i32
      %add3A_175 = arith.addi %mul3A_173, %add3A_174 : i32
      %jit3A = arith.constant 0 : i32
      %select_n3A = arith.select %lt3A_169, %add3A_175, %jit3A : i32
      %add3A_176 = arith.addi %mul3A_4, %select_n3A : i32
      %dma_start3A_177 = arith.constant 0 : i32
      %dma_start3A_178 = arith.constant 0 : i32
      %dma_start3A_179 = arith.constant 0 : i32
      %dma_start3A_180 = tpu.memref_slice %arg9[%dma_start3A_177, %dma_start3A_179] : memref<2x128xi32, #tpu.memory_space<vmem>> -> memref<1x128xi32, #tpu.memory_space<vmem>>
      %dma_start3A_181 = tpu.memref_squeeze %dma_start3A_180 : memref<1x128xi32, #tpu.memory_space<vmem>> -> memref<128xi32, #tpu.memory_space<vmem>>
      %dma_start3A_182 = arith.constant 0 : i32
      %dma_start3A_183 = tpu.memref_slice %arg3[%add3A_176, %dma_start3A_182] : memref<2560x128xi32, #tpu.memory_space<hbm>> -> memref<1x128xi32, #tpu.memory_space<hbm>>
      %dma_start3A_184 = tpu.memref_squeeze %dma_start3A_183 : memref<1x128xi32, #tpu.memory_space<hbm>> -> memref<128xi32, #tpu.memory_space<hbm>>
      %dma_start3A_185 = tpu.memref_slice %arg11[%dma_start3A_178] : memref<2x!tpu.dma_semaphore, #tpu.memory_space<semaphore_mem>> -> memref<1x!tpu.dma_semaphore, #tpu.memory_space<semaphore_mem>>
      %dma_start3A_186 = tpu.memref_squeeze %dma_start3A_185 : memref<1x!tpu.dma_semaphore, #tpu.memory_space<semaphore_mem>> -> memref<!tpu.dma_semaphore, #tpu.memory_space<semaphore_mem>>
      %dma_start3A_187 = arith.constant 0 : i32
      %dma_start3A_188 = tpu.memref_slice %arg9[%dma_start3A_177, %dma_start3A_187] : memref<2x128xi32, #tpu.memory_space<vmem>> -> memref<1x128xi32, #tpu.memory_space<vmem>>
      %dma_start3A_189 = tpu.memref_squeeze %dma_start3A_188 : memref<1x128xi32, #tpu.memory_space<vmem>> -> memref<128xi32, #tpu.memory_space<vmem>>
      %dma_start3A_190 = arith.constant 0 : i32
      %dma_start3A_191 = tpu.memref_slice %arg3[%add3A_176, %dma_start3A_190] : memref<2560x128xi32, #tpu.memory_space<hbm>> -> memref<1x128xi32, #tpu.memory_space<hbm>>
      %dma_start3A_192 = tpu.memref_squeeze %dma_start3A_191 : memref<1x128xi32, #tpu.memory_space<hbm>> -> memref<128xi32, #tpu.memory_space<hbm>>
      tpu.enqueue_dma source(%dma_start3A_192 : memref<128xi32, #tpu.memory_space<hbm>>) target(%dma_start3A_189 : memref<128xi32, #tpu.memory_space<vmem>>) target_semaphore(%dma_start3A_186 : memref<!tpu.dma_semaphore, #tpu.memory_space<semaphore_mem>>)
      %dma_start3A_193 = arith.constant 0 : i32
      %dma_start3A_194 = arith.constant 0 : i32
      %dma_start3A_195 = arith.constant 0 : i32
      %dma_start3A_196 = arith.constant 0 : i32
      %dma_start3A_197 = tpu.memref_slice %arg8[%dma_start3A_193, %dma_start3A_195, %dma_start3A_196] : memref<2x128x128xf32, #tpu.memory_space<vmem>> -> memref<1x128x128xf32, #tpu.memory_space<vmem>>
      %dma_start3A_198 = tpu.memref_squeeze %dma_start3A_197 : memref<1x128x128xf32, #tpu.memory_space<vmem>> -> memref<128x128xf32, #tpu.memory_space<vmem>>
      %dma_start3A_199 = arith.constant 0 : i32
      %dma_start3A_200 = tpu.memref_slice %arg10[%add3A_151, %dma_start3A_199] : memref<80x128xi32, #tpu.memory_space<vmem>> -> memref<1x128xi32, #tpu.memory_space<vmem>>
      %dma_start3A_201 = tpu.memref_squeeze %dma_start3A_200 : memref<1x128xi32, #tpu.memory_space<vmem>> -> memref<128xi32, #tpu.memory_space<vmem>>
      %dma_start3A_202 = arith.constant 0 : i32
      %dma_start3A_203 = arith.constant 0 : i32
      %dma_start3A_204 = tpu.memref_slice %arg7[%dma_start3A_202, %dma_start3A_203] : memref<10240x128xf32, #tpu.memory_space<vmem_shared>> -> memref<10240x128xf32, #tpu.memory_space<vmem_shared>>
      %dma_start3A_205 = tpu.memref_slice %arg13[%dma_start3A_194] : memref<2x!tpu.dma_semaphore, #tpu.memory_space<semaphore_mem>> -> memref<1x!tpu.dma_semaphore, #tpu.memory_space<semaphore_mem>>
      %dma_start3A_206 = tpu.memref_squeeze %dma_start3A_205 : memref<1x!tpu.dma_semaphore, #tpu.memory_space<semaphore_mem>> -> memref<!tpu.dma_semaphore, #tpu.memory_space<semaphore_mem>>
      tpu.enqueue_indirect_dma source(%dma_start3A_198 : memref<128x128xf32, #tpu.memory_space<vmem>>) target(%dma_start3A_204 : memref<10240x128xf32, #tpu.memory_space<vmem_shared>>) offsets(%dma_start3A_201 : memref<128xi32, #tpu.memory_space<vmem>>) semaphore(%dma_start3A_206 : memref<!tpu.dma_semaphore, #tpu.memory_space<semaphore_mem>>) {add = true}
      %mul3A_207 = arith.constant 2 : i32
      %mul3A_208 = arith.muli %scan3A_77, %mul3A_207 : i32
      %add3A_209 = arith.constant 1 : i32
      %add3A_210 = arith.addi %mul3A_208, %add3A_209 : i32
      %dma_wait3A_211 = arith.constant 1 : i32
      %dma_wait3A_212 = arith.constant 1 : i32
      %dma_wait3A_213 = arith.constant 1 : i32
      %dma_wait3A_214 = arith.constant 0 : i32
      %dma_wait3A_215 = arith.constant 0 : i32
      %dma_wait3A_216 = tpu.memref_slice %arg8[%dma_wait3A_212, %dma_wait3A_214, %dma_wait3A_215] : memref<2x128x128xf32, #tpu.memory_space<vmem>> -> memref<1x128x128xf32, #tpu.memory_space<vmem>>
      %dma_wait3A_217 = tpu.memref_squeeze %dma_wait3A_216 : memref<1x128x128xf32, #tpu.memory_space<vmem>> -> memref<128x128xf32, #tpu.memory_space<vmem>>
      %dma_wait3A_218 = arith.constant 0 : i32
      %dma_wait3A_219 = tpu.memref_slice %arg9[%dma_wait3A_211, %dma_wait3A_218] : memref<2x128xi32, #tpu.memory_space<vmem>> -> memref<1x128xi32, #tpu.memory_space<vmem>>
      %dma_wait3A_220 = tpu.memref_squeeze %dma_wait3A_219 : memref<1x128xi32, #tpu.memory_space<vmem>> -> memref<128xi32, #tpu.memory_space<vmem>>
      %dma_wait3A_221 = arith.constant 0 : i32
      %dma_wait3A_222 = arith.constant 0 : i32
      %dma_wait3A_223 = tpu.memref_slice %arg2[%dma_wait3A_221, %dma_wait3A_222] : memref<10240x128xf32, #tpu.memory_space<hbm>> -> memref<10240x128xf32, #tpu.memory_space<hbm>>
      %dma_wait3A_224 = tpu.memref_slice %arg12[%dma_wait3A_213] : memref<2x!tpu.dma_semaphore, #tpu.memory_space<semaphore_mem>> -> memref<1x!tpu.dma_semaphore, #tpu.memory_space<semaphore_mem>>
      %dma_wait3A_225 = tpu.memref_squeeze %dma_wait3A_224 : memref<1x!tpu.dma_semaphore, #tpu.memory_space<semaphore_mem>> -> memref<!tpu.dma_semaphore, #tpu.memory_space<semaphore_mem>>
      tpu.wait_indirect_dma semaphore(%dma_wait3A_225 : memref<!tpu.dma_semaphore, #tpu.memory_space<semaphore_mem>>) src(%dma_wait3A_223 : memref<10240x128xf32, #tpu.memory_space<hbm>>) dst(%dma_wait3A_217 : memref<128x128xf32, #tpu.memory_space<vmem>>)
      %add3A_226 = arith.constant 1 : i32
      %add3A_227 = arith.addi %scan3A_77, %add3A_226 : i32
      %lt3A_228 = arith.constant 40 : i32
      %lt3A_229 = arith.cmpi slt, %add3A_227, %lt3A_228 : i32
      %add3A_230 = arith.constant 1 : i32
      %add3A_231 = arith.addi %scan3A_77, %add3A_230 : i32
      %mul3A_232 = arith.constant 2 : i32
      %mul3A_233 = arith.muli %add3A_231, %mul3A_232 : i32
      %add3A_234 = arith.constant 1 : i32
      %add3A_235 = arith.addi %mul3A_233, %add3A_234 : i32
      %jit3A_236 = arith.constant 1 : i32
      %select_n3A_237 = arith.select %lt3A_229, %add3A_235, %jit3A_236 : i32
      %add3A_238 = arith.addi %mul3A_4, %select_n3A_237 : i32
      %dma_start3A_239 = arith.constant 1 : i32
      %dma_start3A_240 = arith.constant 1 : i32
      %dma_start3A_241 = arith.constant 0 : i32
      %dma_start3A_242 = tpu.memref_slice %arg9[%dma_start3A_239, %dma_start3A_241] : memref<2x128xi32, #tpu.memory_space<vmem>> -> memref<1x128xi32, #tpu.memory_space<vmem>>
      %dma_start3A_243 = tpu.memref_squeeze %dma_start3A_242 : memref<1x128xi32, #tpu.memory_space<vmem>> -> memref<128xi32, #tpu.memory_space<vmem>>
      %dma_start3A_244 = arith.constant 0 : i32
      %dma_start3A_245 = tpu.memref_slice %arg3[%add3A_238, %dma_start3A_244] : memref<2560x128xi32, #tpu.memory_space<hbm>> -> memref<1x128xi32, #tpu.memory_space<hbm>>
      %dma_start3A_246 = tpu.memref_squeeze %dma_start3A_245 : memref<1x128xi32, #tpu.memory_space<hbm>> -> memref<128xi32, #tpu.memory_space<hbm>>
      %dma_start3A_247 = tpu.memref_slice %arg11[%dma_start3A_240] : memref<2x!tpu.dma_semaphore, #tpu.memory_space<semaphore_mem>> -> memref<1x!tpu.dma_semaphore, #tpu.memory_space<semaphore_mem>>
      %dma_start3A_248 = tpu.memref_squeeze %dma_start3A_247 : memref<1x!tpu.dma_semaphore, #tpu.memory_space<semaphore_mem>> -> memref<!tpu.dma_semaphore, #tpu.memory_space<semaphore_mem>>
      %dma_start3A_249 = arith.constant 0 : i32
      %dma_start3A_250 = tpu.memref_slice %arg9[%dma_start3A_239, %dma_start3A_249] : memref<2x128xi32, #tpu.memory_space<vmem>> -> memref<1x128xi32, #tpu.memory_space<vmem>>
      %dma_start3A_251 = tpu.memref_squeeze %dma_start3A_250 : memref<1x128xi32, #tpu.memory_space<vmem>> -> memref<128xi32, #tpu.memory_space<vmem>>
      %dma_start3A_252 = arith.constant 0 : i32
      %dma_start3A_253 = tpu.memref_slice %arg3[%add3A_238, %dma_start3A_252] : memref<2560x128xi32, #tpu.memory_space<hbm>> -> memref<1x128xi32, #tpu.memory_space<hbm>>
      %dma_start3A_254 = tpu.memref_squeeze %dma_start3A_253 : memref<1x128xi32, #tpu.memory_space<hbm>> -> memref<128xi32, #tpu.memory_space<hbm>>
      tpu.enqueue_dma source(%dma_start3A_254 : memref<128xi32, #tpu.memory_space<hbm>>) target(%dma_start3A_251 : memref<128xi32, #tpu.memory_space<vmem>>) target_semaphore(%dma_start3A_248 : memref<!tpu.dma_semaphore, #tpu.memory_space<semaphore_mem>>)
      %dma_start3A_255 = arith.constant 1 : i32
      %dma_start3A_256 = arith.constant 1 : i32
      %dma_start3A_257 = arith.constant 0 : i32
      %dma_start3A_258 = arith.constant 0 : i32
      %dma_start3A_259 = tpu.memref_slice %arg8[%dma_start3A_255, %dma_start3A_257, %dma_start3A_258] : memref<2x128x128xf32, #tpu.memory_space<vmem>> -> memref<1x128x128xf32, #tpu.memory_space<vmem>>
      %dma_start3A_260 = tpu.memref_squeeze %dma_start3A_259 : memref<1x128x128xf32, #tpu.memory_space<vmem>> -> memref<128x128xf32, #tpu.memory_space<vmem>>
      %dma_start3A_261 = arith.constant 0 : i32
      %dma_start3A_262 = tpu.memref_slice %arg10[%add3A_210, %dma_start3A_261] : memref<80x128xi32, #tpu.memory_space<vmem>> -> memref<1x128xi32, #tpu.memory_space<vmem>>
      %dma_start3A_263 = tpu.memref_squeeze %dma_start3A_262 : memref<1x128xi32, #tpu.memory_space<vmem>> -> memref<128xi32, #tpu.memory_space<vmem>>
      %dma_start3A_264 = arith.constant 0 : i32
      %dma_start3A_265 = arith.constant 0 : i32
      %dma_start3A_266 = tpu.memref_slice %arg7[%dma_start3A_264, %dma_start3A_265] : memref<10240x128xf32, #tpu.memory_space<vmem_shared>> -> memref<10240x128xf32, #tpu.memory_space<vmem_shared>>
      %dma_start3A_267 = tpu.memref_slice %arg13[%dma_start3A_256] : memref<2x!tpu.dma_semaphore, #tpu.memory_space<semaphore_mem>> -> memref<1x!tpu.dma_semaphore, #tpu.memory_space<semaphore_mem>>
      %dma_start3A_268 = tpu.memref_squeeze %dma_start3A_267 : memref<1x!tpu.dma_semaphore, #tpu.memory_space<semaphore_mem>> -> memref<!tpu.dma_semaphore, #tpu.memory_space<semaphore_mem>>
      tpu.enqueue_indirect_dma source(%dma_start3A_260 : memref<128x128xf32, #tpu.memory_space<vmem>>) target(%dma_start3A_266 : memref<10240x128xf32, #tpu.memory_space<vmem_shared>>) offsets(%dma_start3A_263 : memref<128xi32, #tpu.memory_space<vmem>>) semaphore(%dma_start3A_268 : memref<!tpu.dma_semaphore, #tpu.memory_space<semaphore_mem>>) {add = true}
      %dma_wait3A_269 = arith.constant 0 : i32
      %dma_wait3A_270 = arith.constant 0 : i32
      %dma_wait3A_271 = arith.constant 0 : i32
      %dma_wait3A_272 = arith.constant 0 : i32
      %dma_wait3A_273 = tpu.memref_slice %arg8[%dma_wait3A_269, %dma_wait3A_271, %dma_wait3A_272] : memref<2x128x128xf32, #tpu.memory_space<vmem>> -> memref<1x128x128xf32, #tpu.memory_space<vmem>>
      %dma_wait3A_274 = tpu.memref_squeeze %dma_wait3A_273 : memref<1x128x128xf32, #tpu.memory_space<vmem>> -> memref<128x128xf32, #tpu.memory_space<vmem>>
      %dma_wait3A_275 = arith.constant 0 : i32
      %dma_wait3A_276 = tpu.memref_slice %arg10[%add3A_151, %dma_wait3A_275] : memref<80x128xi32, #tpu.memory_space<vmem>> -> memref<1x128xi32, #tpu.memory_space<vmem>>
      %dma_wait3A_277 = tpu.memref_squeeze %dma_wait3A_276 : memref<1x128xi32, #tpu.memory_space<vmem>> -> memref<128xi32, #tpu.memory_space<vmem>>
      %dma_wait3A_278 = arith.constant 0 : i32
      %dma_wait3A_279 = arith.constant 0 : i32
      %dma_wait3A_280 = tpu.memref_slice %arg7[%dma_wait3A_278, %dma_wait3A_279] : memref<10240x128xf32, #tpu.memory_space<vmem_shared>> -> memref<10240x128xf32, #tpu.memory_space<vmem_shared>>
      %dma_wait3A_281 = tpu.memref_slice %arg13[%dma_wait3A_270] : memref<2x!tpu.dma_semaphore, #tpu.memory_space<semaphore_mem>> -> memref<1x!tpu.dma_semaphore, #tpu.memory_space<semaphore_mem>>
      %dma_wait3A_282 = tpu.memref_squeeze %dma_wait3A_281 : memref<1x!tpu.dma_semaphore, #tpu.memory_space<semaphore_mem>> -> memref<!tpu.dma_semaphore, #tpu.memory_space<semaphore_mem>>
      tpu.wait_indirect_dma semaphore(%dma_wait3A_282 : memref<!tpu.dma_semaphore, #tpu.memory_space<semaphore_mem>>) src(%dma_wait3A_274 : memref<128x128xf32, #tpu.memory_space<vmem>>) dst(%dma_wait3A_280 : memref<10240x128xf32, #tpu.memory_space<vmem_shared>>)
      %dma_wait3A_283 = arith.constant 1 : i32
      %dma_wait3A_284 = arith.constant 1 : i32
      %dma_wait3A_285 = arith.constant 0 : i32
      %dma_wait3A_286 = arith.constant 0 : i32
      %dma_wait3A_287 = tpu.memref_slice %arg8[%dma_wait3A_283, %dma_wait3A_285, %dma_wait3A_286] : memref<2x128x128xf32, #tpu.memory_space<vmem>> -> memref<1x128x128xf32, #tpu.memory_space<vmem>>
      %dma_wait3A_288 = tpu.memref_squeeze %dma_wait3A_287 : memref<1x128x128xf32, #tpu.memory_space<vmem>> -> memref<128x128xf32, #tpu.memory_space<vmem>>
      %dma_wait3A_289 = arith.constant 0 : i32
      %dma_wait3A_290 = tpu.memref_slice %arg10[%add3A_210, %dma_wait3A_289] : memref<80x128xi32, #tpu.memory_space<vmem>> -> memref<1x128xi32, #tpu.memory_space<vmem>>
      %dma_wait3A_291 = tpu.memref_squeeze %dma_wait3A_290 : memref<1x128xi32, #tpu.memory_space<vmem>> -> memref<128xi32, #tpu.memory_space<vmem>>
      %dma_wait3A_292 = arith.constant 0 : i32
      %dma_wait3A_293 = arith.constant 0 : i32
      %dma_wait3A_294 = tpu.memref_slice %arg7[%dma_wait3A_292, %dma_wait3A_293] : memref<10240x128xf32, #tpu.memory_space<vmem_shared>> -> memref<10240x128xf32, #tpu.memory_space<vmem_shared>>
      %dma_wait3A_295 = tpu.memref_slice %arg13[%dma_wait3A_284] : memref<2x!tpu.dma_semaphore, #tpu.memory_space<semaphore_mem>> -> memref<1x!tpu.dma_semaphore, #tpu.memory_space<semaphore_mem>>
      %dma_wait3A_296 = tpu.memref_squeeze %dma_wait3A_295 : memref<1x!tpu.dma_semaphore, #tpu.memory_space<semaphore_mem>> -> memref<!tpu.dma_semaphore, #tpu.memory_space<semaphore_mem>>
      tpu.wait_indirect_dma semaphore(%dma_wait3A_296 : memref<!tpu.dma_semaphore, #tpu.memory_space<semaphore_mem>>) src(%dma_wait3A_288 : memref<128x128xf32, #tpu.memory_space<vmem>>) dst(%dma_wait3A_294 : memref<10240x128xf32, #tpu.memory_space<vmem_shared>>)
    }
    %scan3A_44 = arith.constant 40 : i32
    %dma_wait3A = arith.constant 0 : i32
    %dma_wait3A_45 = arith.constant 0 : i32
    %dma_wait3A_46 = arith.constant 0 : i32
    %dma_wait3A_47 = tpu.memref_slice %arg9[%dma_wait3A, %dma_wait3A_46] : memref<2x128xi32, #tpu.memory_space<vmem>> -> memref<1x128xi32, #tpu.memory_space<vmem>>
    %dma_wait3A_48 = tpu.memref_squeeze %dma_wait3A_47 : memref<1x128xi32, #tpu.memory_space<vmem>> -> memref<128xi32, #tpu.memory_space<vmem>>
    %dma_wait3A_49 = arith.constant 0 : i32
    %dma_wait3A_50 = tpu.memref_slice %arg3[%mul3A_4, %dma_wait3A_49] : memref<2560x128xi32, #tpu.memory_space<hbm>> -> memref<1x128xi32, #tpu.memory_space<hbm>>
    %dma_wait3A_51 = tpu.memref_squeeze %dma_wait3A_50 : memref<1x128xi32, #tpu.memory_space<hbm>> -> memref<128xi32, #tpu.memory_space<hbm>>
    %dma_wait3A_52 = tpu.memref_slice %arg11[%dma_wait3A_45] : memref<2x!tpu.dma_semaphore, #tpu.memory_space<semaphore_mem>> -> memref<1x!tpu.dma_semaphore, #tpu.memory_space<semaphore_mem>>
    %dma_wait3A_53 = tpu.memref_squeeze %dma_wait3A_52 : memref<1x!tpu.dma_semaphore, #tpu.memory_space<semaphore_mem>> -> memref<!tpu.dma_semaphore, #tpu.memory_space<semaphore_mem>>
    %dma_wait3A_54 = arith.constant 0 : i32
    %dma_wait3A_55 = tpu.memref_slice %arg9[%dma_wait3A, %dma_wait3A_54] : memref<2x128xi32, #tpu.memory_space<vmem>> -> memref<1x128xi32, #tpu.memory_space<vmem>>
    %dma_wait3A_56 = tpu.memref_squeeze %dma_wait3A_55 : memref<1x128xi32, #tpu.memory_space<vmem>> -> memref<128xi32, #tpu.memory_space<vmem>>
    %dma_wait3A_57 = arith.constant 0 : i32
    %dma_wait3A_58 = tpu.memref_slice %arg3[%mul3A_4, %dma_wait3A_57] : memref<2560x128xi32, #tpu.memory_space<hbm>> -> memref<1x128xi32, #tpu.memory_space<hbm>>
    %dma_wait3A_59 = tpu.memref_squeeze %dma_wait3A_58 : memref<1x128xi32, #tpu.memory_space<hbm>> -> memref<128xi32, #tpu.memory_space<hbm>>
    tpu.wait_dma2 semaphore(%dma_wait3A_53 : memref<!tpu.dma_semaphore, #tpu.memory_space<semaphore_mem>>) src(%dma_wait3A_59 : memref<128xi32, #tpu.memory_space<hbm>>) dst(%dma_wait3A_56 : memref<128xi32, #tpu.memory_space<vmem>>)
    %dma_wait3A_60 = arith.constant 1 : i32
    %dma_wait3A_61 = arith.constant 1 : i32
    %dma_wait3A_62 = arith.constant 0 : i32
    %dma_wait3A_63 = tpu.memref_slice %arg9[%dma_wait3A_60, %dma_wait3A_62] : memref<2x128xi32, #tpu.memory_space<vmem>> -> memref<1x128xi32, #tpu.memory_space<vmem>>
    %dma_wait3A_64 = tpu.memref_squeeze %dma_wait3A_63 : memref<1x128xi32, #tpu.memory_space<vmem>> -> memref<128xi32, #tpu.memory_space<vmem>>
    %dma_wait3A_65 = arith.constant 0 : i32
    %dma_wait3A_66 = tpu.memref_slice %arg3[%mul3A_4, %dma_wait3A_65] : memref<2560x128xi32, #tpu.memory_space<hbm>> -> memref<1x128xi32, #tpu.memory_space<hbm>>
    %dma_wait3A_67 = tpu.memref_squeeze %dma_wait3A_66 : memref<1x128xi32, #tpu.memory_space<hbm>> -> memref<128xi32, #tpu.memory_space<hbm>>
    %dma_wait3A_68 = tpu.memref_slice %arg11[%dma_wait3A_61] : memref<2x!tpu.dma_semaphore, #tpu.memory_space<semaphore_mem>> -> memref<1x!tpu.dma_semaphore, #tpu.memory_space<semaphore_mem>>
    %dma_wait3A_69 = tpu.memref_squeeze %dma_wait3A_68 : memref<1x!tpu.dma_semaphore, #tpu.memory_space<semaphore_mem>> -> memref<!tpu.dma_semaphore, #tpu.memory_space<semaphore_mem>>
    %dma_wait3A_70 = arith.constant 0 : i32
    %dma_wait3A_71 = tpu.memref_slice %arg9[%dma_wait3A_60, %dma_wait3A_70] : memref<2x128xi32, #tpu.memory_space<vmem>> -> memref<1x128xi32, #tpu.memory_space<vmem>>
    %dma_wait3A_72 = tpu.memref_squeeze %dma_wait3A_71 : memref<1x128xi32, #tpu.memory_space<vmem>> -> memref<128xi32, #tpu.memory_space<vmem>>
    %dma_wait3A_73 = arith.constant 0 : i32
    %dma_wait3A_74 = tpu.memref_slice %arg3[%mul3A_4, %dma_wait3A_73] : memref<2560x128xi32, #tpu.memory_space<hbm>> -> memref<1x128xi32, #tpu.memory_space<hbm>>
    %dma_wait3A_75 = tpu.memref_squeeze %dma_wait3A_74 : memref<1x128xi32, #tpu.memory_space<hbm>> -> memref<128xi32, #tpu.memory_space<hbm>>
    tpu.wait_dma2 semaphore(%dma_wait3A_69 : memref<!tpu.dma_semaphore, #tpu.memory_space<semaphore_mem>>) src(%dma_wait3A_75 : memref<128xi32, #tpu.memory_space<hbm>>) dst(%dma_wait3A_72 : memref<128xi32, #tpu.memory_space<vmem>>)
    %barrier3A_76 = arith.constant 0 : index
    tpu.barrier barrier_id(%barrier3A_76)
    "tpu.region"() ({
      %run_scoped3A = tpu.sem_alloc : memref<!tpu.dma_semaphore, #tpu.memory_space<semaphore_mem>>
      %dma_start3A_77 = arith.constant 0 : i32
      %dma_start3A_78 = tpu.memref_slice %arg6[%arg0, %mul3A_2, %dma_start3A_77] : memref<2x10240x128xf32, #tpu.memory_space<hbm>> -> memref<1x640x128xf32, #tpu.memory_space<hbm>>
      %dma_start3A_79 = tpu.memref_squeeze %dma_start3A_78 : memref<1x640x128xf32, #tpu.memory_space<hbm>> -> memref<640x128xf32, #tpu.memory_space<hbm>>
      %dma_start3A_80 = arith.constant 0 : i32
      %dma_start3A_81 = tpu.memref_slice %arg7[%mul3A_2, %dma_start3A_80] : memref<10240x128xf32, #tpu.memory_space<vmem_shared>> -> memref<640x128xf32, #tpu.memory_space<vmem_shared>>
      tpu.enqueue_dma source(%dma_start3A_81 : memref<640x128xf32, #tpu.memory_space<vmem_shared>>) target(%dma_start3A_79 : memref<640x128xf32, #tpu.memory_space<hbm>>) target_semaphore(%run_scoped3A : memref<!tpu.dma_semaphore, #tpu.memory_space<semaphore_mem>>)
      %dma_wait3A_82 = arith.constant 0 : i32
      %dma_wait3A_83 = tpu.memref_slice %arg6[%arg0, %mul3A_2, %dma_wait3A_82] : memref<2x10240x128xf32, #tpu.memory_space<hbm>> -> memref<1x640x128xf32, #tpu.memory_space<hbm>>
      %dma_wait3A_84 = tpu.memref_squeeze %dma_wait3A_83 : memref<1x640x128xf32, #tpu.memory_space<hbm>> -> memref<640x128xf32, #tpu.memory_space<hbm>>
      %dma_wait3A_85 = arith.constant 0 : i32
      %dma_wait3A_86 = tpu.memref_slice %arg7[%mul3A_2, %dma_wait3A_85] : memref<10240x128xf32, #tpu.memory_space<vmem_shared>> -> memref<640x128xf32, #tpu.memory_space<vmem_shared>>
      tpu.wait_dma2 semaphore(%run_scoped3A : memref<!tpu.dma_semaphore, #tpu.memory_space<semaphore_mem>>) src(%dma_wait3A_86 : memref<640x128xf32, #tpu.memory_space<vmem_shared>>) dst(%dma_wait3A_84 : memref<640x128xf32, #tpu.memory_space<hbm>>)
      tpu.yield
    }) : () -> ()
    return
  }
}

#map = affine_map<(d0, d1) -> (0, 0)>
#map1 = affine_map<(d0, d1) -> (0, 0, 0)>
module attributes {stable_mosaic.version = 14 : i64} {
  func.func @_sc_segsum_body(%arg0: i32, %arg1: i32, %arg2: memref<10240x128xf32, #tpu.memory_space<hbm>>, %arg3: memref<2560x128xi32, #tpu.memory_space<hbm>>, %arg4: memref<32x80x128xi32, #tpu.memory_space<hbm>>, %arg5: memref<640x128xf32, #tpu.memory_space<hbm>>, %arg6: memref<2x10240x128xf32, #tpu.memory_space<hbm>>, %arg7: memref<10240x128xf32, #tpu.memory_space<vmem_shared>>, %arg8: memref<2x128x128xf32, #tpu.memory_space<vmem>>, %arg9: memref<2x128xi32, #tpu.memory_space<vmem>>, %arg10: memref<80x128xi32, #tpu.memory_space<vmem>>, %arg11: memref<2x!tpu.dma_semaphore, #tpu.memory_space<semaphore_mem>>, %arg12: memref<2x!tpu.dma_semaphore, #tpu.memory_space<semaphore_mem>>, %arg13: memref<2x!tpu.dma_semaphore, #tpu.memory_space<semaphore_mem>>) attributes {dimension_semantics = [#tpu.dimension_semantics<core_parallel>, #tpu.dimension_semantics<subcore_parallel>], iteration_bounds = array<i64: 2, 16>, scalar_prefetch = 0 : i64, scratch_operands = 7 : i64, tpu.core_type = #tpu.core_type<sc_vector_subcore>, window_params = [{transform_indices = #map}, {transform_indices = #map}, {transform_indices = #map1}, {transform_indices = #map}, {transform_indices = #map1}]} {
    %mul3A = arith.constant 2 : i32
    %mul3A_0 = arith.muli %arg1, %mul3A : i32
    %add3A = arith.addi %mul3A_0, %arg0 : i32
    %mul3A_1 = arith.constant 640 : i32
    %mul3A_2 = arith.muli %arg1, %mul3A_1 : i32
    "tpu.region"() ({
      %run_scoped3A = tpu.sem_alloc : memref<!tpu.dma_semaphore, #tpu.memory_space<semaphore_mem>>
      %dma_start3A_77 = arith.constant 0 : i32
      %dma_start3A_78 = tpu.memref_slice %arg7[%mul3A_2, %dma_start3A_77] : memref<10240x128xf32, #tpu.memory_space<vmem_shared>> -> memref<640x128xf32, #tpu.memory_space<vmem_shared>>
      tpu.enqueue_dma source(%arg5 : memref<640x128xf32, #tpu.memory_space<hbm>>) target(%dma_start3A_78 : memref<640x128xf32, #tpu.memory_space<vmem_shared>>) target_semaphore(%run_scoped3A : memref<!tpu.dma_semaphore, #tpu.memory_space<semaphore_mem>>)
      %dma_wait3A_79 = arith.constant 0 : i32
      %dma_wait3A_80 = tpu.memref_slice %arg7[%mul3A_2, %dma_wait3A_79] : memref<10240x128xf32, #tpu.memory_space<vmem_shared>> -> memref<640x128xf32, #tpu.memory_space<vmem_shared>>
      tpu.wait_dma2 semaphore(%run_scoped3A : memref<!tpu.dma_semaphore, #tpu.memory_space<semaphore_mem>>) src(%arg5 : memref<640x128xf32, #tpu.memory_space<hbm>>) dst(%dma_wait3A_80 : memref<640x128xf32, #tpu.memory_space<vmem_shared>>)
      tpu.yield
    }) : () -> ()
    "tpu.region"() ({
      %run_scoped3A = tpu.sem_alloc : memref<!tpu.dma_semaphore, #tpu.memory_space<semaphore_mem>>
      %dma_start3A_77 = arith.constant 0 : i32
      %dma_start3A_78 = arith.constant 0 : i32
      %dma_start3A_79 = tpu.memref_slice %arg4[%add3A, %dma_start3A_77, %dma_start3A_78] : memref<32x80x128xi32, #tpu.memory_space<hbm>> -> memref<1x80x128xi32, #tpu.memory_space<hbm>>
      %dma_start3A_80 = tpu.memref_squeeze %dma_start3A_79 : memref<1x80x128xi32, #tpu.memory_space<hbm>> -> memref<80x128xi32, #tpu.memory_space<hbm>>
      %dma_start3A_81 = arith.constant 0 : i32
      %dma_start3A_82 = arith.constant 0 : i32
      %dma_start3A_83 = tpu.memref_slice %arg4[%add3A, %dma_start3A_81, %dma_start3A_82] : memref<32x80x128xi32, #tpu.memory_space<hbm>> -> memref<1x80x128xi32, #tpu.memory_space<hbm>>
      %dma_start3A_84 = tpu.memref_squeeze %dma_start3A_83 : memref<1x80x128xi32, #tpu.memory_space<hbm>> -> memref<80x128xi32, #tpu.memory_space<hbm>>
      tpu.enqueue_dma source(%dma_start3A_84 : memref<80x128xi32, #tpu.memory_space<hbm>>) target(%arg10 : memref<80x128xi32, #tpu.memory_space<vmem>>) target_semaphore(%run_scoped3A : memref<!tpu.dma_semaphore, #tpu.memory_space<semaphore_mem>>)
      %dma_wait3A_85 = arith.constant 0 : i32
      %dma_wait3A_86 = arith.constant 0 : i32
      %dma_wait3A_87 = tpu.memref_slice %arg4[%add3A, %dma_wait3A_85, %dma_wait3A_86] : memref<32x80x128xi32, #tpu.memory_space<hbm>> -> memref<1x80x128xi32, #tpu.memory_space<hbm>>
      %dma_wait3A_88 = tpu.memref_squeeze %dma_wait3A_87 : memref<1x80x128xi32, #tpu.memory_space<hbm>> -> memref<80x128xi32, #tpu.memory_space<hbm>>
      %dma_wait3A_89 = arith.constant 0 : i32
      %dma_wait3A_90 = arith.constant 0 : i32
      %dma_wait3A_91 = tpu.memref_slice %arg4[%add3A, %dma_wait3A_89, %dma_wait3A_90] : memref<32x80x128xi32, #tpu.memory_space<hbm>> -> memref<1x80x128xi32, #tpu.memory_space<hbm>>
      %dma_wait3A_92 = tpu.memref_squeeze %dma_wait3A_91 : memref<1x80x128xi32, #tpu.memory_space<hbm>> -> memref<80x128xi32, #tpu.memory_space<hbm>>
      tpu.wait_dma2 semaphore(%run_scoped3A : memref<!tpu.dma_semaphore, #tpu.memory_space<semaphore_mem>>) src(%dma_wait3A_92 : memref<80x128xi32, #tpu.memory_space<hbm>>) dst(%arg10 : memref<80x128xi32, #tpu.memory_space<vmem>>)
      tpu.yield
    }) : () -> ()
    %mul3A_3 = arith.constant 80 : i32
    %mul3A_4 = arith.muli %add3A, %mul3A_3 : i32
    %add3A_5 = arith.constant 0 : i32
    %add3A_6 = arith.addi %mul3A_4, %add3A_5 : i32
    %dma_start3A = arith.constant 0 : i32
    %dma_start3A_7 = arith.constant 0 : i32
    %dma_start3A_8 = arith.constant 0 : i32
    %dma_start3A_9 = tpu.memref_slice %arg9[%dma_start3A, %dma_start3A_8] : memref<2x128xi32, #tpu.memory_space<vmem>> -> memref<1x128xi32, #tpu.memory_space<vmem>>
    %dma_start3A_10 = tpu.memref_squeeze %dma_start3A_9 : memref<1x128xi32, #tpu.memory_space<vmem>> -> memref<128xi32, #tpu.memory_space<vmem>>
    %dma_start3A_11 = arith.constant 0 : i32
    %dma_start3A_12 = tpu.memref_slice %arg3[%add3A_6, %dma_start3A_11] : memref<2560x128xi32, #tpu.memory_space<hbm>> -> memref<1x128xi32, #tpu.memory_space<hbm>>
    %dma_start3A_13 = tpu.memref_squeeze %dma_start3A_12 : memref<1x128xi32, #tpu.memory_space<hbm>> -> memref<128xi32, #tpu.memory_space<hbm>>
    %dma_start3A_14 = tpu.memref_slice %arg11[%dma_start3A_7] : memref<2x!tpu.dma_semaphore, #tpu.memory_space<semaphore_mem>> -> memref<1x!tpu.dma_semaphore, #tpu.memory_space<semaphore_mem>>
    %dma_start3A_15 = tpu.memref_squeeze %dma_start3A_14 : memref<1x!tpu.dma_semaphore, #tpu.memory_space<semaphore_mem>> -> memref<!tpu.dma_semaphore, #tpu.memory_space<semaphore_mem>>
    %dma_start3A_16 = arith.constant 0 : i32
    %dma_start3A_17 = tpu.memref_slice %arg9[%dma_start3A, %dma_start3A_16] : memref<2x128xi32, #tpu.memory_space<vmem>> -> memref<1x128xi32, #tpu.memory_space<vmem>>
    %dma_start3A_18 = tpu.memref_squeeze %dma_start3A_17 : memref<1x128xi32, #tpu.memory_space<vmem>> -> memref<128xi32, #tpu.memory_space<vmem>>
    %dma_start3A_19 = arith.constant 0 : i32
    %dma_start3A_20 = tpu.memref_slice %arg3[%add3A_6, %dma_start3A_19] : memref<2560x128xi32, #tpu.memory_space<hbm>> -> memref<1x128xi32, #tpu.memory_space<hbm>>
    %dma_start3A_21 = tpu.memref_squeeze %dma_start3A_20 : memref<1x128xi32, #tpu.memory_space<hbm>> -> memref<128xi32, #tpu.memory_space<hbm>>
    tpu.enqueue_dma source(%dma_start3A_21 : memref<128xi32, #tpu.memory_space<hbm>>) target(%dma_start3A_18 : memref<128xi32, #tpu.memory_space<vmem>>) target_semaphore(%dma_start3A_15 : memref<!tpu.dma_semaphore, #tpu.memory_space<semaphore_mem>>)
    %add3A_22 = arith.constant 1 : i32
    %add3A_23 = arith.addi %mul3A_4, %add3A_22 : i32
    %dma_start3A_24 = arith.constant 1 : i32
    %dma_start3A_25 = arith.constant 1 : i32
    %dma_start3A_26 = arith.constant 0 : i32
    %dma_start3A_27 = tpu.memref_slice %arg9[%dma_start3A_24, %dma_start3A_26] : memref<2x128xi32, #tpu.memory_space<vmem>> -> memref<1x128xi32, #tpu.memory_space<vmem>>
    %dma_start3A_28 = tpu.memref_squeeze %dma_start3A_27 : memref<1x128xi32, #tpu.memory_space<vmem>> -> memref<128xi32, #tpu.memory_space<vmem>>
    %dma_start3A_29 = arith.constant 0 : i32
    %dma_start3A_30 = tpu.memref_slice %arg3[%add3A_23, %dma_start3A_29] : memref<2560x128xi32, #tpu.memory_space<hbm>> -> memref<1x128xi32, #tpu.memory_space<hbm>>
    %dma_start3A_31 = tpu.memref_squeeze %dma_start3A_30 : memref<1x128xi32, #tpu.memory_space<hbm>> -> memref<128xi32, #tpu.memory_space<hbm>>
    %dma_start3A_32 = tpu.memref_slice %arg11[%dma_start3A_25] : memref<2x!tpu.dma_semaphore, #tpu.memory_space<semaphore_mem>> -> memref<1x!tpu.dma_semaphore, #tpu.memory_space<semaphore_mem>>
    %dma_start3A_33 = tpu.memref_squeeze %dma_start3A_32 : memref<1x!tpu.dma_semaphore, #tpu.memory_space<semaphore_mem>> -> memref<!tpu.dma_semaphore, #tpu.memory_space<semaphore_mem>>
    %dma_start3A_34 = arith.constant 0 : i32
    %dma_start3A_35 = tpu.memref_slice %arg9[%dma_start3A_24, %dma_start3A_34] : memref<2x128xi32, #tpu.memory_space<vmem>> -> memref<1x128xi32, #tpu.memory_space<vmem>>
    %dma_start3A_36 = tpu.memref_squeeze %dma_start3A_35 : memref<1x128xi32, #tpu.memory_space<vmem>> -> memref<128xi32, #tpu.memory_space<vmem>>
    %dma_start3A_37 = arith.constant 0 : i32
    %dma_start3A_38 = tpu.memref_slice %arg3[%add3A_23, %dma_start3A_37] : memref<2560x128xi32, #tpu.memory_space<hbm>> -> memref<1x128xi32, #tpu.memory_space<hbm>>
    %dma_start3A_39 = tpu.memref_squeeze %dma_start3A_38 : memref<1x128xi32, #tpu.memory_space<hbm>> -> memref<128xi32, #tpu.memory_space<hbm>>
    tpu.enqueue_dma source(%dma_start3A_39 : memref<128xi32, #tpu.memory_space<hbm>>) target(%dma_start3A_36 : memref<128xi32, #tpu.memory_space<vmem>>) target_semaphore(%dma_start3A_33 : memref<!tpu.dma_semaphore, #tpu.memory_space<semaphore_mem>>)
    %barrier3A = arith.constant 0 : index
    tpu.barrier barrier_id(%barrier3A)
    %scan3A = arith.constant 0 : i32
    %scan3A_40 = arith.constant 0 : i32
    %scan3A_41 = arith.constant 40 : i32
    %scan3A_42 = arith.addi %scan3A_40, %scan3A_41 : i32
    %scan3A_43 = arith.constant 1 : i32
    scf.for %scan3A_77 = %scan3A_40 to %scan3A_42 step %scan3A_43  : i32 {
      %mul3A_78 = arith.constant 2 : i32
      %mul3A_79 = arith.muli %scan3A_77, %mul3A_78 : i32
      %add3A_80 = arith.constant 0 : i32
      %add3A_81 = arith.addi %mul3A_79, %add3A_80 : i32
      %dma_wait3A_82 = arith.constant 0 : i32
      %dma_wait3A_83 = arith.constant 0 : i32
      %dma_wait3A_84 = arith.constant 0 : i32
      %dma_wait3A_85 = tpu.memref_slice %arg9[%dma_wait3A_82, %dma_wait3A_84] : memref<2x128xi32, #tpu.memory_space<vmem>> -> memref<1x128xi32, #tpu.memory_space<vmem>>
      %dma_wait3A_86 = tpu.memref_squeeze %dma_wait3A_85 : memref<1x128xi32, #tpu.memory_space<vmem>> -> memref<128xi32, #tpu.memory_space<vmem>>
      %dma_wait3A_87 = arith.constant 0 : i32
      %dma_wait3A_88 = tpu.memref_slice %arg3[%mul3A_4, %dma_wait3A_87] : memref<2560x128xi32, #tpu.memory_space<hbm>> -> memref<1x128xi32, #tpu.memory_space<hbm>>
      %dma_wait3A_89 = tpu.memref_squeeze %dma_wait3A_88 : memref<1x128xi32, #tpu.memory_space<hbm>> -> memref<128xi32, #tpu.memory_space<hbm>>
      %dma_wait3A_90 = tpu.memref_slice %arg11[%dma_wait3A_83] : memref<2x!tpu.dma_semaphore, #tpu.memory_space<semaphore_mem>> -> memref<1x!tpu.dma_semaphore, #tpu.memory_space<semaphore_mem>>
      %dma_wait3A_91 = tpu.memref_squeeze %dma_wait3A_90 : memref<1x!tpu.dma_semaphore, #tpu.memory_space<semaphore_mem>> -> memref<!tpu.dma_semaphore, #tpu.memory_space<semaphore_mem>>
      %dma_wait3A_92 = arith.constant 0 : i32
      %dma_wait3A_93 = tpu.memref_slice %arg9[%dma_wait3A_82, %dma_wait3A_92] : memref<2x128xi32, #tpu.memory_space<vmem>> -> memref<1x128xi32, #tpu.memory_space<vmem>>
      %dma_wait3A_94 = tpu.memref_squeeze %dma_wait3A_93 : memref<1x128xi32, #tpu.memory_space<vmem>> -> memref<128xi32, #tpu.memory_space<vmem>>
      %dma_wait3A_95 = arith.constant 0 : i32
      %dma_wait3A_96 = tpu.memref_slice %arg3[%mul3A_4, %dma_wait3A_95] : memref<2560x128xi32, #tpu.memory_space<hbm>> -> memref<1x128xi32, #tpu.memory_space<hbm>>
      %dma_wait3A_97 = tpu.memref_squeeze %dma_wait3A_96 : memref<1x128xi32, #tpu.memory_space<hbm>> -> memref<128xi32, #tpu.memory_space<hbm>>
      tpu.wait_dma2 semaphore(%dma_wait3A_91 : memref<!tpu.dma_semaphore, #tpu.memory_space<semaphore_mem>>) src(%dma_wait3A_97 : memref<128xi32, #tpu.memory_space<hbm>>) dst(%dma_wait3A_94 : memref<128xi32, #tpu.memory_space<vmem>>)
      %dma_start3A_98 = arith.constant 0 : i32
      %dma_start3A_99 = arith.constant 0 : i32
      %dma_start3A_100 = arith.constant 0 : i32
      %dma_start3A_101 = arith.constant 0 : i32
      %dma_start3A_102 = arith.constant 0 : i32
      %dma_start3A_103 = tpu.memref_slice %arg8[%dma_start3A_99, %dma_start3A_101, %dma_start3A_102] : memref<2x128x128xf32, #tpu.memory_space<vmem>> -> memref<1x128x128xf32, #tpu.memory_space<vmem>>
      %dma_start3A_104 = tpu.memref_squeeze %dma_start3A_103 : memref<1x128x128xf32, #tpu.memory_space<vmem>> -> memref<128x128xf32, #tpu.memory_space<vmem>>
      %dma_start3A_105 = arith.constant 0 : i32
      %dma_start3A_106 = tpu.memref_slice %arg9[%dma_start3A_98, %dma_start3A_105] : memref<2x128xi32, #tpu.memory_space<vmem>> -> memref<1x128xi32, #tpu.memory_space<vmem>>
      %dma_start3A_107 = tpu.memref_squeeze %dma_start3A_106 : memref<1x128xi32, #tpu.memory_space<vmem>> -> memref<128xi32, #tpu.memory_space<vmem>>
      %dma_start3A_108 = arith.constant 0 : i32
      %dma_start3A_109 = arith.constant 0 : i32
      %dma_start3A_110 = tpu.memref_slice %arg2[%dma_start3A_108, %dma_start3A_109] : memref<10240x128xf32, #tpu.memory_space<hbm>> -> memref<10240x128xf32, #tpu.memory_space<hbm>>
      %dma_start3A_111 = tpu.memref_slice %arg12[%dma_start3A_100] : memref<2x!tpu.dma_semaphore, #tpu.memory_space<semaphore_mem>> -> memref<1x!tpu.dma_semaphore, #tpu.memory_space<semaphore_mem>>
      %dma_start3A_112 = tpu.memref_squeeze %dma_start3A_111 : memref<1x!tpu.dma_semaphore, #tpu.memory_space<semaphore_mem>> -> memref<!tpu.dma_semaphore, #tpu.memory_space<semaphore_mem>>
      tpu.enqueue_indirect_dma source(%dma_start3A_110 : memref<10240x128xf32, #tpu.memory_space<hbm>>) target(%dma_start3A_104 : memref<128x128xf32, #tpu.memory_space<vmem>>) offsets(%dma_start3A_107 : memref<128xi32, #tpu.memory_space<vmem>>) semaphore(%dma_start3A_112 : memref<!tpu.dma_semaphore, #tpu.memory_space<semaphore_mem>>)
      %mul3A_113 = arith.constant 2 : i32
      %mul3A_114 = arith.muli %scan3A_77, %mul3A_113 : i32
      %add3A_115 = arith.constant 1 : i32
      %add3A_116 = arith.addi %mul3A_114, %add3A_115 : i32
      %dma_wait3A_117 = arith.constant 1 : i32
      %dma_wait3A_118 = arith.constant 1 : i32
      %dma_wait3A_119 = arith.constant 0 : i32
      %dma_wait3A_120 = tpu.memref_slice %arg9[%dma_wait3A_117, %dma_wait3A_119] : memref<2x128xi32, #tpu.memory_space<vmem>> -> memref<1x128xi32, #tpu.memory_space<vmem>>
      %dma_wait3A_121 = tpu.memref_squeeze %dma_wait3A_120 : memref<1x128xi32, #tpu.memory_space<vmem>> -> memref<128xi32, #tpu.memory_space<vmem>>
      %dma_wait3A_122 = arith.constant 0 : i32
      %dma_wait3A_123 = tpu.memref_slice %arg3[%mul3A_4, %dma_wait3A_122] : memref<2560x128xi32, #tpu.memory_space<hbm>> -> memref<1x128xi32, #tpu.memory_space<hbm>>
      %dma_wait3A_124 = tpu.memref_squeeze %dma_wait3A_123 : memref<1x128xi32, #tpu.memory_space<hbm>> -> memref<128xi32, #tpu.memory_space<hbm>>
      %dma_wait3A_125 = tpu.memref_slice %arg11[%dma_wait3A_118] : memref<2x!tpu.dma_semaphore, #tpu.memory_space<semaphore_mem>> -> memref<1x!tpu.dma_semaphore, #tpu.memory_space<semaphore_mem>>
      %dma_wait3A_126 = tpu.memref_squeeze %dma_wait3A_125 : memref<1x!tpu.dma_semaphore, #tpu.memory_space<semaphore_mem>> -> memref<!tpu.dma_semaphore, #tpu.memory_space<semaphore_mem>>
      %dma_wait3A_127 = arith.constant 0 : i32
      %dma_wait3A_128 = tpu.memref_slice %arg9[%dma_wait3A_117, %dma_wait3A_127] : memref<2x128xi32, #tpu.memory_space<vmem>> -> memref<1x128xi32, #tpu.memory_space<vmem>>
      %dma_wait3A_129 = tpu.memref_squeeze %dma_wait3A_128 : memref<1x128xi32, #tpu.memory_space<vmem>> -> memref<128xi32, #tpu.memory_space<vmem>>
      %dma_wait3A_130 = arith.constant 0 : i32
      %dma_wait3A_131 = tpu.memref_slice %arg3[%mul3A_4, %dma_wait3A_130] : memref<2560x128xi32, #tpu.memory_space<hbm>> -> memref<1x128xi32, #tpu.memory_space<hbm>>
      %dma_wait3A_132 = tpu.memref_squeeze %dma_wait3A_131 : memref<1x128xi32, #tpu.memory_space<hbm>> -> memref<128xi32, #tpu.memory_space<hbm>>
      tpu.wait_dma2 semaphore(%dma_wait3A_126 : memref<!tpu.dma_semaphore, #tpu.memory_space<semaphore_mem>>) src(%dma_wait3A_132 : memref<128xi32, #tpu.memory_space<hbm>>) dst(%dma_wait3A_129 : memref<128xi32, #tpu.memory_space<vmem>>)
      %dma_start3A_133 = arith.constant 1 : i32
      %dma_start3A_134 = arith.constant 1 : i32
      %dma_start3A_135 = arith.constant 1 : i32
      %dma_start3A_136 = arith.constant 0 : i32
      %dma_start3A_137 = arith.constant 0 : i32
      %dma_start3A_138 = tpu.memref_slice %arg8[%dma_start3A_134, %dma_start3A_136, %dma_start3A_137] : memref<2x128x128xf32, #tpu.memory_space<vmem>> -> memref<1x128x128xf32, #tpu.memory_space<vmem>>
      %dma_start3A_139 = tpu.memref_squeeze %dma_start3A_138 : memref<1x128x128xf32, #tpu.memory_space<vmem>> -> memref<128x128xf32, #tpu.memory_space<vmem>>
      %dma_start3A_140 = arith.constant 0 : i32
      %dma_start3A_141 = tpu.memref_slice %arg9[%dma_start3A_133, %dma_start3A_140] : memref<2x128xi32, #tpu.memory_space<vmem>> -> memref<1x128xi32, #tpu.memory_space<vmem>>
      %dma_start3A_142 = tpu.memref_squeeze %dma_start3A_141 : memref<1x128xi32, #tpu.memory_space<vmem>> -> memref<128xi32, #tpu.memory_space<vmem>>
      %dma_start3A_143 = arith.constant 0 : i32
      %dma_start3A_144 = arith.constant 0 : i32
      %dma_start3A_145 = tpu.memref_slice %arg2[%dma_start3A_143, %dma_start3A_144] : memref<10240x128xf32, #tpu.memory_space<hbm>> -> memref<10240x128xf32, #tpu.memory_space<hbm>>
      %dma_start3A_146 = tpu.memref_slice %arg12[%dma_start3A_135] : memref<2x!tpu.dma_semaphore, #tpu.memory_space<semaphore_mem>> -> memref<1x!tpu.dma_semaphore, #tpu.memory_space<semaphore_mem>>
      %dma_start3A_147 = tpu.memref_squeeze %dma_start3A_146 : memref<1x!tpu.dma_semaphore, #tpu.memory_space<semaphore_mem>> -> memref<!tpu.dma_semaphore, #tpu.memory_space<semaphore_mem>>
      tpu.enqueue_indirect_dma source(%dma_start3A_145 : memref<10240x128xf32, #tpu.memory_space<hbm>>) target(%dma_start3A_139 : memref<128x128xf32, #tpu.memory_space<vmem>>) offsets(%dma_start3A_142 : memref<128xi32, #tpu.memory_space<vmem>>) semaphore(%dma_start3A_147 : memref<!tpu.dma_semaphore, #tpu.memory_space<semaphore_mem>>)
      %mul3A_148 = arith.constant 2 : i32
      %mul3A_149 = arith.muli %scan3A_77, %mul3A_148 : i32
      %add3A_150 = arith.constant 0 : i32
      %add3A_151 = arith.addi %mul3A_149, %add3A_150 : i32
      %dma_wait3A_152 = arith.constant 0 : i32
      %dma_wait3A_153 = arith.constant 0 : i32
      %dma_wait3A_154 = arith.constant 0 : i32
      %dma_wait3A_155 = arith.constant 0 : i32
      %dma_wait3A_156 = arith.constant 0 : i32
      %dma_wait3A_157 = tpu.memref_slice %arg8[%dma_wait3A_153, %dma_wait3A_155, %dma_wait3A_156] : memref<2x128x128xf32, #tpu.memory_space<vmem>> -> memref<1x128x128xf32, #tpu.memory_space<vmem>>
      %dma_wait3A_158 = tpu.memref_squeeze %dma_wait3A_157 : memref<1x128x128xf32, #tpu.memory_space<vmem>> -> memref<128x128xf32, #tpu.memory_space<vmem>>
      %dma_wait3A_159 = arith.constant 0 : i32
      %dma_wait3A_160 = tpu.memref_slice %arg9[%dma_wait3A_152, %dma_wait3A_159] : memref<2x128xi32, #tpu.memory_space<vmem>> -> memref<1x128xi32, #tpu.memory_space<vmem>>
      %dma_wait3A_161 = tpu.memref_squeeze %dma_wait3A_160 : memref<1x128xi32, #tpu.memory_space<vmem>> -> memref<128xi32, #tpu.memory_space<vmem>>
      %dma_wait3A_162 = arith.constant 0 : i32
      %dma_wait3A_163 = arith.constant 0 : i32
      %dma_wait3A_164 = tpu.memref_slice %arg2[%dma_wait3A_162, %dma_wait3A_163] : memref<10240x128xf32, #tpu.memory_space<hbm>> -> memref<10240x128xf32, #tpu.memory_space<hbm>>
      %dma_wait3A_165 = tpu.memref_slice %arg12[%dma_wait3A_154] : memref<2x!tpu.dma_semaphore, #tpu.memory_space<semaphore_mem>> -> memref<1x!tpu.dma_semaphore, #tpu.memory_space<semaphore_mem>>
      %dma_wait3A_166 = tpu.memref_squeeze %dma_wait3A_165 : memref<1x!tpu.dma_semaphore, #tpu.memory_space<semaphore_mem>> -> memref<!tpu.dma_semaphore, #tpu.memory_space<semaphore_mem>>
      tpu.wait_indirect_dma semaphore(%dma_wait3A_166 : memref<!tpu.dma_semaphore, #tpu.memory_space<semaphore_mem>>) src(%dma_wait3A_164 : memref<10240x128xf32, #tpu.memory_space<hbm>>) dst(%dma_wait3A_158 : memref<128x128xf32, #tpu.memory_space<vmem>>)
      %add3A_167 = arith.constant 1 : i32
      %add3A_168 = arith.addi %scan3A_77, %add3A_167 : i32
      %lt3A = arith.constant 40 : i32
      %lt3A_169 = arith.cmpi slt, %add3A_168, %lt3A : i32
      %add3A_170 = arith.constant 1 : i32
      %add3A_171 = arith.addi %scan3A_77, %add3A_170 : i32
      %mul3A_172 = arith.constant 2 : i32
      %mul3A_173 = arith.muli %add3A_171, %mul3A_172 : i32
      %add3A_174 = arith.constant 0 : i32
      %add3A_175 = arith.addi %mul3A_173, %add3A_174 : i32
      %jit3A = arith.constant 0 : i32
      %select_n3A = arith.select %lt3A_169, %add3A_175, %jit3A : i32
      %add3A_176 = arith.addi %mul3A_4, %select_n3A : i32
      %dma_start3A_177 = arith.constant 0 : i32
      %dma_start3A_178 = arith.constant 0 : i32
      %dma_start3A_179 = arith.constant 0 : i32
      %dma_start3A_180 = tpu.memref_slice %arg9[%dma_start3A_177, %dma_start3A_179] : memref<2x128xi32, #tpu.memory_space<vmem>> -> memref<1x128xi32, #tpu.memory_space<vmem>>
      %dma_start3A_181 = tpu.memref_squeeze %dma_start3A_180 : memref<1x128xi32, #tpu.memory_space<vmem>> -> memref<128xi32, #tpu.memory_space<vmem>>
      %dma_start3A_182 = arith.constant 0 : i32
      %dma_start3A_183 = tpu.memref_slice %arg3[%add3A_176, %dma_start3A_182] : memref<2560x128xi32, #tpu.memory_space<hbm>> -> memref<1x128xi32, #tpu.memory_space<hbm>>
      %dma_start3A_184 = tpu.memref_squeeze %dma_start3A_183 : memref<1x128xi32, #tpu.memory_space<hbm>> -> memref<128xi32, #tpu.memory_space<hbm>>
      %dma_start3A_185 = tpu.memref_slice %arg11[%dma_start3A_178] : memref<2x!tpu.dma_semaphore, #tpu.memory_space<semaphore_mem>> -> memref<1x!tpu.dma_semaphore, #tpu.memory_space<semaphore_mem>>
      %dma_start3A_186 = tpu.memref_squeeze %dma_start3A_185 : memref<1x!tpu.dma_semaphore, #tpu.memory_space<semaphore_mem>> -> memref<!tpu.dma_semaphore, #tpu.memory_space<semaphore_mem>>
      %dma_start3A_187 = arith.constant 0 : i32
      %dma_start3A_188 = tpu.memref_slice %arg9[%dma_start3A_177, %dma_start3A_187] : memref<2x128xi32, #tpu.memory_space<vmem>> -> memref<1x128xi32, #tpu.memory_space<vmem>>
      %dma_start3A_189 = tpu.memref_squeeze %dma_start3A_188 : memref<1x128xi32, #tpu.memory_space<vmem>> -> memref<128xi32, #tpu.memory_space<vmem>>
      %dma_start3A_190 = arith.constant 0 : i32
      %dma_start3A_191 = tpu.memref_slice %arg3[%add3A_176, %dma_start3A_190] : memref<2560x128xi32, #tpu.memory_space<hbm>> -> memref<1x128xi32, #tpu.memory_space<hbm>>
      %dma_start3A_192 = tpu.memref_squeeze %dma_start3A_191 : memref<1x128xi32, #tpu.memory_space<hbm>> -> memref<128xi32, #tpu.memory_space<hbm>>
      tpu.enqueue_dma source(%dma_start3A_192 : memref<128xi32, #tpu.memory_space<hbm>>) target(%dma_start3A_189 : memref<128xi32, #tpu.memory_space<vmem>>) target_semaphore(%dma_start3A_186 : memref<!tpu.dma_semaphore, #tpu.memory_space<semaphore_mem>>)
      %dma_start3A_193 = arith.constant 0 : i32
      %dma_start3A_194 = arith.constant 0 : i32
      %dma_start3A_195 = arith.constant 0 : i32
      %dma_start3A_196 = arith.constant 0 : i32
      %dma_start3A_197 = tpu.memref_slice %arg8[%dma_start3A_193, %dma_start3A_195, %dma_start3A_196] : memref<2x128x128xf32, #tpu.memory_space<vmem>> -> memref<1x128x128xf32, #tpu.memory_space<vmem>>
      %dma_start3A_198 = tpu.memref_squeeze %dma_start3A_197 : memref<1x128x128xf32, #tpu.memory_space<vmem>> -> memref<128x128xf32, #tpu.memory_space<vmem>>
      %dma_start3A_199 = arith.constant 0 : i32
      %dma_start3A_200 = tpu.memref_slice %arg10[%add3A_151, %dma_start3A_199] : memref<80x128xi32, #tpu.memory_space<vmem>> -> memref<1x128xi32, #tpu.memory_space<vmem>>
      %dma_start3A_201 = tpu.memref_squeeze %dma_start3A_200 : memref<1x128xi32, #tpu.memory_space<vmem>> -> memref<128xi32, #tpu.memory_space<vmem>>
      %dma_start3A_202 = arith.constant 0 : i32
      %dma_start3A_203 = arith.constant 0 : i32
      %dma_start3A_204 = tpu.memref_slice %arg7[%dma_start3A_202, %dma_start3A_203] : memref<10240x128xf32, #tpu.memory_space<vmem_shared>> -> memref<10240x128xf32, #tpu.memory_space<vmem_shared>>
      %dma_start3A_205 = tpu.memref_slice %arg13[%dma_start3A_194] : memref<2x!tpu.dma_semaphore, #tpu.memory_space<semaphore_mem>> -> memref<1x!tpu.dma_semaphore, #tpu.memory_space<semaphore_mem>>
      %dma_start3A_206 = tpu.memref_squeeze %dma_start3A_205 : memref<1x!tpu.dma_semaphore, #tpu.memory_space<semaphore_mem>> -> memref<!tpu.dma_semaphore, #tpu.memory_space<semaphore_mem>>
      tpu.enqueue_indirect_dma source(%dma_start3A_198 : memref<128x128xf32, #tpu.memory_space<vmem>>) target(%dma_start3A_204 : memref<10240x128xf32, #tpu.memory_space<vmem_shared>>) offsets(%dma_start3A_201 : memref<128xi32, #tpu.memory_space<vmem>>) semaphore(%dma_start3A_206 : memref<!tpu.dma_semaphore, #tpu.memory_space<semaphore_mem>>) {add = true}
      %mul3A_207 = arith.constant 2 : i32
      %mul3A_208 = arith.muli %scan3A_77, %mul3A_207 : i32
      %add3A_209 = arith.constant 1 : i32
      %add3A_210 = arith.addi %mul3A_208, %add3A_209 : i32
      %dma_wait3A_211 = arith.constant 1 : i32
      %dma_wait3A_212 = arith.constant 1 : i32
      %dma_wait3A_213 = arith.constant 1 : i32
      %dma_wait3A_214 = arith.constant 0 : i32
      %dma_wait3A_215 = arith.constant 0 : i32
      %dma_wait3A_216 = tpu.memref_slice %arg8[%dma_wait3A_212, %dma_wait3A_214, %dma_wait3A_215] : memref<2x128x128xf32, #tpu.memory_space<vmem>> -> memref<1x128x128xf32, #tpu.memory_space<vmem>>
      %dma_wait3A_217 = tpu.memref_squeeze %dma_wait3A_216 : memref<1x128x128xf32, #tpu.memory_space<vmem>> -> memref<128x128xf32, #tpu.memory_space<vmem>>
      %dma_wait3A_218 = arith.constant 0 : i32
      %dma_wait3A_219 = tpu.memref_slice %arg9[%dma_wait3A_211, %dma_wait3A_218] : memref<2x128xi32, #tpu.memory_space<vmem>> -> memref<1x128xi32, #tpu.memory_space<vmem>>
      %dma_wait3A_220 = tpu.memref_squeeze %dma_wait3A_219 : memref<1x128xi32, #tpu.memory_space<vmem>> -> memref<128xi32, #tpu.memory_space<vmem>>
      %dma_wait3A_221 = arith.constant 0 : i32
      %dma_wait3A_222 = arith.constant 0 : i32
      %dma_wait3A_223 = tpu.memref_slice %arg2[%dma_wait3A_221, %dma_wait3A_222] : memref<10240x128xf32, #tpu.memory_space<hbm>> -> memref<10240x128xf32, #tpu.memory_space<hbm>>
      %dma_wait3A_224 = tpu.memref_slice %arg12[%dma_wait3A_213] : memref<2x!tpu.dma_semaphore, #tpu.memory_space<semaphore_mem>> -> memref<1x!tpu.dma_semaphore, #tpu.memory_space<semaphore_mem>>
      %dma_wait3A_225 = tpu.memref_squeeze %dma_wait3A_224 : memref<1x!tpu.dma_semaphore, #tpu.memory_space<semaphore_mem>> -> memref<!tpu.dma_semaphore, #tpu.memory_space<semaphore_mem>>
      tpu.wait_indirect_dma semaphore(%dma_wait3A_225 : memref<!tpu.dma_semaphore, #tpu.memory_space<semaphore_mem>>) src(%dma_wait3A_223 : memref<10240x128xf32, #tpu.memory_space<hbm>>) dst(%dma_wait3A_217 : memref<128x128xf32, #tpu.memory_space<vmem>>)
      %add3A_226 = arith.constant 1 : i32
      %add3A_227 = arith.addi %scan3A_77, %add3A_226 : i32
      %lt3A_228 = arith.constant 40 : i32
      %lt3A_229 = arith.cmpi slt, %add3A_227, %lt3A_228 : i32
      %add3A_230 = arith.constant 1 : i32
      %add3A_231 = arith.addi %scan3A_77, %add3A_230 : i32
      %mul3A_232 = arith.constant 2 : i32
      %mul3A_233 = arith.muli %add3A_231, %mul3A_232 : i32
      %add3A_234 = arith.constant 1 : i32
      %add3A_235 = arith.addi %mul3A_233, %add3A_234 : i32
      %jit3A_236 = arith.constant 1 : i32
      %select_n3A_237 = arith.select %lt3A_229, %add3A_235, %jit3A_236 : i32
      %add3A_238 = arith.addi %mul3A_4, %select_n3A_237 : i32
      %dma_start3A_239 = arith.constant 1 : i32
      %dma_start3A_240 = arith.constant 1 : i32
      %dma_start3A_241 = arith.constant 0 : i32
      %dma_start3A_242 = tpu.memref_slice %arg9[%dma_start3A_239, %dma_start3A_241] : memref<2x128xi32, #tpu.memory_space<vmem>> -> memref<1x128xi32, #tpu.memory_space<vmem>>
      %dma_start3A_243 = tpu.memref_squeeze %dma_start3A_242 : memref<1x128xi32, #tpu.memory_space<vmem>> -> memref<128xi32, #tpu.memory_space<vmem>>
      %dma_start3A_244 = arith.constant 0 : i32
      %dma_start3A_245 = tpu.memref_slice %arg3[%add3A_238, %dma_start3A_244] : memref<2560x128xi32, #tpu.memory_space<hbm>> -> memref<1x128xi32, #tpu.memory_space<hbm>>
      %dma_start3A_246 = tpu.memref_squeeze %dma_start3A_245 : memref<1x128xi32, #tpu.memory_space<hbm>> -> memref<128xi32, #tpu.memory_space<hbm>>
      %dma_start3A_247 = tpu.memref_slice %arg11[%dma_start3A_240] : memref<2x!tpu.dma_semaphore, #tpu.memory_space<semaphore_mem>> -> memref<1x!tpu.dma_semaphore, #tpu.memory_space<semaphore_mem>>
      %dma_start3A_248 = tpu.memref_squeeze %dma_start3A_247 : memref<1x!tpu.dma_semaphore, #tpu.memory_space<semaphore_mem>> -> memref<!tpu.dma_semaphore, #tpu.memory_space<semaphore_mem>>
      %dma_start3A_249 = arith.constant 0 : i32
      %dma_start3A_250 = tpu.memref_slice %arg9[%dma_start3A_239, %dma_start3A_249] : memref<2x128xi32, #tpu.memory_space<vmem>> -> memref<1x128xi32, #tpu.memory_space<vmem>>
      %dma_start3A_251 = tpu.memref_squeeze %dma_start3A_250 : memref<1x128xi32, #tpu.memory_space<vmem>> -> memref<128xi32, #tpu.memory_space<vmem>>
      %dma_start3A_252 = arith.constant 0 : i32
      %dma_start3A_253 = tpu.memref_slice %arg3[%add3A_238, %dma_start3A_252] : memref<2560x128xi32, #tpu.memory_space<hbm>> -> memref<1x128xi32, #tpu.memory_space<hbm>>
      %dma_start3A_254 = tpu.memref_squeeze %dma_start3A_253 : memref<1x128xi32, #tpu.memory_space<hbm>> -> memref<128xi32, #tpu.memory_space<hbm>>
      tpu.enqueue_dma source(%dma_start3A_254 : memref<128xi32, #tpu.memory_space<hbm>>) target(%dma_start3A_251 : memref<128xi32, #tpu.memory_space<vmem>>) target_semaphore(%dma_start3A_248 : memref<!tpu.dma_semaphore, #tpu.memory_space<semaphore_mem>>)
      %dma_start3A_255 = arith.constant 1 : i32
      %dma_start3A_256 = arith.constant 1 : i32
      %dma_start3A_257 = arith.constant 0 : i32
      %dma_start3A_258 = arith.constant 0 : i32
      %dma_start3A_259 = tpu.memref_slice %arg8[%dma_start3A_255, %dma_start3A_257, %dma_start3A_258] : memref<2x128x128xf32, #tpu.memory_space<vmem>> -> memref<1x128x128xf32, #tpu.memory_space<vmem>>
      %dma_start3A_260 = tpu.memref_squeeze %dma_start3A_259 : memref<1x128x128xf32, #tpu.memory_space<vmem>> -> memref<128x128xf32, #tpu.memory_space<vmem>>
      %dma_start3A_261 = arith.constant 0 : i32
      %dma_start3A_262 = tpu.memref_slice %arg10[%add3A_210, %dma_start3A_261] : memref<80x128xi32, #tpu.memory_space<vmem>> -> memref<1x128xi32, #tpu.memory_space<vmem>>
      %dma_start3A_263 = tpu.memref_squeeze %dma_start3A_262 : memref<1x128xi32, #tpu.memory_space<vmem>> -> memref<128xi32, #tpu.memory_space<vmem>>
      %dma_start3A_264 = arith.constant 0 : i32
      %dma_start3A_265 = arith.constant 0 : i32
      %dma_start3A_266 = tpu.memref_slice %arg7[%dma_start3A_264, %dma_start3A_265] : memref<10240x128xf32, #tpu.memory_space<vmem_shared>> -> memref<10240x128xf32, #tpu.memory_space<vmem_shared>>
      %dma_start3A_267 = tpu.memref_slice %arg13[%dma_start3A_256] : memref<2x!tpu.dma_semaphore, #tpu.memory_space<semaphore_mem>> -> memref<1x!tpu.dma_semaphore, #tpu.memory_space<semaphore_mem>>
      %dma_start3A_268 = tpu.memref_squeeze %dma_start3A_267 : memref<1x!tpu.dma_semaphore, #tpu.memory_space<semaphore_mem>> -> memref<!tpu.dma_semaphore, #tpu.memory_space<semaphore_mem>>
      tpu.enqueue_indirect_dma source(%dma_start3A_260 : memref<128x128xf32, #tpu.memory_space<vmem>>) target(%dma_start3A_266 : memref<10240x128xf32, #tpu.memory_space<vmem_shared>>) offsets(%dma_start3A_263 : memref<128xi32, #tpu.memory_space<vmem>>) semaphore(%dma_start3A_268 : memref<!tpu.dma_semaphore, #tpu.memory_space<semaphore_mem>>) {add = true}
      %dma_wait3A_269 = arith.constant 0 : i32
      %dma_wait3A_270 = arith.constant 0 : i32
      %dma_wait3A_271 = arith.constant 0 : i32
      %dma_wait3A_272 = arith.constant 0 : i32
      %dma_wait3A_273 = tpu.memref_slice %arg8[%dma_wait3A_269, %dma_wait3A_271, %dma_wait3A_272] : memref<2x128x128xf32, #tpu.memory_space<vmem>> -> memref<1x128x128xf32, #tpu.memory_space<vmem>>
      %dma_wait3A_274 = tpu.memref_squeeze %dma_wait3A_273 : memref<1x128x128xf32, #tpu.memory_space<vmem>> -> memref<128x128xf32, #tpu.memory_space<vmem>>
      %dma_wait3A_275 = arith.constant 0 : i32
      %dma_wait3A_276 = tpu.memref_slice %arg10[%add3A_151, %dma_wait3A_275] : memref<80x128xi32, #tpu.memory_space<vmem>> -> memref<1x128xi32, #tpu.memory_space<vmem>>
      %dma_wait3A_277 = tpu.memref_squeeze %dma_wait3A_276 : memref<1x128xi32, #tpu.memory_space<vmem>> -> memref<128xi32, #tpu.memory_space<vmem>>
      %dma_wait3A_278 = arith.constant 0 : i32
      %dma_wait3A_279 = arith.constant 0 : i32
      %dma_wait3A_280 = tpu.memref_slice %arg7[%dma_wait3A_278, %dma_wait3A_279] : memref<10240x128xf32, #tpu.memory_space<vmem_shared>> -> memref<10240x128xf32, #tpu.memory_space<vmem_shared>>
      %dma_wait3A_281 = tpu.memref_slice %arg13[%dma_wait3A_270] : memref<2x!tpu.dma_semaphore, #tpu.memory_space<semaphore_mem>> -> memref<1x!tpu.dma_semaphore, #tpu.memory_space<semaphore_mem>>
      %dma_wait3A_282 = tpu.memref_squeeze %dma_wait3A_281 : memref<1x!tpu.dma_semaphore, #tpu.memory_space<semaphore_mem>> -> memref<!tpu.dma_semaphore, #tpu.memory_space<semaphore_mem>>
      tpu.wait_indirect_dma semaphore(%dma_wait3A_282 : memref<!tpu.dma_semaphore, #tpu.memory_space<semaphore_mem>>) src(%dma_wait3A_274 : memref<128x128xf32, #tpu.memory_space<vmem>>) dst(%dma_wait3A_280 : memref<10240x128xf32, #tpu.memory_space<vmem_shared>>)
      %dma_wait3A_283 = arith.constant 1 : i32
      %dma_wait3A_284 = arith.constant 1 : i32
      %dma_wait3A_285 = arith.constant 0 : i32
      %dma_wait3A_286 = arith.constant 0 : i32
      %dma_wait3A_287 = tpu.memref_slice %arg8[%dma_wait3A_283, %dma_wait3A_285, %dma_wait3A_286] : memref<2x128x128xf32, #tpu.memory_space<vmem>> -> memref<1x128x128xf32, #tpu.memory_space<vmem>>
      %dma_wait3A_288 = tpu.memref_squeeze %dma_wait3A_287 : memref<1x128x128xf32, #tpu.memory_space<vmem>> -> memref<128x128xf32, #tpu.memory_space<vmem>>
      %dma_wait3A_289 = arith.constant 0 : i32
      %dma_wait3A_290 = tpu.memref_slice %arg10[%add3A_210, %dma_wait3A_289] : memref<80x128xi32, #tpu.memory_space<vmem>> -> memref<1x128xi32, #tpu.memory_space<vmem>>
      %dma_wait3A_291 = tpu.memref_squeeze %dma_wait3A_290 : memref<1x128xi32, #tpu.memory_space<vmem>> -> memref<128xi32, #tpu.memory_space<vmem>>
      %dma_wait3A_292 = arith.constant 0 : i32
      %dma_wait3A_293 = arith.constant 0 : i32
      %dma_wait3A_294 = tpu.memref_slice %arg7[%dma_wait3A_292, %dma_wait3A_293] : memref<10240x128xf32, #tpu.memory_space<vmem_shared>> -> memref<10240x128xf32, #tpu.memory_space<vmem_shared>>
      %dma_wait3A_295 = tpu.memref_slice %arg13[%dma_wait3A_284] : memref<2x!tpu.dma_semaphore, #tpu.memory_space<semaphore_mem>> -> memref<1x!tpu.dma_semaphore, #tpu.memory_space<semaphore_mem>>
      %dma_wait3A_296 = tpu.memref_squeeze %dma_wait3A_295 : memref<1x!tpu.dma_semaphore, #tpu.memory_space<semaphore_mem>> -> memref<!tpu.dma_semaphore, #tpu.memory_space<semaphore_mem>>
      tpu.wait_indirect_dma semaphore(%dma_wait3A_296 : memref<!tpu.dma_semaphore, #tpu.memory_space<semaphore_mem>>) src(%dma_wait3A_288 : memref<128x128xf32, #tpu.memory_space<vmem>>) dst(%dma_wait3A_294 : memref<10240x128xf32, #tpu.memory_space<vmem_shared>>)
    }
    %scan3A_44 = arith.constant 40 : i32
    %dma_wait3A = arith.constant 0 : i32
    %dma_wait3A_45 = arith.constant 0 : i32
    %dma_wait3A_46 = arith.constant 0 : i32
    %dma_wait3A_47 = tpu.memref_slice %arg9[%dma_wait3A, %dma_wait3A_46] : memref<2x128xi32, #tpu.memory_space<vmem>> -> memref<1x128xi32, #tpu.memory_space<vmem>>
    %dma_wait3A_48 = tpu.memref_squeeze %dma_wait3A_47 : memref<1x128xi32, #tpu.memory_space<vmem>> -> memref<128xi32, #tpu.memory_space<vmem>>
    %dma_wait3A_49 = arith.constant 0 : i32
    %dma_wait3A_50 = tpu.memref_slice %arg3[%mul3A_4, %dma_wait3A_49] : memref<2560x128xi32, #tpu.memory_space<hbm>> -> memref<1x128xi32, #tpu.memory_space<hbm>>
    %dma_wait3A_51 = tpu.memref_squeeze %dma_wait3A_50 : memref<1x128xi32, #tpu.memory_space<hbm>> -> memref<128xi32, #tpu.memory_space<hbm>>
    %dma_wait3A_52 = tpu.memref_slice %arg11[%dma_wait3A_45] : memref<2x!tpu.dma_semaphore, #tpu.memory_space<semaphore_mem>> -> memref<1x!tpu.dma_semaphore, #tpu.memory_space<semaphore_mem>>
    %dma_wait3A_53 = tpu.memref_squeeze %dma_wait3A_52 : memref<1x!tpu.dma_semaphore, #tpu.memory_space<semaphore_mem>> -> memref<!tpu.dma_semaphore, #tpu.memory_space<semaphore_mem>>
    %dma_wait3A_54 = arith.constant 0 : i32
    %dma_wait3A_55 = tpu.memref_slice %arg9[%dma_wait3A, %dma_wait3A_54] : memref<2x128xi32, #tpu.memory_space<vmem>> -> memref<1x128xi32, #tpu.memory_space<vmem>>
    %dma_wait3A_56 = tpu.memref_squeeze %dma_wait3A_55 : memref<1x128xi32, #tpu.memory_space<vmem>> -> memref<128xi32, #tpu.memory_space<vmem>>
    %dma_wait3A_57 = arith.constant 0 : i32
    %dma_wait3A_58 = tpu.memref_slice %arg3[%mul3A_4, %dma_wait3A_57] : memref<2560x128xi32, #tpu.memory_space<hbm>> -> memref<1x128xi32, #tpu.memory_space<hbm>>
    %dma_wait3A_59 = tpu.memref_squeeze %dma_wait3A_58 : memref<1x128xi32, #tpu.memory_space<hbm>> -> memref<128xi32, #tpu.memory_space<hbm>>
    tpu.wait_dma2 semaphore(%dma_wait3A_53 : memref<!tpu.dma_semaphore, #tpu.memory_space<semaphore_mem>>) src(%dma_wait3A_59 : memref<128xi32, #tpu.memory_space<hbm>>) dst(%dma_wait3A_56 : memref<128xi32, #tpu.memory_space<vmem>>)
    %dma_wait3A_60 = arith.constant 1 : i32
    %dma_wait3A_61 = arith.constant 1 : i32
    %dma_wait3A_62 = arith.constant 0 : i32
    %dma_wait3A_63 = tpu.memref_slice %arg9[%dma_wait3A_60, %dma_wait3A_62] : memref<2x128xi32, #tpu.memory_space<vmem>> -> memref<1x128xi32, #tpu.memory_space<vmem>>
    %dma_wait3A_64 = tpu.memref_squeeze %dma_wait3A_63 : memref<1x128xi32, #tpu.memory_space<vmem>> -> memref<128xi32, #tpu.memory_space<vmem>>
    %dma_wait3A_65 = arith.constant 0 : i32
    %dma_wait3A_66 = tpu.memref_slice %arg3[%mul3A_4, %dma_wait3A_65] : memref<2560x128xi32, #tpu.memory_space<hbm>> -> memref<1x128xi32, #tpu.memory_space<hbm>>
    %dma_wait3A_67 = tpu.memref_squeeze %dma_wait3A_66 : memref<1x128xi32, #tpu.memory_space<hbm>> -> memref<128xi32, #tpu.memory_space<hbm>>
    %dma_wait3A_68 = tpu.memref_slice %arg11[%dma_wait3A_61] : memref<2x!tpu.dma_semaphore, #tpu.memory_space<semaphore_mem>> -> memref<1x!tpu.dma_semaphore, #tpu.memory_space<semaphore_mem>>
    %dma_wait3A_69 = tpu.memref_squeeze %dma_wait3A_68 : memref<1x!tpu.dma_semaphore, #tpu.memory_space<semaphore_mem>> -> memref<!tpu.dma_semaphore, #tpu.memory_space<semaphore_mem>>
    %dma_wait3A_70 = arith.constant 0 : i32
    %dma_wait3A_71 = tpu.memref_slice %arg9[%dma_wait3A_60, %dma_wait3A_70] : memref<2x128xi32, #tpu.memory_space<vmem>> -> memref<1x128xi32, #tpu.memory_space<vmem>>
    %dma_wait3A_72 = tpu.memref_squeeze %dma_wait3A_71 : memref<1x128xi32, #tpu.memory_space<vmem>> -> memref<128xi32, #tpu.memory_space<vmem>>
    %dma_wait3A_73 = arith.constant 0 : i32
    %dma_wait3A_74 = tpu.memref_slice %arg3[%mul3A_4, %dma_wait3A_73] : memref<2560x128xi32, #tpu.memory_space<hbm>> -> memref<1x128xi32, #tpu.memory_space<hbm>>
    %dma_wait3A_75 = tpu.memref_squeeze %dma_wait3A_74 : memref<1x128xi32, #tpu.memory_space<hbm>> -> memref<128xi32, #tpu.memory_space<hbm>>
    tpu.wait_dma2 semaphore(%dma_wait3A_69 : memref<!tpu.dma_semaphore, #tpu.memory_space<semaphore_mem>>) src(%dma_wait3A_75 : memref<128xi32, #tpu.memory_space<hbm>>) dst(%dma_wait3A_72 : memref<128xi32, #tpu.memory_space<vmem>>)
    %barrier3A_76 = arith.constant 0 : index
    tpu.barrier barrier_id(%barrier3A_76)
    "tpu.region"() ({
      %run_scoped3A = tpu.sem_alloc : memref<!tpu.dma_semaphore, #tpu.memory_space<semaphore_mem>>
      %dma_start3A_77 = arith.constant 0 : i32
      %dma_start3A_78 = tpu.memref_slice %arg6[%arg0, %mul3A_2, %dma_start3A_77] : memref<2x10240x128xf32, #tpu.memory_space<hbm>> -> memref<1x640x128xf32, #tpu.memory_space<hbm>>
      %dma_start3A_79 = tpu.memref_squeeze %dma_start3A_78 : memref<1x640x128xf32, #tpu.memory_space<hbm>> -> memref<640x128xf32, #tpu.memory_space<hbm>>
      %dma_start3A_80 = arith.constant 0 : i32
      %dma_start3A_81 = tpu.memref_slice %arg7[%mul3A_2, %dma_start3A_80] : memref<10240x128xf32, #tpu.memory_space<vmem_shared>> -> memref<640x128xf32, #tpu.memory_space<vmem_shared>>
      tpu.enqueue_dma source(%dma_start3A_81 : memref<640x128xf32, #tpu.memory_space<vmem_shared>>) target(%dma_start3A_79 : memref<640x128xf32, #tpu.memory_space<hbm>>) target_semaphore(%run_scoped3A : memref<!tpu.dma_semaphore, #tpu.memory_space<semaphore_mem>>)
      %dma_wait3A_82 = arith.constant 0 : i32
      %dma_wait3A_83 = tpu.memref_slice %arg6[%arg0, %mul3A_2, %dma_wait3A_82] : memref<2x10240x128xf32, #tpu.memory_space<hbm>> -> memref<1x640x128xf32, #tpu.memory_space<hbm>>
      %dma_wait3A_84 = tpu.memref_squeeze %dma_wait3A_83 : memref<1x640x128xf32, #tpu.memory_space<hbm>> -> memref<640x128xf32, #tpu.memory_space<hbm>>
      %dma_wait3A_85 = arith.constant 0 : i32
      %dma_wait3A_86 = tpu.memref_slice %arg7[%mul3A_2, %dma_wait3A_85] : memref<10240x128xf32, #tpu.memory_space<vmem_shared>> -> memref<640x128xf32, #tpu.memory_space<vmem_shared>>
      tpu.wait_dma2 semaphore(%run_scoped3A : memref<!tpu.dma_semaphore, #tpu.memory_space<semaphore_mem>>) src(%dma_wait3A_86 : memref<640x128xf32, #tpu.memory_space<vmem_shared>>) dst(%dma_wait3A_84 : memref<640x128xf32, #tpu.memory_space<hbm>>)
      tpu.yield
    }) : () -> ()
    return
  }
}

#map = affine_map<(d0, d1) -> (0, 0)>
#map1 = affine_map<(d0, d1) -> (0, 0, 0)>
module attributes {stable_mosaic.version = 14 : i64} {
  func.func @_sc_segsum_body(%arg0: i32, %arg1: i32, %arg2: memref<10240x128xf32, #tpu.memory_space<hbm>>, %arg3: memref<2560x128xi32, #tpu.memory_space<hbm>>, %arg4: memref<32x80x128xi32, #tpu.memory_space<hbm>>, %arg5: memref<640x128xf32, #tpu.memory_space<hbm>>, %arg6: memref<2x10240x128xf32, #tpu.memory_space<hbm>>, %arg7: memref<10240x128xf32, #tpu.memory_space<vmem_shared>>, %arg8: memref<2x128x128xf32, #tpu.memory_space<vmem>>, %arg9: memref<2x128xi32, #tpu.memory_space<vmem>>, %arg10: memref<80x128xi32, #tpu.memory_space<vmem>>, %arg11: memref<2x!tpu.dma_semaphore, #tpu.memory_space<semaphore_mem>>, %arg12: memref<2x!tpu.dma_semaphore, #tpu.memory_space<semaphore_mem>>, %arg13: memref<2x!tpu.dma_semaphore, #tpu.memory_space<semaphore_mem>>) attributes {dimension_semantics = [#tpu.dimension_semantics<core_parallel>, #tpu.dimension_semantics<subcore_parallel>], iteration_bounds = array<i64: 2, 16>, scalar_prefetch = 0 : i64, scratch_operands = 7 : i64, tpu.core_type = #tpu.core_type<sc_vector_subcore>, window_params = [{transform_indices = #map}, {transform_indices = #map}, {transform_indices = #map1}, {transform_indices = #map}, {transform_indices = #map1}]} {
    %mul3A = arith.constant 2 : i32
    %mul3A_0 = arith.muli %arg1, %mul3A : i32
    %add3A = arith.addi %mul3A_0, %arg0 : i32
    %mul3A_1 = arith.constant 640 : i32
    %mul3A_2 = arith.muli %arg1, %mul3A_1 : i32
    "tpu.region"() ({
      %run_scoped3A = tpu.sem_alloc : memref<!tpu.dma_semaphore, #tpu.memory_space<semaphore_mem>>
      %dma_start3A_77 = arith.constant 0 : i32
      %dma_start3A_78 = tpu.memref_slice %arg7[%mul3A_2, %dma_start3A_77] : memref<10240x128xf32, #tpu.memory_space<vmem_shared>> -> memref<640x128xf32, #tpu.memory_space<vmem_shared>>
      tpu.enqueue_dma source(%arg5 : memref<640x128xf32, #tpu.memory_space<hbm>>) target(%dma_start3A_78 : memref<640x128xf32, #tpu.memory_space<vmem_shared>>) target_semaphore(%run_scoped3A : memref<!tpu.dma_semaphore, #tpu.memory_space<semaphore_mem>>)
      %dma_wait3A_79 = arith.constant 0 : i32
      %dma_wait3A_80 = tpu.memref_slice %arg7[%mul3A_2, %dma_wait3A_79] : memref<10240x128xf32, #tpu.memory_space<vmem_shared>> -> memref<640x128xf32, #tpu.memory_space<vmem_shared>>
      tpu.wait_dma2 semaphore(%run_scoped3A : memref<!tpu.dma_semaphore, #tpu.memory_space<semaphore_mem>>) src(%arg5 : memref<640x128xf32, #tpu.memory_space<hbm>>) dst(%dma_wait3A_80 : memref<640x128xf32, #tpu.memory_space<vmem_shared>>)
      tpu.yield
    }) : () -> ()
    "tpu.region"() ({
      %run_scoped3A = tpu.sem_alloc : memref<!tpu.dma_semaphore, #tpu.memory_space<semaphore_mem>>
      %dma_start3A_77 = arith.constant 0 : i32
      %dma_start3A_78 = arith.constant 0 : i32
      %dma_start3A_79 = tpu.memref_slice %arg4[%add3A, %dma_start3A_77, %dma_start3A_78] : memref<32x80x128xi32, #tpu.memory_space<hbm>> -> memref<1x80x128xi32, #tpu.memory_space<hbm>>
      %dma_start3A_80 = tpu.memref_squeeze %dma_start3A_79 : memref<1x80x128xi32, #tpu.memory_space<hbm>> -> memref<80x128xi32, #tpu.memory_space<hbm>>
      %dma_start3A_81 = arith.constant 0 : i32
      %dma_start3A_82 = arith.constant 0 : i32
      %dma_start3A_83 = tpu.memref_slice %arg4[%add3A, %dma_start3A_81, %dma_start3A_82] : memref<32x80x128xi32, #tpu.memory_space<hbm>> -> memref<1x80x128xi32, #tpu.memory_space<hbm>>
      %dma_start3A_84 = tpu.memref_squeeze %dma_start3A_83 : memref<1x80x128xi32, #tpu.memory_space<hbm>> -> memref<80x128xi32, #tpu.memory_space<hbm>>
      tpu.enqueue_dma source(%dma_start3A_84 : memref<80x128xi32, #tpu.memory_space<hbm>>) target(%arg10 : memref<80x128xi32, #tpu.memory_space<vmem>>) target_semaphore(%run_scoped3A : memref<!tpu.dma_semaphore, #tpu.memory_space<semaphore_mem>>)
      %dma_wait3A_85 = arith.constant 0 : i32
      %dma_wait3A_86 = arith.constant 0 : i32
      %dma_wait3A_87 = tpu.memref_slice %arg4[%add3A, %dma_wait3A_85, %dma_wait3A_86] : memref<32x80x128xi32, #tpu.memory_space<hbm>> -> memref<1x80x128xi32, #tpu.memory_space<hbm>>
      %dma_wait3A_88 = tpu.memref_squeeze %dma_wait3A_87 : memref<1x80x128xi32, #tpu.memory_space<hbm>> -> memref<80x128xi32, #tpu.memory_space<hbm>>
      %dma_wait3A_89 = arith.constant 0 : i32
      %dma_wait3A_90 = arith.constant 0 : i32
      %dma_wait3A_91 = tpu.memref_slice %arg4[%add3A, %dma_wait3A_89, %dma_wait3A_90] : memref<32x80x128xi32, #tpu.memory_space<hbm>> -> memref<1x80x128xi32, #tpu.memory_space<hbm>>
      %dma_wait3A_92 = tpu.memref_squeeze %dma_wait3A_91 : memref<1x80x128xi32, #tpu.memory_space<hbm>> -> memref<80x128xi32, #tpu.memory_space<hbm>>
      tpu.wait_dma2 semaphore(%run_scoped3A : memref<!tpu.dma_semaphore, #tpu.memory_space<semaphore_mem>>) src(%dma_wait3A_92 : memref<80x128xi32, #tpu.memory_space<hbm>>) dst(%arg10 : memref<80x128xi32, #tpu.memory_space<vmem>>)
      tpu.yield
    }) : () -> ()
    %mul3A_3 = arith.constant 80 : i32
    %mul3A_4 = arith.muli %add3A, %mul3A_3 : i32
    %add3A_5 = arith.constant 0 : i32
    %add3A_6 = arith.addi %mul3A_4, %add3A_5 : i32
    %dma_start3A = arith.constant 0 : i32
    %dma_start3A_7 = arith.constant 0 : i32
    %dma_start3A_8 = arith.constant 0 : i32
    %dma_start3A_9 = tpu.memref_slice %arg9[%dma_start3A, %dma_start3A_8] : memref<2x128xi32, #tpu.memory_space<vmem>> -> memref<1x128xi32, #tpu.memory_space<vmem>>
    %dma_start3A_10 = tpu.memref_squeeze %dma_start3A_9 : memref<1x128xi32, #tpu.memory_space<vmem>> -> memref<128xi32, #tpu.memory_space<vmem>>
    %dma_start3A_11 = arith.constant 0 : i32
    %dma_start3A_12 = tpu.memref_slice %arg3[%add3A_6, %dma_start3A_11] : memref<2560x128xi32, #tpu.memory_space<hbm>> -> memref<1x128xi32, #tpu.memory_space<hbm>>
    %dma_start3A_13 = tpu.memref_squeeze %dma_start3A_12 : memref<1x128xi32, #tpu.memory_space<hbm>> -> memref<128xi32, #tpu.memory_space<hbm>>
    %dma_start3A_14 = tpu.memref_slice %arg11[%dma_start3A_7] : memref<2x!tpu.dma_semaphore, #tpu.memory_space<semaphore_mem>> -> memref<1x!tpu.dma_semaphore, #tpu.memory_space<semaphore_mem>>
    %dma_start3A_15 = tpu.memref_squeeze %dma_start3A_14 : memref<1x!tpu.dma_semaphore, #tpu.memory_space<semaphore_mem>> -> memref<!tpu.dma_semaphore, #tpu.memory_space<semaphore_mem>>
    %dma_start3A_16 = arith.constant 0 : i32
    %dma_start3A_17 = tpu.memref_slice %arg9[%dma_start3A, %dma_start3A_16] : memref<2x128xi32, #tpu.memory_space<vmem>> -> memref<1x128xi32, #tpu.memory_space<vmem>>
    %dma_start3A_18 = tpu.memref_squeeze %dma_start3A_17 : memref<1x128xi32, #tpu.memory_space<vmem>> -> memref<128xi32, #tpu.memory_space<vmem>>
    %dma_start3A_19 = arith.constant 0 : i32
    %dma_start3A_20 = tpu.memref_slice %arg3[%add3A_6, %dma_start3A_19] : memref<2560x128xi32, #tpu.memory_space<hbm>> -> memref<1x128xi32, #tpu.memory_space<hbm>>
    %dma_start3A_21 = tpu.memref_squeeze %dma_start3A_20 : memref<1x128xi32, #tpu.memory_space<hbm>> -> memref<128xi32, #tpu.memory_space<hbm>>
    tpu.enqueue_dma source(%dma_start3A_21 : memref<128xi32, #tpu.memory_space<hbm>>) target(%dma_start3A_18 : memref<128xi32, #tpu.memory_space<vmem>>) target_semaphore(%dma_start3A_15 : memref<!tpu.dma_semaphore, #tpu.memory_space<semaphore_mem>>)
    %add3A_22 = arith.constant 1 : i32
    %add3A_23 = arith.addi %mul3A_4, %add3A_22 : i32
    %dma_start3A_24 = arith.constant 1 : i32
    %dma_start3A_25 = arith.constant 1 : i32
    %dma_start3A_26 = arith.constant 0 : i32
    %dma_start3A_27 = tpu.memref_slice %arg9[%dma_start3A_24, %dma_start3A_26] : memref<2x128xi32, #tpu.memory_space<vmem>> -> memref<1x128xi32, #tpu.memory_space<vmem>>
    %dma_start3A_28 = tpu.memref_squeeze %dma_start3A_27 : memref<1x128xi32, #tpu.memory_space<vmem>> -> memref<128xi32, #tpu.memory_space<vmem>>
    %dma_start3A_29 = arith.constant 0 : i32
    %dma_start3A_30 = tpu.memref_slice %arg3[%add3A_23, %dma_start3A_29] : memref<2560x128xi32, #tpu.memory_space<hbm>> -> memref<1x128xi32, #tpu.memory_space<hbm>>
    %dma_start3A_31 = tpu.memref_squeeze %dma_start3A_30 : memref<1x128xi32, #tpu.memory_space<hbm>> -> memref<128xi32, #tpu.memory_space<hbm>>
    %dma_start3A_32 = tpu.memref_slice %arg11[%dma_start3A_25] : memref<2x!tpu.dma_semaphore, #tpu.memory_space<semaphore_mem>> -> memref<1x!tpu.dma_semaphore, #tpu.memory_space<semaphore_mem>>
    %dma_start3A_33 = tpu.memref_squeeze %dma_start3A_32 : memref<1x!tpu.dma_semaphore, #tpu.memory_space<semaphore_mem>> -> memref<!tpu.dma_semaphore, #tpu.memory_space<semaphore_mem>>
    %dma_start3A_34 = arith.constant 0 : i32
    %dma_start3A_35 = tpu.memref_slice %arg9[%dma_start3A_24, %dma_start3A_34] : memref<2x128xi32, #tpu.memory_space<vmem>> -> memref<1x128xi32, #tpu.memory_space<vmem>>
    %dma_start3A_36 = tpu.memref_squeeze %dma_start3A_35 : memref<1x128xi32, #tpu.memory_space<vmem>> -> memref<128xi32, #tpu.memory_space<vmem>>
    %dma_start3A_37 = arith.constant 0 : i32
    %dma_start3A_38 = tpu.memref_slice %arg3[%add3A_23, %dma_start3A_37] : memref<2560x128xi32, #tpu.memory_space<hbm>> -> memref<1x128xi32, #tpu.memory_space<hbm>>
    %dma_start3A_39 = tpu.memref_squeeze %dma_start3A_38 : memref<1x128xi32, #tpu.memory_space<hbm>> -> memref<128xi32, #tpu.memory_space<hbm>>
    tpu.enqueue_dma source(%dma_start3A_39 : memref<128xi32, #tpu.memory_space<hbm>>) target(%dma_start3A_36 : memref<128xi32, #tpu.memory_space<vmem>>) target_semaphore(%dma_start3A_33 : memref<!tpu.dma_semaphore, #tpu.memory_space<semaphore_mem>>)
    %barrier3A = arith.constant 0 : index
    tpu.barrier barrier_id(%barrier3A)
    %scan3A = arith.constant 0 : i32
    %scan3A_40 = arith.constant 0 : i32
    %scan3A_41 = arith.constant 40 : i32
    %scan3A_42 = arith.addi %scan3A_40, %scan3A_41 : i32
    %scan3A_43 = arith.constant 1 : i32
    scf.for %scan3A_77 = %scan3A_40 to %scan3A_42 step %scan3A_43  : i32 {
      %mul3A_78 = arith.constant 2 : i32
      %mul3A_79 = arith.muli %scan3A_77, %mul3A_78 : i32
      %add3A_80 = arith.constant 0 : i32
      %add3A_81 = arith.addi %mul3A_79, %add3A_80 : i32
      %dma_wait3A_82 = arith.constant 0 : i32
      %dma_wait3A_83 = arith.constant 0 : i32
      %dma_wait3A_84 = arith.constant 0 : i32
      %dma_wait3A_85 = tpu.memref_slice %arg9[%dma_wait3A_82, %dma_wait3A_84] : memref<2x128xi32, #tpu.memory_space<vmem>> -> memref<1x128xi32, #tpu.memory_space<vmem>>
      %dma_wait3A_86 = tpu.memref_squeeze %dma_wait3A_85 : memref<1x128xi32, #tpu.memory_space<vmem>> -> memref<128xi32, #tpu.memory_space<vmem>>
      %dma_wait3A_87 = arith.constant 0 : i32
      %dma_wait3A_88 = tpu.memref_slice %arg3[%mul3A_4, %dma_wait3A_87] : memref<2560x128xi32, #tpu.memory_space<hbm>> -> memref<1x128xi32, #tpu.memory_space<hbm>>
      %dma_wait3A_89 = tpu.memref_squeeze %dma_wait3A_88 : memref<1x128xi32, #tpu.memory_space<hbm>> -> memref<128xi32, #tpu.memory_space<hbm>>
      %dma_wait3A_90 = tpu.memref_slice %arg11[%dma_wait3A_83] : memref<2x!tpu.dma_semaphore, #tpu.memory_space<semaphore_mem>> -> memref<1x!tpu.dma_semaphore, #tpu.memory_space<semaphore_mem>>
      %dma_wait3A_91 = tpu.memref_squeeze %dma_wait3A_90 : memref<1x!tpu.dma_semaphore, #tpu.memory_space<semaphore_mem>> -> memref<!tpu.dma_semaphore, #tpu.memory_space<semaphore_mem>>
      %dma_wait3A_92 = arith.constant 0 : i32
      %dma_wait3A_93 = tpu.memref_slice %arg9[%dma_wait3A_82, %dma_wait3A_92] : memref<2x128xi32, #tpu.memory_space<vmem>> -> memref<1x128xi32, #tpu.memory_space<vmem>>
      %dma_wait3A_94 = tpu.memref_squeeze %dma_wait3A_93 : memref<1x128xi32, #tpu.memory_space<vmem>> -> memref<128xi32, #tpu.memory_space<vmem>>
      %dma_wait3A_95 = arith.constant 0 : i32
      %dma_wait3A_96 = tpu.memref_slice %arg3[%mul3A_4, %dma_wait3A_95] : memref<2560x128xi32, #tpu.memory_space<hbm>> -> memref<1x128xi32, #tpu.memory_space<hbm>>
      %dma_wait3A_97 = tpu.memref_squeeze %dma_wait3A_96 : memref<1x128xi32, #tpu.memory_space<hbm>> -> memref<128xi32, #tpu.memory_space<hbm>>
      tpu.wait_dma2 semaphore(%dma_wait3A_91 : memref<!tpu.dma_semaphore, #tpu.memory_space<semaphore_mem>>) src(%dma_wait3A_97 : memref<128xi32, #tpu.memory_space<hbm>>) dst(%dma_wait3A_94 : memref<128xi32, #tpu.memory_space<vmem>>)
      %dma_start3A_98 = arith.constant 0 : i32
      %dma_start3A_99 = arith.constant 0 : i32
      %dma_start3A_100 = arith.constant 0 : i32
      %dma_start3A_101 = arith.constant 0 : i32
      %dma_start3A_102 = arith.constant 0 : i32
      %dma_start3A_103 = tpu.memref_slice %arg8[%dma_start3A_99, %dma_start3A_101, %dma_start3A_102] : memref<2x128x128xf32, #tpu.memory_space<vmem>> -> memref<1x128x128xf32, #tpu.memory_space<vmem>>
      %dma_start3A_104 = tpu.memref_squeeze %dma_start3A_103 : memref<1x128x128xf32, #tpu.memory_space<vmem>> -> memref<128x128xf32, #tpu.memory_space<vmem>>
      %dma_start3A_105 = arith.constant 0 : i32
      %dma_start3A_106 = tpu.memref_slice %arg9[%dma_start3A_98, %dma_start3A_105] : memref<2x128xi32, #tpu.memory_space<vmem>> -> memref<1x128xi32, #tpu.memory_space<vmem>>
      %dma_start3A_107 = tpu.memref_squeeze %dma_start3A_106 : memref<1x128xi32, #tpu.memory_space<vmem>> -> memref<128xi32, #tpu.memory_space<vmem>>
      %dma_start3A_108 = arith.constant 0 : i32
      %dma_start3A_109 = arith.constant 0 : i32
      %dma_start3A_110 = tpu.memref_slice %arg2[%dma_start3A_108, %dma_start3A_109] : memref<10240x128xf32, #tpu.memory_space<hbm>> -> memref<10240x128xf32, #tpu.memory_space<hbm>>
      %dma_start3A_111 = tpu.memref_slice %arg12[%dma_start3A_100] : memref<2x!tpu.dma_semaphore, #tpu.memory_space<semaphore_mem>> -> memref<1x!tpu.dma_semaphore, #tpu.memory_space<semaphore_mem>>
      %dma_start3A_112 = tpu.memref_squeeze %dma_start3A_111 : memref<1x!tpu.dma_semaphore, #tpu.memory_space<semaphore_mem>> -> memref<!tpu.dma_semaphore, #tpu.memory_space<semaphore_mem>>
      tpu.enqueue_indirect_dma source(%dma_start3A_110 : memref<10240x128xf32, #tpu.memory_space<hbm>>) target(%dma_start3A_104 : memref<128x128xf32, #tpu.memory_space<vmem>>) offsets(%dma_start3A_107 : memref<128xi32, #tpu.memory_space<vmem>>) semaphore(%dma_start3A_112 : memref<!tpu.dma_semaphore, #tpu.memory_space<semaphore_mem>>)
      %mul3A_113 = arith.constant 2 : i32
      %mul3A_114 = arith.muli %scan3A_77, %mul3A_113 : i32
      %add3A_115 = arith.constant 1 : i32
      %add3A_116 = arith.addi %mul3A_114, %add3A_115 : i32
      %dma_wait3A_117 = arith.constant 1 : i32
      %dma_wait3A_118 = arith.constant 1 : i32
      %dma_wait3A_119 = arith.constant 0 : i32
      %dma_wait3A_120 = tpu.memref_slice %arg9[%dma_wait3A_117, %dma_wait3A_119] : memref<2x128xi32, #tpu.memory_space<vmem>> -> memref<1x128xi32, #tpu.memory_space<vmem>>
      %dma_wait3A_121 = tpu.memref_squeeze %dma_wait3A_120 : memref<1x128xi32, #tpu.memory_space<vmem>> -> memref<128xi32, #tpu.memory_space<vmem>>
      %dma_wait3A_122 = arith.constant 0 : i32
      %dma_wait3A_123 = tpu.memref_slice %arg3[%mul3A_4, %dma_wait3A_122] : memref<2560x128xi32, #tpu.memory_space<hbm>> -> memref<1x128xi32, #tpu.memory_space<hbm>>
      %dma_wait3A_124 = tpu.memref_squeeze %dma_wait3A_123 : memref<1x128xi32, #tpu.memory_space<hbm>> -> memref<128xi32, #tpu.memory_space<hbm>>
      %dma_wait3A_125 = tpu.memref_slice %arg11[%dma_wait3A_118] : memref<2x!tpu.dma_semaphore, #tpu.memory_space<semaphore_mem>> -> memref<1x!tpu.dma_semaphore, #tpu.memory_space<semaphore_mem>>
      %dma_wait3A_126 = tpu.memref_squeeze %dma_wait3A_125 : memref<1x!tpu.dma_semaphore, #tpu.memory_space<semaphore_mem>> -> memref<!tpu.dma_semaphore, #tpu.memory_space<semaphore_mem>>
      %dma_wait3A_127 = arith.constant 0 : i32
      %dma_wait3A_128 = tpu.memref_slice %arg9[%dma_wait3A_117, %dma_wait3A_127] : memref<2x128xi32, #tpu.memory_space<vmem>> -> memref<1x128xi32, #tpu.memory_space<vmem>>
      %dma_wait3A_129 = tpu.memref_squeeze %dma_wait3A_128 : memref<1x128xi32, #tpu.memory_space<vmem>> -> memref<128xi32, #tpu.memory_space<vmem>>
      %dma_wait3A_130 = arith.constant 0 : i32
      %dma_wait3A_131 = tpu.memref_slice %arg3[%mul3A_4, %dma_wait3A_130] : memref<2560x128xi32, #tpu.memory_space<hbm>> -> memref<1x128xi32, #tpu.memory_space<hbm>>
      %dma_wait3A_132 = tpu.memref_squeeze %dma_wait3A_131 : memref<1x128xi32, #tpu.memory_space<hbm>> -> memref<128xi32, #tpu.memory_space<hbm>>
      tpu.wait_dma2 semaphore(%dma_wait3A_126 : memref<!tpu.dma_semaphore, #tpu.memory_space<semaphore_mem>>) src(%dma_wait3A_132 : memref<128xi32, #tpu.memory_space<hbm>>) dst(%dma_wait3A_129 : memref<128xi32, #tpu.memory_space<vmem>>)
      %dma_start3A_133 = arith.constant 1 : i32
      %dma_start3A_134 = arith.constant 1 : i32
      %dma_start3A_135 = arith.constant 1 : i32
      %dma_start3A_136 = arith.constant 0 : i32
      %dma_start3A_137 = arith.constant 0 : i32
      %dma_start3A_138 = tpu.memref_slice %arg8[%dma_start3A_134, %dma_start3A_136, %dma_start3A_137] : memref<2x128x128xf32, #tpu.memory_space<vmem>> -> memref<1x128x128xf32, #tpu.memory_space<vmem>>
      %dma_start3A_139 = tpu.memref_squeeze %dma_start3A_138 : memref<1x128x128xf32, #tpu.memory_space<vmem>> -> memref<128x128xf32, #tpu.memory_space<vmem>>
      %dma_start3A_140 = arith.constant 0 : i32
      %dma_start3A_141 = tpu.memref_slice %arg9[%dma_start3A_133, %dma_start3A_140] : memref<2x128xi32, #tpu.memory_space<vmem>> -> memref<1x128xi32, #tpu.memory_space<vmem>>
      %dma_start3A_142 = tpu.memref_squeeze %dma_start3A_141 : memref<1x128xi32, #tpu.memory_space<vmem>> -> memref<128xi32, #tpu.memory_space<vmem>>
      %dma_start3A_143 = arith.constant 0 : i32
      %dma_start3A_144 = arith.constant 0 : i32
      %dma_start3A_145 = tpu.memref_slice %arg2[%dma_start3A_143, %dma_start3A_144] : memref<10240x128xf32, #tpu.memory_space<hbm>> -> memref<10240x128xf32, #tpu.memory_space<hbm>>
      %dma_start3A_146 = tpu.memref_slice %arg12[%dma_start3A_135] : memref<2x!tpu.dma_semaphore, #tpu.memory_space<semaphore_mem>> -> memref<1x!tpu.dma_semaphore, #tpu.memory_space<semaphore_mem>>
      %dma_start3A_147 = tpu.memref_squeeze %dma_start3A_146 : memref<1x!tpu.dma_semaphore, #tpu.memory_space<semaphore_mem>> -> memref<!tpu.dma_semaphore, #tpu.memory_space<semaphore_mem>>
      tpu.enqueue_indirect_dma source(%dma_start3A_145 : memref<10240x128xf32, #tpu.memory_space<hbm>>) target(%dma_start3A_139 : memref<128x128xf32, #tpu.memory_space<vmem>>) offsets(%dma_start3A_142 : memref<128xi32, #tpu.memory_space<vmem>>) semaphore(%dma_start3A_147 : memref<!tpu.dma_semaphore, #tpu.memory_space<semaphore_mem>>)
      %mul3A_148 = arith.constant 2 : i32
      %mul3A_149 = arith.muli %scan3A_77, %mul3A_148 : i32
      %add3A_150 = arith.constant 0 : i32
      %add3A_151 = arith.addi %mul3A_149, %add3A_150 : i32
      %dma_wait3A_152 = arith.constant 0 : i32
      %dma_wait3A_153 = arith.constant 0 : i32
      %dma_wait3A_154 = arith.constant 0 : i32
      %dma_wait3A_155 = arith.constant 0 : i32
      %dma_wait3A_156 = arith.constant 0 : i32
      %dma_wait3A_157 = tpu.memref_slice %arg8[%dma_wait3A_153, %dma_wait3A_155, %dma_wait3A_156] : memref<2x128x128xf32, #tpu.memory_space<vmem>> -> memref<1x128x128xf32, #tpu.memory_space<vmem>>
      %dma_wait3A_158 = tpu.memref_squeeze %dma_wait3A_157 : memref<1x128x128xf32, #tpu.memory_space<vmem>> -> memref<128x128xf32, #tpu.memory_space<vmem>>
      %dma_wait3A_159 = arith.constant 0 : i32
      %dma_wait3A_160 = tpu.memref_slice %arg9[%dma_wait3A_152, %dma_wait3A_159] : memref<2x128xi32, #tpu.memory_space<vmem>> -> memref<1x128xi32, #tpu.memory_space<vmem>>
      %dma_wait3A_161 = tpu.memref_squeeze %dma_wait3A_160 : memref<1x128xi32, #tpu.memory_space<vmem>> -> memref<128xi32, #tpu.memory_space<vmem>>
      %dma_wait3A_162 = arith.constant 0 : i32
      %dma_wait3A_163 = arith.constant 0 : i32
      %dma_wait3A_164 = tpu.memref_slice %arg2[%dma_wait3A_162, %dma_wait3A_163] : memref<10240x128xf32, #tpu.memory_space<hbm>> -> memref<10240x128xf32, #tpu.memory_space<hbm>>
      %dma_wait3A_165 = tpu.memref_slice %arg12[%dma_wait3A_154] : memref<2x!tpu.dma_semaphore, #tpu.memory_space<semaphore_mem>> -> memref<1x!tpu.dma_semaphore, #tpu.memory_space<semaphore_mem>>
      %dma_wait3A_166 = tpu.memref_squeeze %dma_wait3A_165 : memref<1x!tpu.dma_semaphore, #tpu.memory_space<semaphore_mem>> -> memref<!tpu.dma_semaphore, #tpu.memory_space<semaphore_mem>>
      tpu.wait_indirect_dma semaphore(%dma_wait3A_166 : memref<!tpu.dma_semaphore, #tpu.memory_space<semaphore_mem>>) src(%dma_wait3A_164 : memref<10240x128xf32, #tpu.memory_space<hbm>>) dst(%dma_wait3A_158 : memref<128x128xf32, #tpu.memory_space<vmem>>)
      %add3A_167 = arith.constant 1 : i32
      %add3A_168 = arith.addi %scan3A_77, %add3A_167 : i32
      %lt3A = arith.constant 40 : i32
      %lt3A_169 = arith.cmpi slt, %add3A_168, %lt3A : i32
      %add3A_170 = arith.constant 1 : i32
      %add3A_171 = arith.addi %scan3A_77, %add3A_170 : i32
      %mul3A_172 = arith.constant 2 : i32
      %mul3A_173 = arith.muli %add3A_171, %mul3A_172 : i32
      %add3A_174 = arith.constant 0 : i32
      %add3A_175 = arith.addi %mul3A_173, %add3A_174 : i32
      %jit3A = arith.constant 0 : i32
      %select_n3A = arith.select %lt3A_169, %add3A_175, %jit3A : i32
      %add3A_176 = arith.addi %mul3A_4, %select_n3A : i32
      %dma_start3A_177 = arith.constant 0 : i32
      %dma_start3A_178 = arith.constant 0 : i32
      %dma_start3A_179 = arith.constant 0 : i32
      %dma_start3A_180 = tpu.memref_slice %arg9[%dma_start3A_177, %dma_start3A_179] : memref<2x128xi32, #tpu.memory_space<vmem>> -> memref<1x128xi32, #tpu.memory_space<vmem>>
      %dma_start3A_181 = tpu.memref_squeeze %dma_start3A_180 : memref<1x128xi32, #tpu.memory_space<vmem>> -> memref<128xi32, #tpu.memory_space<vmem>>
      %dma_start3A_182 = arith.constant 0 : i32
      %dma_start3A_183 = tpu.memref_slice %arg3[%add3A_176, %dma_start3A_182] : memref<2560x128xi32, #tpu.memory_space<hbm>> -> memref<1x128xi32, #tpu.memory_space<hbm>>
      %dma_start3A_184 = tpu.memref_squeeze %dma_start3A_183 : memref<1x128xi32, #tpu.memory_space<hbm>> -> memref<128xi32, #tpu.memory_space<hbm>>
      %dma_start3A_185 = tpu.memref_slice %arg11[%dma_start3A_178] : memref<2x!tpu.dma_semaphore, #tpu.memory_space<semaphore_mem>> -> memref<1x!tpu.dma_semaphore, #tpu.memory_space<semaphore_mem>>
      %dma_start3A_186 = tpu.memref_squeeze %dma_start3A_185 : memref<1x!tpu.dma_semaphore, #tpu.memory_space<semaphore_mem>> -> memref<!tpu.dma_semaphore, #tpu.memory_space<semaphore_mem>>
      %dma_start3A_187 = arith.constant 0 : i32
      %dma_start3A_188 = tpu.memref_slice %arg9[%dma_start3A_177, %dma_start3A_187] : memref<2x128xi32, #tpu.memory_space<vmem>> -> memref<1x128xi32, #tpu.memory_space<vmem>>
      %dma_start3A_189 = tpu.memref_squeeze %dma_start3A_188 : memref<1x128xi32, #tpu.memory_space<vmem>> -> memref<128xi32, #tpu.memory_space<vmem>>
      %dma_start3A_190 = arith.constant 0 : i32
      %dma_start3A_191 = tpu.memref_slice %arg3[%add3A_176, %dma_start3A_190] : memref<2560x128xi32, #tpu.memory_space<hbm>> -> memref<1x128xi32, #tpu.memory_space<hbm>>
      %dma_start3A_192 = tpu.memref_squeeze %dma_start3A_191 : memref<1x128xi32, #tpu.memory_space<hbm>> -> memref<128xi32, #tpu.memory_space<hbm>>
      tpu.enqueue_dma source(%dma_start3A_192 : memref<128xi32, #tpu.memory_space<hbm>>) target(%dma_start3A_189 : memref<128xi32, #tpu.memory_space<vmem>>) target_semaphore(%dma_start3A_186 : memref<!tpu.dma_semaphore, #tpu.memory_space<semaphore_mem>>)
      %dma_start3A_193 = arith.constant 0 : i32
      %dma_start3A_194 = arith.constant 0 : i32
      %dma_start3A_195 = arith.constant 0 : i32
      %dma_start3A_196 = arith.constant 0 : i32
      %dma_start3A_197 = tpu.memref_slice %arg8[%dma_start3A_193, %dma_start3A_195, %dma_start3A_196] : memref<2x128x128xf32, #tpu.memory_space<vmem>> -> memref<1x128x128xf32, #tpu.memory_space<vmem>>
      %dma_start3A_198 = tpu.memref_squeeze %dma_start3A_197 : memref<1x128x128xf32, #tpu.memory_space<vmem>> -> memref<128x128xf32, #tpu.memory_space<vmem>>
      %dma_start3A_199 = arith.constant 0 : i32
      %dma_start3A_200 = tpu.memref_slice %arg10[%add3A_151, %dma_start3A_199] : memref<80x128xi32, #tpu.memory_space<vmem>> -> memref<1x128xi32, #tpu.memory_space<vmem>>
      %dma_start3A_201 = tpu.memref_squeeze %dma_start3A_200 : memref<1x128xi32, #tpu.memory_space<vmem>> -> memref<128xi32, #tpu.memory_space<vmem>>
      %dma_start3A_202 = arith.constant 0 : i32
      %dma_start3A_203 = arith.constant 0 : i32
      %dma_start3A_204 = tpu.memref_slice %arg7[%dma_start3A_202, %dma_start3A_203] : memref<10240x128xf32, #tpu.memory_space<vmem_shared>> -> memref<10240x128xf32, #tpu.memory_space<vmem_shared>>
      %dma_start3A_205 = tpu.memref_slice %arg13[%dma_start3A_194] : memref<2x!tpu.dma_semaphore, #tpu.memory_space<semaphore_mem>> -> memref<1x!tpu.dma_semaphore, #tpu.memory_space<semaphore_mem>>
      %dma_start3A_206 = tpu.memref_squeeze %dma_start3A_205 : memref<1x!tpu.dma_semaphore, #tpu.memory_space<semaphore_mem>> -> memref<!tpu.dma_semaphore, #tpu.memory_space<semaphore_mem>>
      tpu.enqueue_indirect_dma source(%dma_start3A_198 : memref<128x128xf32, #tpu.memory_space<vmem>>) target(%dma_start3A_204 : memref<10240x128xf32, #tpu.memory_space<vmem_shared>>) offsets(%dma_start3A_201 : memref<128xi32, #tpu.memory_space<vmem>>) semaphore(%dma_start3A_206 : memref<!tpu.dma_semaphore, #tpu.memory_space<semaphore_mem>>) {add = true}
      %mul3A_207 = arith.constant 2 : i32
      %mul3A_208 = arith.muli %scan3A_77, %mul3A_207 : i32
      %add3A_209 = arith.constant 1 : i32
      %add3A_210 = arith.addi %mul3A_208, %add3A_209 : i32
      %dma_wait3A_211 = arith.constant 1 : i32
      %dma_wait3A_212 = arith.constant 1 : i32
      %dma_wait3A_213 = arith.constant 1 : i32
      %dma_wait3A_214 = arith.constant 0 : i32
      %dma_wait3A_215 = arith.constant 0 : i32
      %dma_wait3A_216 = tpu.memref_slice %arg8[%dma_wait3A_212, %dma_wait3A_214, %dma_wait3A_215] : memref<2x128x128xf32, #tpu.memory_space<vmem>> -> memref<1x128x128xf32, #tpu.memory_space<vmem>>
      %dma_wait3A_217 = tpu.memref_squeeze %dma_wait3A_216 : memref<1x128x128xf32, #tpu.memory_space<vmem>> -> memref<128x128xf32, #tpu.memory_space<vmem>>
      %dma_wait3A_218 = arith.constant 0 : i32
      %dma_wait3A_219 = tpu.memref_slice %arg9[%dma_wait3A_211, %dma_wait3A_218] : memref<2x128xi32, #tpu.memory_space<vmem>> -> memref<1x128xi32, #tpu.memory_space<vmem>>
      %dma_wait3A_220 = tpu.memref_squeeze %dma_wait3A_219 : memref<1x128xi32, #tpu.memory_space<vmem>> -> memref<128xi32, #tpu.memory_space<vmem>>
      %dma_wait3A_221 = arith.constant 0 : i32
      %dma_wait3A_222 = arith.constant 0 : i32
      %dma_wait3A_223 = tpu.memref_slice %arg2[%dma_wait3A_221, %dma_wait3A_222] : memref<10240x128xf32, #tpu.memory_space<hbm>> -> memref<10240x128xf32, #tpu.memory_space<hbm>>
      %dma_wait3A_224 = tpu.memref_slice %arg12[%dma_wait3A_213] : memref<2x!tpu.dma_semaphore, #tpu.memory_space<semaphore_mem>> -> memref<1x!tpu.dma_semaphore, #tpu.memory_space<semaphore_mem>>
      %dma_wait3A_225 = tpu.memref_squeeze %dma_wait3A_224 : memref<1x!tpu.dma_semaphore, #tpu.memory_space<semaphore_mem>> -> memref<!tpu.dma_semaphore, #tpu.memory_space<semaphore_mem>>
      tpu.wait_indirect_dma semaphore(%dma_wait3A_225 : memref<!tpu.dma_semaphore, #tpu.memory_space<semaphore_mem>>) src(%dma_wait3A_223 : memref<10240x128xf32, #tpu.memory_space<hbm>>) dst(%dma_wait3A_217 : memref<128x128xf32, #tpu.memory_space<vmem>>)
      %add3A_226 = arith.constant 1 : i32
      %add3A_227 = arith.addi %scan3A_77, %add3A_226 : i32
      %lt3A_228 = arith.constant 40 : i32
      %lt3A_229 = arith.cmpi slt, %add3A_227, %lt3A_228 : i32
      %add3A_230 = arith.constant 1 : i32
      %add3A_231 = arith.addi %scan3A_77, %add3A_230 : i32
      %mul3A_232 = arith.constant 2 : i32
      %mul3A_233 = arith.muli %add3A_231, %mul3A_232 : i32
      %add3A_234 = arith.constant 1 : i32
      %add3A_235 = arith.addi %mul3A_233, %add3A_234 : i32
      %jit3A_236 = arith.constant 1 : i32
      %select_n3A_237 = arith.select %lt3A_229, %add3A_235, %jit3A_236 : i32
      %add3A_238 = arith.addi %mul3A_4, %select_n3A_237 : i32
      %dma_start3A_239 = arith.constant 1 : i32
      %dma_start3A_240 = arith.constant 1 : i32
      %dma_start3A_241 = arith.constant 0 : i32
      %dma_start3A_242 = tpu.memref_slice %arg9[%dma_start3A_239, %dma_start3A_241] : memref<2x128xi32, #tpu.memory_space<vmem>> -> memref<1x128xi32, #tpu.memory_space<vmem>>
      %dma_start3A_243 = tpu.memref_squeeze %dma_start3A_242 : memref<1x128xi32, #tpu.memory_space<vmem>> -> memref<128xi32, #tpu.memory_space<vmem>>
      %dma_start3A_244 = arith.constant 0 : i32
      %dma_start3A_245 = tpu.memref_slice %arg3[%add3A_238, %dma_start3A_244] : memref<2560x128xi32, #tpu.memory_space<hbm>> -> memref<1x128xi32, #tpu.memory_space<hbm>>
      %dma_start3A_246 = tpu.memref_squeeze %dma_start3A_245 : memref<1x128xi32, #tpu.memory_space<hbm>> -> memref<128xi32, #tpu.memory_space<hbm>>
      %dma_start3A_247 = tpu.memref_slice %arg11[%dma_start3A_240] : memref<2x!tpu.dma_semaphore, #tpu.memory_space<semaphore_mem>> -> memref<1x!tpu.dma_semaphore, #tpu.memory_space<semaphore_mem>>
      %dma_start3A_248 = tpu.memref_squeeze %dma_start3A_247 : memref<1x!tpu.dma_semaphore, #tpu.memory_space<semaphore_mem>> -> memref<!tpu.dma_semaphore, #tpu.memory_space<semaphore_mem>>
      %dma_start3A_249 = arith.constant 0 : i32
      %dma_start3A_250 = tpu.memref_slice %arg9[%dma_start3A_239, %dma_start3A_249] : memref<2x128xi32, #tpu.memory_space<vmem>> -> memref<1x128xi32, #tpu.memory_space<vmem>>
      %dma_start3A_251 = tpu.memref_squeeze %dma_start3A_250 : memref<1x128xi32, #tpu.memory_space<vmem>> -> memref<128xi32, #tpu.memory_space<vmem>>
      %dma_start3A_252 = arith.constant 0 : i32
      %dma_start3A_253 = tpu.memref_slice %arg3[%add3A_238, %dma_start3A_252] : memref<2560x128xi32, #tpu.memory_space<hbm>> -> memref<1x128xi32, #tpu.memory_space<hbm>>
      %dma_start3A_254 = tpu.memref_squeeze %dma_start3A_253 : memref<1x128xi32, #tpu.memory_space<hbm>> -> memref<128xi32, #tpu.memory_space<hbm>>
      tpu.enqueue_dma source(%dma_start3A_254 : memref<128xi32, #tpu.memory_space<hbm>>) target(%dma_start3A_251 : memref<128xi32, #tpu.memory_space<vmem>>) target_semaphore(%dma_start3A_248 : memref<!tpu.dma_semaphore, #tpu.memory_space<semaphore_mem>>)
      %dma_start3A_255 = arith.constant 1 : i32
      %dma_start3A_256 = arith.constant 1 : i32
      %dma_start3A_257 = arith.constant 0 : i32
      %dma_start3A_258 = arith.constant 0 : i32
      %dma_start3A_259 = tpu.memref_slice %arg8[%dma_start3A_255, %dma_start3A_257, %dma_start3A_258] : memref<2x128x128xf32, #tpu.memory_space<vmem>> -> memref<1x128x128xf32, #tpu.memory_space<vmem>>
      %dma_start3A_260 = tpu.memref_squeeze %dma_start3A_259 : memref<1x128x128xf32, #tpu.memory_space<vmem>> -> memref<128x128xf32, #tpu.memory_space<vmem>>
      %dma_start3A_261 = arith.constant 0 : i32
      %dma_start3A_262 = tpu.memref_slice %arg10[%add3A_210, %dma_start3A_261] : memref<80x128xi32, #tpu.memory_space<vmem>> -> memref<1x128xi32, #tpu.memory_space<vmem>>
      %dma_start3A_263 = tpu.memref_squeeze %dma_start3A_262 : memref<1x128xi32, #tpu.memory_space<vmem>> -> memref<128xi32, #tpu.memory_space<vmem>>
      %dma_start3A_264 = arith.constant 0 : i32
      %dma_start3A_265 = arith.constant 0 : i32
      %dma_start3A_266 = tpu.memref_slice %arg7[%dma_start3A_264, %dma_start3A_265] : memref<10240x128xf32, #tpu.memory_space<vmem_shared>> -> memref<10240x128xf32, #tpu.memory_space<vmem_shared>>
      %dma_start3A_267 = tpu.memref_slice %arg13[%dma_start3A_256] : memref<2x!tpu.dma_semaphore, #tpu.memory_space<semaphore_mem>> -> memref<1x!tpu.dma_semaphore, #tpu.memory_space<semaphore_mem>>
      %dma_start3A_268 = tpu.memref_squeeze %dma_start3A_267 : memref<1x!tpu.dma_semaphore, #tpu.memory_space<semaphore_mem>> -> memref<!tpu.dma_semaphore, #tpu.memory_space<semaphore_mem>>
      tpu.enqueue_indirect_dma source(%dma_start3A_260 : memref<128x128xf32, #tpu.memory_space<vmem>>) target(%dma_start3A_266 : memref<10240x128xf32, #tpu.memory_space<vmem_shared>>) offsets(%dma_start3A_263 : memref<128xi32, #tpu.memory_space<vmem>>) semaphore(%dma_start3A_268 : memref<!tpu.dma_semaphore, #tpu.memory_space<semaphore_mem>>) {add = true}
      %dma_wait3A_269 = arith.constant 0 : i32
      %dma_wait3A_270 = arith.constant 0 : i32
      %dma_wait3A_271 = arith.constant 0 : i32
      %dma_wait3A_272 = arith.constant 0 : i32
      %dma_wait3A_273 = tpu.memref_slice %arg8[%dma_wait3A_269, %dma_wait3A_271, %dma_wait3A_272] : memref<2x128x128xf32, #tpu.memory_space<vmem>> -> memref<1x128x128xf32, #tpu.memory_space<vmem>>
      %dma_wait3A_274 = tpu.memref_squeeze %dma_wait3A_273 : memref<1x128x128xf32, #tpu.memory_space<vmem>> -> memref<128x128xf32, #tpu.memory_space<vmem>>
      %dma_wait3A_275 = arith.constant 0 : i32
      %dma_wait3A_276 = tpu.memref_slice %arg10[%add3A_151, %dma_wait3A_275] : memref<80x128xi32, #tpu.memory_space<vmem>> -> memref<1x128xi32, #tpu.memory_space<vmem>>
      %dma_wait3A_277 = tpu.memref_squeeze %dma_wait3A_276 : memref<1x128xi32, #tpu.memory_space<vmem>> -> memref<128xi32, #tpu.memory_space<vmem>>
      %dma_wait3A_278 = arith.constant 0 : i32
      %dma_wait3A_279 = arith.constant 0 : i32
      %dma_wait3A_280 = tpu.memref_slice %arg7[%dma_wait3A_278, %dma_wait3A_279] : memref<10240x128xf32, #tpu.memory_space<vmem_shared>> -> memref<10240x128xf32, #tpu.memory_space<vmem_shared>>
      %dma_wait3A_281 = tpu.memref_slice %arg13[%dma_wait3A_270] : memref<2x!tpu.dma_semaphore, #tpu.memory_space<semaphore_mem>> -> memref<1x!tpu.dma_semaphore, #tpu.memory_space<semaphore_mem>>
      %dma_wait3A_282 = tpu.memref_squeeze %dma_wait3A_281 : memref<1x!tpu.dma_semaphore, #tpu.memory_space<semaphore_mem>> -> memref<!tpu.dma_semaphore, #tpu.memory_space<semaphore_mem>>
      tpu.wait_indirect_dma semaphore(%dma_wait3A_282 : memref<!tpu.dma_semaphore, #tpu.memory_space<semaphore_mem>>) src(%dma_wait3A_274 : memref<128x128xf32, #tpu.memory_space<vmem>>) dst(%dma_wait3A_280 : memref<10240x128xf32, #tpu.memory_space<vmem_shared>>)
      %dma_wait3A_283 = arith.constant 1 : i32
      %dma_wait3A_284 = arith.constant 1 : i32
      %dma_wait3A_285 = arith.constant 0 : i32
      %dma_wait3A_286 = arith.constant 0 : i32
      %dma_wait3A_287 = tpu.memref_slice %arg8[%dma_wait3A_283, %dma_wait3A_285, %dma_wait3A_286] : memref<2x128x128xf32, #tpu.memory_space<vmem>> -> memref<1x128x128xf32, #tpu.memory_space<vmem>>
      %dma_wait3A_288 = tpu.memref_squeeze %dma_wait3A_287 : memref<1x128x128xf32, #tpu.memory_space<vmem>> -> memref<128x128xf32, #tpu.memory_space<vmem>>
      %dma_wait3A_289 = arith.constant 0 : i32
      %dma_wait3A_290 = tpu.memref_slice %arg10[%add3A_210, %dma_wait3A_289] : memref<80x128xi32, #tpu.memory_space<vmem>> -> memref<1x128xi32, #tpu.memory_space<vmem>>
      %dma_wait3A_291 = tpu.memref_squeeze %dma_wait3A_290 : memref<1x128xi32, #tpu.memory_space<vmem>> -> memref<128xi32, #tpu.memory_space<vmem>>
      %dma_wait3A_292 = arith.constant 0 : i32
      %dma_wait3A_293 = arith.constant 0 : i32
      %dma_wait3A_294 = tpu.memref_slice %arg7[%dma_wait3A_292, %dma_wait3A_293] : memref<10240x128xf32, #tpu.memory_space<vmem_shared>> -> memref<10240x128xf32, #tpu.memory_space<vmem_shared>>
      %dma_wait3A_295 = tpu.memref_slice %arg13[%dma_wait3A_284] : memref<2x!tpu.dma_semaphore, #tpu.memory_space<semaphore_mem>> -> memref<1x!tpu.dma_semaphore, #tpu.memory_space<semaphore_mem>>
      %dma_wait3A_296 = tpu.memref_squeeze %dma_wait3A_295 : memref<1x!tpu.dma_semaphore, #tpu.memory_space<semaphore_mem>> -> memref<!tpu.dma_semaphore, #tpu.memory_space<semaphore_mem>>
      tpu.wait_indirect_dma semaphore(%dma_wait3A_296 : memref<!tpu.dma_semaphore, #tpu.memory_space<semaphore_mem>>) src(%dma_wait3A_288 : memref<128x128xf32, #tpu.memory_space<vmem>>) dst(%dma_wait3A_294 : memref<10240x128xf32, #tpu.memory_space<vmem_shared>>)
    }
    %scan3A_44 = arith.constant 40 : i32
    %dma_wait3A = arith.constant 0 : i32
    %dma_wait3A_45 = arith.constant 0 : i32
    %dma_wait3A_46 = arith.constant 0 : i32
    %dma_wait3A_47 = tpu.memref_slice %arg9[%dma_wait3A, %dma_wait3A_46] : memref<2x128xi32, #tpu.memory_space<vmem>> -> memref<1x128xi32, #tpu.memory_space<vmem>>
    %dma_wait3A_48 = tpu.memref_squeeze %dma_wait3A_47 : memref<1x128xi32, #tpu.memory_space<vmem>> -> memref<128xi32, #tpu.memory_space<vmem>>
    %dma_wait3A_49 = arith.constant 0 : i32
    %dma_wait3A_50 = tpu.memref_slice %arg3[%mul3A_4, %dma_wait3A_49] : memref<2560x128xi32, #tpu.memory_space<hbm>> -> memref<1x128xi32, #tpu.memory_space<hbm>>
    %dma_wait3A_51 = tpu.memref_squeeze %dma_wait3A_50 : memref<1x128xi32, #tpu.memory_space<hbm>> -> memref<128xi32, #tpu.memory_space<hbm>>
    %dma_wait3A_52 = tpu.memref_slice %arg11[%dma_wait3A_45] : memref<2x!tpu.dma_semaphore, #tpu.memory_space<semaphore_mem>> -> memref<1x!tpu.dma_semaphore, #tpu.memory_space<semaphore_mem>>
    %dma_wait3A_53 = tpu.memref_squeeze %dma_wait3A_52 : memref<1x!tpu.dma_semaphore, #tpu.memory_space<semaphore_mem>> -> memref<!tpu.dma_semaphore, #tpu.memory_space<semaphore_mem>>
    %dma_wait3A_54 = arith.constant 0 : i32
    %dma_wait3A_55 = tpu.memref_slice %arg9[%dma_wait3A, %dma_wait3A_54] : memref<2x128xi32, #tpu.memory_space<vmem>> -> memref<1x128xi32, #tpu.memory_space<vmem>>
    %dma_wait3A_56 = tpu.memref_squeeze %dma_wait3A_55 : memref<1x128xi32, #tpu.memory_space<vmem>> -> memref<128xi32, #tpu.memory_space<vmem>>
    %dma_wait3A_57 = arith.constant 0 : i32
    %dma_wait3A_58 = tpu.memref_slice %arg3[%mul3A_4, %dma_wait3A_57] : memref<2560x128xi32, #tpu.memory_space<hbm>> -> memref<1x128xi32, #tpu.memory_space<hbm>>
    %dma_wait3A_59 = tpu.memref_squeeze %dma_wait3A_58 : memref<1x128xi32, #tpu.memory_space<hbm>> -> memref<128xi32, #tpu.memory_space<hbm>>
    tpu.wait_dma2 semaphore(%dma_wait3A_53 : memref<!tpu.dma_semaphore, #tpu.memory_space<semaphore_mem>>) src(%dma_wait3A_59 : memref<128xi32, #tpu.memory_space<hbm>>) dst(%dma_wait3A_56 : memref<128xi32, #tpu.memory_space<vmem>>)
    %dma_wait3A_60 = arith.constant 1 : i32
    %dma_wait3A_61 = arith.constant 1 : i32
    %dma_wait3A_62 = arith.constant 0 : i32
    %dma_wait3A_63 = tpu.memref_slice %arg9[%dma_wait3A_60, %dma_wait3A_62] : memref<2x128xi32, #tpu.memory_space<vmem>> -> memref<1x128xi32, #tpu.memory_space<vmem>>
    %dma_wait3A_64 = tpu.memref_squeeze %dma_wait3A_63 : memref<1x128xi32, #tpu.memory_space<vmem>> -> memref<128xi32, #tpu.memory_space<vmem>>
    %dma_wait3A_65 = arith.constant 0 : i32
    %dma_wait3A_66 = tpu.memref_slice %arg3[%mul3A_4, %dma_wait3A_65] : memref<2560x128xi32, #tpu.memory_space<hbm>> -> memref<1x128xi32, #tpu.memory_space<hbm>>
    %dma_wait3A_67 = tpu.memref_squeeze %dma_wait3A_66 : memref<1x128xi32, #tpu.memory_space<hbm>> -> memref<128xi32, #tpu.memory_space<hbm>>
    %dma_wait3A_68 = tpu.memref_slice %arg11[%dma_wait3A_61] : memref<2x!tpu.dma_semaphore, #tpu.memory_space<semaphore_mem>> -> memref<1x!tpu.dma_semaphore, #tpu.memory_space<semaphore_mem>>
    %dma_wait3A_69 = tpu.memref_squeeze %dma_wait3A_68 : memref<1x!tpu.dma_semaphore, #tpu.memory_space<semaphore_mem>> -> memref<!tpu.dma_semaphore, #tpu.memory_space<semaphore_mem>>
    %dma_wait3A_70 = arith.constant 0 : i32
    %dma_wait3A_71 = tpu.memref_slice %arg9[%dma_wait3A_60, %dma_wait3A_70] : memref<2x128xi32, #tpu.memory_space<vmem>> -> memref<1x128xi32, #tpu.memory_space<vmem>>
    %dma_wait3A_72 = tpu.memref_squeeze %dma_wait3A_71 : memref<1x128xi32, #tpu.memory_space<vmem>> -> memref<128xi32, #tpu.memory_space<vmem>>
    %dma_wait3A_73 = arith.constant 0 : i32
    %dma_wait3A_74 = tpu.memref_slice %arg3[%mul3A_4, %dma_wait3A_73] : memref<2560x128xi32, #tpu.memory_space<hbm>> -> memref<1x128xi32, #tpu.memory_space<hbm>>
    %dma_wait3A_75 = tpu.memref_squeeze %dma_wait3A_74 : memref<1x128xi32, #tpu.memory_space<hbm>> -> memref<128xi32, #tpu.memory_space<hbm>>
    tpu.wait_dma2 semaphore(%dma_wait3A_69 : memref<!tpu.dma_semaphore, #tpu.memory_space<semaphore_mem>>) src(%dma_wait3A_75 : memref<128xi32, #tpu.memory_space<hbm>>) dst(%dma_wait3A_72 : memref<128xi32, #tpu.memory_space<vmem>>)
    %barrier3A_76 = arith.constant 0 : index
    tpu.barrier barrier_id(%barrier3A_76)
    "tpu.region"() ({
      %run_scoped3A = tpu.sem_alloc : memref<!tpu.dma_semaphore, #tpu.memory_space<semaphore_mem>>
      %dma_start3A_77 = arith.constant 0 : i32
      %dma_start3A_78 = tpu.memref_slice %arg6[%arg0, %mul3A_2, %dma_start3A_77] : memref<2x10240x128xf32, #tpu.memory_space<hbm>> -> memref<1x640x128xf32, #tpu.memory_space<hbm>>
      %dma_start3A_79 = tpu.memref_squeeze %dma_start3A_78 : memref<1x640x128xf32, #tpu.memory_space<hbm>> -> memref<640x128xf32, #tpu.memory_space<hbm>>
      %dma_start3A_80 = arith.constant 0 : i32
      %dma_start3A_81 = tpu.memref_slice %arg7[%mul3A_2, %dma_start3A_80] : memref<10240x128xf32, #tpu.memory_space<vmem_shared>> -> memref<640x128xf32, #tpu.memory_space<vmem_shared>>
      tpu.enqueue_dma source(%dma_start3A_81 : memref<640x128xf32, #tpu.memory_space<vmem_shared>>) target(%dma_start3A_79 : memref<640x128xf32, #tpu.memory_space<hbm>>) target_semaphore(%run_scoped3A : memref<!tpu.dma_semaphore, #tpu.memory_space<semaphore_mem>>)
      %dma_wait3A_82 = arith.constant 0 : i32
      %dma_wait3A_83 = tpu.memref_slice %arg6[%arg0, %mul3A_2, %dma_wait3A_82] : memref<2x10240x128xf32, #tpu.memory_space<hbm>> -> memref<1x640x128xf32, #tpu.memory_space<hbm>>
      %dma_wait3A_84 = tpu.memref_squeeze %dma_wait3A_83 : memref<1x640x128xf32, #tpu.memory_space<hbm>> -> memref<640x128xf32, #tpu.memory_space<hbm>>
      %dma_wait3A_85 = arith.constant 0 : i32
      %dma_wait3A_86 = tpu.memref_slice %arg7[%mul3A_2, %dma_wait3A_85] : memref<10240x128xf32, #tpu.memory_space<vmem_shared>> -> memref<640x128xf32, #tpu.memory_space<vmem_shared>>
      tpu.wait_dma2 semaphore(%run_scoped3A : memref<!tpu.dma_semaphore, #tpu.memory_space<semaphore_mem>>) src(%dma_wait3A_86 : memref<640x128xf32, #tpu.memory_space<vmem_shared>>) dst(%dma_wait3A_84 : memref<640x128xf32, #tpu.memory_space<hbm>>)
      tpu.yield
    }) : () -> ()
    return
  }
}

module attributes {stable_mosaic.version = 14 : i64} {
  func.func @_enc_body(%arg0: memref<10240x128xf32, #tpu.memory_space<vmem>>, %arg1: memref<128x128xf32, #tpu.memory_space<vmem>>, %arg2: memref<1x128xf32, #tpu.memory_space<vmem>>, %arg3: memref<2x10240x128xf32, #tpu.memory_space<vmem>>, %arg4: memref<1x128xf32, #tpu.memory_space<vmem>>, %arg5: memref<1x128xf32, #tpu.memory_space<vmem>>, %arg6: memref<1x128xf32, #tpu.memory_space<vmem>>, %arg7: memref<1x128xf32, #tpu.memory_space<vmem>>, %arg8: memref<10240x128xf32, #tpu.memory_space<vmem>>, %arg9: memref<10240x128xf32, #tpu.memory_space<vmem>>, %arg10: memref<10240x16xf32, #tpu.memory_space<vmem>>, %arg11: memref<1x128xf32, #tpu.memory_space<vmem>>) attributes {dimension_semantics = [], scalar_prefetch = 0 : i64, scratch_operands = 0 : i64, tpu.core_type = #tpu.core_type<tc>} {
    %get3A = arith.constant 0 : index
    %get3A_0 = arith.constant 0 : index
    %get3A_1 = vector.load %arg0[%get3A, %get3A_0] : memref<10240x128xf32, #tpu.memory_space<vmem>>, vector<10240x128xf32>
    %get3A_2 = arith.constant 0 : index
    %get3A_3 = arith.constant 0 : index
    %get3A_4 = vector.load %arg1[%get3A_2, %get3A_3] : memref<128x128xf32, #tpu.memory_space<vmem>>, vector<128x128xf32>
    %dot_general3A = arith.constant dense<0.000000e+00> : vector<10240x128xf32>
    %dot_general3A_5 = tpu.matmul %get3A_1, %get3A_4, %dot_general3A {dimension_numbers = #tpu.dot_dimension_numbers<[1], [0], [0], [1], [0, 0, 1, 1], [], []>, transpose_lhs_hint = false} : vector<10240x128xf32>, vector<128x128xf32>, vector<10240x128xf32> -> vector<10240x128xf32>
    %get3A_6 = arith.constant 0 : index
    %get3A_7 = arith.constant 0 : index
    %get3A_8 = vector.load %arg2[%get3A_6, %get3A_7] : memref<1x128xf32, #tpu.memory_space<vmem>>, vector<1x128xf32>
    %add3A = vector.broadcast %get3A_8 : vector<1x128xf32> to vector<10240x128xf32>
    %add3A_9 = arith.addf %dot_general3A_5, %add3A : vector<10240x128xf32>
    %get3A_10 = arith.constant 0 : index
    %get3A_11 = arith.constant 0 : index
    %get3A_12 = arith.constant 0 : index
    %get3A_13 = vector.load %arg3[%get3A_10, %get3A_11, %get3A_12] : memref<2x10240x128xf32, #tpu.memory_space<vmem>>, vector<1x10240x128xf32>
    %get3A_14 = vector.shape_cast %get3A_13 : vector<1x10240x128xf32> to vector<10240x128xf32>
    %slice3A = vector.extract_strided_slice %get3A_14 {offsets = [0, 0], sizes = [10240, 16], strides = [1, 1]} : vector<10240x128xf32> to vector<10240x16xf32>
    %get3A_15 = arith.constant 1 : index
    %get3A_16 = arith.constant 0 : index
    %get3A_17 = arith.constant 0 : index
    %get3A_18 = vector.load %arg3[%get3A_15, %get3A_16, %get3A_17] : memref<2x10240x128xf32, #tpu.memory_space<vmem>>, vector<1x10240x128xf32>
    %get3A_19 = vector.shape_cast %get3A_18 : vector<1x10240x128xf32> to vector<10240x128xf32>
    %slice3A_20 = vector.extract_strided_slice %get3A_19 {offsets = [0, 0], sizes = [10240, 16], strides = [1, 1]} : vector<10240x128xf32> to vector<10240x16xf32>
    %add3A_21 = arith.addf %slice3A, %slice3A_20 : vector<10240x16xf32>
    %max3A = arith.constant 1.000000e+00 : f32
    %max3A_22 = vector.broadcast %max3A : f32 to vector<10240x16xf32>
    %max3A_23 = arith.maximumf %add3A_21, %max3A_22 : vector<10240x16xf32>
    %rsqrt3A = math.rsqrt %max3A_23 : vector<10240x16xf32>
    %swap3A = arith.constant 0 : index
    %swap3A_24 = arith.constant 0 : index
    %swap3A_25 = vector.load %arg10[%swap3A, %swap3A_24] : memref<10240x16xf32, #tpu.memory_space<vmem>>, vector<10240x16xf32>
    tpu.vector_store %arg10[%swap3A, %swap3A_24], %rsqrt3A {strides = array<i32>} : memref<10240x16xf32, #tpu.memory_space<vmem>>, vector<10240x16xf32>,
    %swap3A_26 = arith.constant 0 : index
    %swap3A_27 = arith.constant 0 : index
    %swap3A_28 = vector.load %arg8[%swap3A_26, %swap3A_27] : memref<10240x128xf32, #tpu.memory_space<vmem>>, vector<10240x128xf32>
    tpu.vector_store %arg8[%swap3A_26, %swap3A_27], %add3A_9 {strides = array<i32>} : memref<10240x128xf32, #tpu.memory_space<vmem>>, vector<10240x128xf32>,
    %slice3A_29 = vector.extract_strided_slice %rsqrt3A {offsets = [0, 0], sizes = [10240, 1], strides = [1, 1]} : vector<10240x16xf32> to vector<10240x1xf32>
    %mul3A = vector.broadcast %slice3A_29 : vector<10240x1xf32> to vector<10240x128xf32>
    %mul3A_30 = arith.mulf %add3A_9, %mul3A : vector<10240x128xf32>
    %swap3A_31 = arith.constant 0 : index
    %swap3A_32 = arith.constant 0 : index
    %swap3A_33 = vector.load %arg9[%swap3A_31, %swap3A_32] : memref<10240x128xf32, #tpu.memory_space<vmem>>, vector<10240x128xf32>
    tpu.vector_store %arg9[%swap3A_31, %swap3A_32], %mul3A_30 {strides = array<i32>} : memref<10240x128xf32, #tpu.memory_space<vmem>>, vector<10240x128xf32>,
    %get3A_34 = arith.constant 0 : index
    %get3A_35 = arith.constant 0 : index
    %get3A_36 = vector.load %arg4[%get3A_34, %get3A_35] : memref<1x128xf32, #tpu.memory_space<vmem>>, vector<1x128xf32>
    %get3A_37 = arith.constant 0 : index
    %get3A_38 = arith.constant 0 : index
    %get3A_39 = vector.load %arg5[%get3A_37, %get3A_38] : memref<1x128xf32, #tpu.memory_space<vmem>>, vector<1x128xf32>
    %get3A_40 = arith.constant 0 : index
    %get3A_41 = arith.constant 0 : index
    %get3A_42 = vector.load %arg6[%get3A_40, %get3A_41] : memref<1x128xf32, #tpu.memory_space<vmem>>, vector<1x128xf32>
    %get3A_43 = arith.constant 0 : index
    %get3A_44 = arith.constant 0 : index
    %get3A_45 = vector.load %arg7[%get3A_43, %get3A_44] : memref<1x128xf32, #tpu.memory_space<vmem>>, vector<1x128xf32>
    %add3A_46 = arith.constant 9.99999974E-6 : f32
    %add3A_47 = vector.broadcast %add3A_46 : f32 to vector<1x128xf32>
    %add3A_48 = arith.addf %get3A_45, %add3A_47 : vector<1x128xf32>
    %rsqrt3A_49 = math.rsqrt %add3A_48 : vector<1x128xf32>
    %mul3A_50 = arith.mulf %get3A_36, %rsqrt3A_49 : vector<1x128xf32>
    %mul3A_51 = arith.mulf %get3A_42, %mul3A_50 : vector<1x128xf32>
    %sub3A = arith.subf %get3A_39, %mul3A_51 : vector<1x128xf32>
    %max3A_52 = arith.constant 0.000000e+00 : f32
    %max3A_53 = vector.broadcast %max3A_52 : f32 to vector<10240x128xf32>
    %max3A_54 = arith.maximumf %add3A_9, %max3A_53 : vector<10240x128xf32>
    %mul3A_55 = vector.broadcast %mul3A_50 : vector<1x128xf32> to vector<10240x128xf32>
    %mul3A_56 = arith.mulf %max3A_54, %mul3A_55 : vector<10240x128xf32>
    %add3A_57 = vector.broadcast %sub3A : vector<1x128xf32> to vector<10240x128xf32>
    %add3A_58 = arith.addf %mul3A_56, %add3A_57 : vector<10240x128xf32>
    %max3A_59 = arith.constant 0.000000e+00 : f32
    %max3A_60 = vector.broadcast %max3A_59 : f32 to vector<10240x128xf32>
    %max3A_61 = arith.maximumf %add3A_58, %max3A_60 : vector<10240x128xf32>
    %iota3A = tpu.iota {dimensions = array<i32: 0>} : vector<10240x1xi32>
    %lt3A = arith.constant 10000 : i32
    %lt3A_62 = vector.broadcast %lt3A : i32 to vector<10240x1xi32>
    %lt3A_63 = arith.cmpi slt, %iota3A, %lt3A_62 : vector<10240x1xi32>
    %jit3A = arith.constant 0.000000e+00 : f32
    %broadcast_in_dim3A = vector.shape_cast %lt3A_63 : vector<10240x1xi1> to vector<10240x1xi1>
    %broadcast_in_dim3A_64 = vector.broadcast %broadcast_in_dim3A : vector<10240x1xi1> to vector<10240x128xi1>
    %broadcast_in_dim3A_65 = vector.broadcast %jit3A : f32 to vector<10240x128xf32>
    %select_n3A = arith.select %broadcast_in_dim3A_64, %max3A_61, %broadcast_in_dim3A_65 : vector<10240x128xi1>, vector<10240x128xf32>
    %reduce_sum3A = arith.constant dense<0.000000e+00> : vector<128xf32>
    %reduce_sum3A_66 = vector.multi_reduction <add>, %select_n3A, %reduce_sum3A [0] : vector<10240x128xf32> to vector<128xf32>
    %broadcast_in_dim3A_67 = vector.shape_cast %reduce_sum3A_66 : vector<128xf32> to vector<1x128xf32>
    %swap3A_68 = arith.constant 0 : index
    %swap3A_69 = arith.constant 0 : index
    %swap3A_70 = vector.load %arg11[%swap3A_68, %swap3A_69] : memref<1x128xf32, #tpu.memory_space<vmem>>, vector<1x128xf32>
    tpu.vector_store %arg11[%swap3A_68, %swap3A_69], %broadcast_in_dim3A_67 {strides = array<i32>} : memref<1x128xf32, #tpu.memory_space<vmem>>, vector<1x128xf32>,
    return
  }
}

module attributes {stable_mosaic.version = 14 : i64} {
  func.func @body(%arg0: memref<10240x128xf32, #tpu.memory_space<vmem>>, %arg1: memref<2x10240x128xf32, #tpu.memory_space<vmem>>, %arg2: memref<10240x16xf32, #tpu.memory_space<vmem>>, %arg3: memref<128x128xf32, #tpu.memory_space<vmem>>, %arg4: memref<128x128xf32, #tpu.memory_space<vmem>>, %arg5: memref<1x128xf32, #tpu.memory_space<vmem>>, %arg6: memref<1x128xf32, #tpu.memory_space<vmem>>, %arg7: memref<1x128xf32, #tpu.memory_space<vmem>>, %arg8: memref<1x128xf32, #tpu.memory_space<vmem>>, %arg9: memref<1x128xf32, #tpu.memory_space<vmem>>, %arg10: memref<1x128xf32, #tpu.memory_space<vmem>>, %arg11: memref<1x128xf32, #tpu.memory_space<vmem>>, %arg12: memref<1x128xf32, #tpu.memory_space<vmem>>, %arg13: memref<1x128xf32, #tpu.memory_space<vmem>>, %arg14: memref<10240x128xf32, #tpu.memory_space<vmem>>, %arg15: memref<1x128xf32, #tpu.memory_space<vmem>>, %arg16: memref<10240x128xf32, #tpu.memory_space<vmem>>) attributes {dimension_semantics = [], scalar_prefetch = 0 : i64, scratch_operands = 0 : i64, tpu.core_type = #tpu.core_type<tc>} {
    %get3A = arith.constant 0 : index
    %get3A_0 = arith.constant 0 : index
    %get3A_1 = vector.load %arg2[%get3A, %get3A_0] : memref<10240x16xf32, #tpu.memory_space<vmem>>, vector<10240x16xf32>
    %slice3A = vector.extract_strided_slice %get3A_1 {offsets = [0, 0], sizes = [10240, 1], strides = [1, 1]} : vector<10240x16xf32> to vector<10240x1xf32>
    %get3A_2 = arith.constant 0 : index
    %get3A_3 = arith.constant 0 : index
    %get3A_4 = arith.constant 0 : index
    %get3A_5 = vector.load %arg1[%get3A_2, %get3A_3, %get3A_4] : memref<2x10240x128xf32, #tpu.memory_space<vmem>>, vector<1x10240x128xf32>
    %get3A_6 = vector.shape_cast %get3A_5 : vector<1x10240x128xf32> to vector<10240x128xf32>
    %get3A_7 = arith.constant 1 : index
    %get3A_8 = arith.constant 0 : index
    %get3A_9 = arith.constant 0 : index
    %get3A_10 = vector.load %arg1[%get3A_7, %get3A_8, %get3A_9] : memref<2x10240x128xf32, #tpu.memory_space<vmem>>, vector<1x10240x128xf32>
    %get3A_11 = vector.shape_cast %get3A_10 : vector<1x10240x128xf32> to vector<10240x128xf32>
    %add3A = arith.addf %get3A_6, %get3A_11 : vector<10240x128xf32>
    %mul3A = vector.broadcast %slice3A : vector<10240x1xf32> to vector<10240x128xf32>
    %mul3A_12 = arith.mulf %add3A, %mul3A : vector<10240x128xf32>
    %get3A_13 = arith.constant 0 : index
    %get3A_14 = arith.constant 0 : index
    %get3A_15 = vector.load %arg0[%get3A_13, %get3A_14] : memref<10240x128xf32, #tpu.memory_space<vmem>>, vector<10240x128xf32>
    %get3A_16 = arith.constant 0 : index
    %get3A_17 = arith.constant 0 : index
    %get3A_18 = vector.load %arg3[%get3A_16, %get3A_17] : memref<128x128xf32, #tpu.memory_space<vmem>>, vector<128x128xf32>
    %dot_general3A = arith.constant dense<0.000000e+00> : vector<10240x128xf32>
    %dot_general3A_19 = tpu.matmul %get3A_15, %get3A_18, %dot_general3A {dimension_numbers = #tpu.dot_dimension_numbers<[1], [0], [0], [1], [0, 0, 1, 1], [], []>, transpose_lhs_hint = false} : vector<10240x128xf32>, vector<128x128xf32>, vector<10240x128xf32> -> vector<10240x128xf32>
    %get3A_20 = arith.constant 0 : index
    %get3A_21 = arith.constant 0 : index
    %get3A_22 = vector.load %arg4[%get3A_20, %get3A_21] : memref<128x128xf32, #tpu.memory_space<vmem>>, vector<128x128xf32>
    %dot_general3A_23 = arith.constant dense<0.000000e+00> : vector<10240x128xf32>
    %dot_general3A_24 = tpu.matmul %mul3A_12, %get3A_22, %dot_general3A_23 {dimension_numbers = #tpu.dot_dimension_numbers<[1], [0], [0], [1], [0, 0, 1, 1], [], []>, transpose_lhs_hint = false} : vector<10240x128xf32>, vector<128x128xf32>, vector<10240x128xf32> -> vector<10240x128xf32>
    %add3A_25 = arith.addf %dot_general3A_19, %dot_general3A_24 : vector<10240x128xf32>
    %get3A_26 = arith.constant 0 : index
    %get3A_27 = arith.constant 0 : index
    %get3A_28 = vector.load %arg5[%get3A_26, %get3A_27] : memref<1x128xf32, #tpu.memory_space<vmem>>, vector<1x128xf32>
    %add3A_29 = vector.broadcast %get3A_28 : vector<1x128xf32> to vector<10240x128xf32>
    %add3A_30 = arith.addf %add3A_25, %add3A_29 : vector<10240x128xf32>
    %get3A_31 = arith.constant 0 : index
    %get3A_32 = arith.constant 0 : index
    %get3A_33 = vector.load %arg6[%get3A_31, %get3A_32] : memref<1x128xf32, #tpu.memory_space<vmem>>, vector<1x128xf32>
    %get3A_34 = arith.constant 0 : index
    %get3A_35 = arith.constant 0 : index
    %get3A_36 = vector.load %arg7[%get3A_34, %get3A_35] : memref<1x128xf32, #tpu.memory_space<vmem>>, vector<1x128xf32>
    %get3A_37 = arith.constant 0 : index
    %get3A_38 = arith.constant 0 : index
    %get3A_39 = vector.load %arg8[%get3A_37, %get3A_38] : memref<1x128xf32, #tpu.memory_space<vmem>>, vector<1x128xf32>
    %get3A_40 = arith.constant 0 : index
    %get3A_41 = arith.constant 0 : index
    %get3A_42 = vector.load %arg9[%get3A_40, %get3A_41] : memref<1x128xf32, #tpu.memory_space<vmem>>, vector<1x128xf32>
    %add3A_43 = arith.constant 9.99999974E-6 : f32
    %add3A_44 = vector.broadcast %add3A_43 : f32 to vector<1x128xf32>
    %add3A_45 = arith.addf %get3A_42, %add3A_44 : vector<1x128xf32>
    %rsqrt3A = math.rsqrt %add3A_45 : vector<1x128xf32>
    %mul3A_46 = arith.mulf %get3A_33, %rsqrt3A : vector<1x128xf32>
    %mul3A_47 = arith.mulf %get3A_39, %mul3A_46 : vector<1x128xf32>
    %sub3A = arith.subf %get3A_36, %mul3A_47 : vector<1x128xf32>
    %mul3A_48 = vector.broadcast %mul3A_46 : vector<1x128xf32> to vector<10240x128xf32>
    %mul3A_49 = arith.mulf %add3A_30, %mul3A_48 : vector<10240x128xf32>
    %add3A_50 = vector.broadcast %sub3A : vector<1x128xf32> to vector<10240x128xf32>
    %add3A_51 = arith.addf %mul3A_49, %add3A_50 : vector<10240x128xf32>
    %max3A = arith.constant 0.000000e+00 : f32
    %max3A_52 = vector.broadcast %max3A : f32 to vector<10240x128xf32>
    %max3A_53 = arith.maximumf %add3A_51, %max3A_52 : vector<10240x128xf32>
    %swap3A = arith.constant 0 : index
    %swap3A_54 = arith.constant 0 : index
    %swap3A_55 = vector.load %arg14[%swap3A, %swap3A_54] : memref<10240x128xf32, #tpu.memory_space<vmem>>, vector<10240x128xf32>
    tpu.vector_store %arg14[%swap3A, %swap3A_54], %max3A_53 {strides = array<i32>} : memref<10240x128xf32, #tpu.memory_space<vmem>>, vector<10240x128xf32>,
    %get3A_56 = arith.constant 0 : index
    %get3A_57 = arith.constant 0 : index
    %get3A_58 = vector.load %arg10[%get3A_56, %get3A_57] : memref<1x128xf32, #tpu.memory_space<vmem>>, vector<1x128xf32>
    %get3A_59 = arith.constant 0 : index
    %get3A_60 = arith.constant 0 : index
    %get3A_61 = vector.load %arg11[%get3A_59, %get3A_60] : memref<1x128xf32, #tpu.memory_space<vmem>>, vector<1x128xf32>
    %get3A_62 = arith.constant 0 : index
    %get3A_63 = arith.constant 0 : index
    %get3A_64 = vector.load %arg12[%get3A_62, %get3A_63] : memref<1x128xf32, #tpu.memory_space<vmem>>, vector<1x128xf32>
    %get3A_65 = arith.constant 0 : index
    %get3A_66 = arith.constant 0 : index
    %get3A_67 = vector.load %arg13[%get3A_65, %get3A_66] : memref<1x128xf32, #tpu.memory_space<vmem>>, vector<1x128xf32>
    %add3A_68 = arith.constant 9.99999974E-6 : f32
    %add3A_69 = vector.broadcast %add3A_68 : f32 to vector<1x128xf32>
    %add3A_70 = arith.addf %get3A_67, %add3A_69 : vector<1x128xf32>
    %rsqrt3A_71 = math.rsqrt %add3A_70 : vector<1x128xf32>
    %mul3A_72 = arith.mulf %get3A_58, %rsqrt3A_71 : vector<1x128xf32>
    %mul3A_73 = arith.mulf %get3A_64, %mul3A_72 : vector<1x128xf32>
    %sub3A_74 = arith.subf %get3A_61, %mul3A_73 : vector<1x128xf32>
    %mul3A_75 = vector.broadcast %mul3A_72 : vector<1x128xf32> to vector<10240x128xf32>
    %mul3A_76 = arith.mulf %max3A_53, %mul3A_75 : vector<10240x128xf32>
    %add3A_77 = vector.broadcast %sub3A_74 : vector<1x128xf32> to vector<10240x128xf32>
    %add3A_78 = arith.addf %mul3A_76, %add3A_77 : vector<10240x128xf32>
    %max3A_79 = arith.constant 0.000000e+00 : f32
    %max3A_80 = vector.broadcast %max3A_79 : f32 to vector<10240x128xf32>
    %max3A_81 = arith.maximumf %add3A_78, %max3A_80 : vector<10240x128xf32>
    %iota3A = tpu.iota {dimensions = array<i32: 0>} : vector<10240x1xi32>
    %lt3A = arith.constant 10000 : i32
    %lt3A_82 = vector.broadcast %lt3A : i32 to vector<10240x1xi32>
    %lt3A_83 = arith.cmpi slt, %iota3A, %lt3A_82 : vector<10240x1xi32>
    %jit3A = arith.constant 0.000000e+00 : f32
    %broadcast_in_dim3A = vector.shape_cast %lt3A_83 : vector<10240x1xi1> to vector<10240x1xi1>
    %broadcast_in_dim3A_84 = vector.broadcast %broadcast_in_dim3A : vector<10240x1xi1> to vector<10240x128xi1>
    %broadcast_in_dim3A_85 = vector.broadcast %jit3A : f32 to vector<10240x128xf32>
    %select_n3A = arith.select %broadcast_in_dim3A_84, %max3A_81, %broadcast_in_dim3A_85 : vector<10240x128xi1>, vector<10240x128xf32>
    %reduce_sum3A = arith.constant dense<0.000000e+00> : vector<128xf32>
    %reduce_sum3A_86 = vector.multi_reduction <add>, %select_n3A, %reduce_sum3A [0] : vector<10240x128xf32> to vector<128xf32>
    %broadcast_in_dim3A_87 = vector.shape_cast %reduce_sum3A_86 : vector<128xf32> to vector<1x128xf32>
    %swap3A_88 = arith.constant 0 : index
    %swap3A_89 = arith.constant 0 : index
    %swap3A_90 = vector.load %arg15[%swap3A_88, %swap3A_89] : memref<1x128xf32, #tpu.memory_space<vmem>>, vector<1x128xf32>
    tpu.vector_store %arg15[%swap3A_88, %swap3A_89], %broadcast_in_dim3A_87 {strides = array<i32>} : memref<1x128xf32, #tpu.memory_space<vmem>>, vector<1x128xf32>,
    %mul3A_91 = vector.broadcast %slice3A : vector<10240x1xf32> to vector<10240x128xf32>
    %mul3A_92 = arith.mulf %max3A_53, %mul3A_91 : vector<10240x128xf32>
    %swap3A_93 = arith.constant 0 : index
    %swap3A_94 = arith.constant 0 : index
    %swap3A_95 = vector.load %arg16[%swap3A_93, %swap3A_94] : memref<10240x128xf32, #tpu.memory_space<vmem>>, vector<10240x128xf32>
    tpu.vector_store %arg16[%swap3A_93, %swap3A_94], %mul3A_92 {strides = array<i32>} : memref<10240x128xf32, #tpu.memory_space<vmem>>, vector<10240x128xf32>,
    return
  }
}

module attributes {stable_mosaic.version = 14 : i64} {
  func.func @body(%arg0: memref<10240x128xf32, #tpu.memory_space<vmem>>, %arg1: memref<2x10240x128xf32, #tpu.memory_space<vmem>>, %arg2: memref<10240x16xf32, #tpu.memory_space<vmem>>, %arg3: memref<128x128xf32, #tpu.memory_space<vmem>>, %arg4: memref<128x128xf32, #tpu.memory_space<vmem>>, %arg5: memref<1x128xf32, #tpu.memory_space<vmem>>, %arg6: memref<1x128xf32, #tpu.memory_space<vmem>>, %arg7: memref<1x128xf32, #tpu.memory_space<vmem>>, %arg8: memref<1x128xf32, #tpu.memory_space<vmem>>, %arg9: memref<1x128xf32, #tpu.memory_space<vmem>>, %arg10: memref<1x128xf32, #tpu.memory_space<vmem>>, %arg11: memref<1x128xf32, #tpu.memory_space<vmem>>, %arg12: memref<1x128xf32, #tpu.memory_space<vmem>>, %arg13: memref<1x128xf32, #tpu.memory_space<vmem>>, %arg14: memref<10240x128xf32, #tpu.memory_space<vmem>>, %arg15: memref<1x128xf32, #tpu.memory_space<vmem>>) attributes {dimension_semantics = [], scalar_prefetch = 0 : i64, scratch_operands = 0 : i64, tpu.core_type = #tpu.core_type<tc>} {
    %get3A = arith.constant 0 : index
    %get3A_0 = arith.constant 0 : index
    %get3A_1 = vector.load %arg2[%get3A, %get3A_0] : memref<10240x16xf32, #tpu.memory_space<vmem>>, vector<10240x16xf32>
    %slice3A = vector.extract_strided_slice %get3A_1 {offsets = [0, 0], sizes = [10240, 1], strides = [1, 1]} : vector<10240x16xf32> to vector<10240x1xf32>
    %get3A_2 = arith.constant 0 : index
    %get3A_3 = arith.constant 0 : index
    %get3A_4 = arith.constant 0 : index
    %get3A_5 = vector.load %arg1[%get3A_2, %get3A_3, %get3A_4] : memref<2x10240x128xf32, #tpu.memory_space<vmem>>, vector<1x10240x128xf32>
    %get3A_6 = vector.shape_cast %get3A_5 : vector<1x10240x128xf32> to vector<10240x128xf32>
    %get3A_7 = arith.constant 1 : index
    %get3A_8 = arith.constant 0 : index
    %get3A_9 = arith.constant 0 : index
    %get3A_10 = vector.load %arg1[%get3A_7, %get3A_8, %get3A_9] : memref<2x10240x128xf32, #tpu.memory_space<vmem>>, vector<1x10240x128xf32>
    %get3A_11 = vector.shape_cast %get3A_10 : vector<1x10240x128xf32> to vector<10240x128xf32>
    %add3A = arith.addf %get3A_6, %get3A_11 : vector<10240x128xf32>
    %mul3A = vector.broadcast %slice3A : vector<10240x1xf32> to vector<10240x128xf32>
    %mul3A_12 = arith.mulf %add3A, %mul3A : vector<10240x128xf32>
    %get3A_13 = arith.constant 0 : index
    %get3A_14 = arith.constant 0 : index
    %get3A_15 = vector.load %arg0[%get3A_13, %get3A_14] : memref<10240x128xf32, #tpu.memory_space<vmem>>, vector<10240x128xf32>
    %get3A_16 = arith.constant 0 : index
    %get3A_17 = arith.constant 0 : index
    %get3A_18 = vector.load %arg3[%get3A_16, %get3A_17] : memref<128x128xf32, #tpu.memory_space<vmem>>, vector<128x128xf32>
    %dot_general3A = arith.constant dense<0.000000e+00> : vector<10240x128xf32>
    %dot_general3A_19 = tpu.matmul %get3A_15, %get3A_18, %dot_general3A {dimension_numbers = #tpu.dot_dimension_numbers<[1], [0], [0], [1], [0, 0, 1, 1], [], []>, transpose_lhs_hint = false} : vector<10240x128xf32>, vector<128x128xf32>, vector<10240x128xf32> -> vector<10240x128xf32>
    %get3A_20 = arith.constant 0 : index
    %get3A_21 = arith.constant 0 : index
    %get3A_22 = vector.load %arg4[%get3A_20, %get3A_21] : memref<128x128xf32, #tpu.memory_space<vmem>>, vector<128x128xf32>
    %dot_general3A_23 = arith.constant dense<0.000000e+00> : vector<10240x128xf32>
    %dot_general3A_24 = tpu.matmul %mul3A_12, %get3A_22, %dot_general3A_23 {dimension_numbers = #tpu.dot_dimension_numbers<[1], [0], [0], [1], [0, 0, 1, 1], [], []>, transpose_lhs_hint = false} : vector<10240x128xf32>, vector<128x128xf32>, vector<10240x128xf32> -> vector<10240x128xf32>
    %add3A_25 = arith.addf %dot_general3A_19, %dot_general3A_24 : vector<10240x128xf32>
    %get3A_26 = arith.constant 0 : index
    %get3A_27 = arith.constant 0 : index
    %get3A_28 = vector.load %arg5[%get3A_26, %get3A_27] : memref<1x128xf32, #tpu.memory_space<vmem>>, vector<1x128xf32>
    %add3A_29 = vector.broadcast %get3A_28 : vector<1x128xf32> to vector<10240x128xf32>
    %add3A_30 = arith.addf %add3A_25, %add3A_29 : vector<10240x128xf32>
    %get3A_31 = arith.constant 0 : index
    %get3A_32 = arith.constant 0 : index
    %get3A_33 = vector.load %arg6[%get3A_31, %get3A_32] : memref<1x128xf32, #tpu.memory_space<vmem>>, vector<1x128xf32>
    %get3A_34 = arith.constant 0 : index
    %get3A_35 = arith.constant 0 : index
    %get3A_36 = vector.load %arg7[%get3A_34, %get3A_35] : memref<1x128xf32, #tpu.memory_space<vmem>>, vector<1x128xf32>
    %get3A_37 = arith.constant 0 : index
    %get3A_38 = arith.constant 0 : index
    %get3A_39 = vector.load %arg8[%get3A_37, %get3A_38] : memref<1x128xf32, #tpu.memory_space<vmem>>, vector<1x128xf32>
    %get3A_40 = arith.constant 0 : index
    %get3A_41 = arith.constant 0 : index
    %get3A_42 = vector.load %arg9[%get3A_40, %get3A_41] : memref<1x128xf32, #tpu.memory_space<vmem>>, vector<1x128xf32>
    %add3A_43 = arith.constant 9.99999974E-6 : f32
    %add3A_44 = vector.broadcast %add3A_43 : f32 to vector<1x128xf32>
    %add3A_45 = arith.addf %get3A_42, %add3A_44 : vector<1x128xf32>
    %rsqrt3A = math.rsqrt %add3A_45 : vector<1x128xf32>
    %mul3A_46 = arith.mulf %get3A_33, %rsqrt3A : vector<1x128xf32>
    %mul3A_47 = arith.mulf %get3A_39, %mul3A_46 : vector<1x128xf32>
    %sub3A = arith.subf %get3A_36, %mul3A_47 : vector<1x128xf32>
    %mul3A_48 = vector.broadcast %mul3A_46 : vector<1x128xf32> to vector<10240x128xf32>
    %mul3A_49 = arith.mulf %add3A_30, %mul3A_48 : vector<10240x128xf32>
    %add3A_50 = vector.broadcast %sub3A : vector<1x128xf32> to vector<10240x128xf32>
    %add3A_51 = arith.addf %mul3A_49, %add3A_50 : vector<10240x128xf32>
    %max3A = arith.constant 0.000000e+00 : f32
    %max3A_52 = vector.broadcast %max3A : f32 to vector<10240x128xf32>
    %max3A_53 = arith.maximumf %add3A_51, %max3A_52 : vector<10240x128xf32>
    %swap3A = arith.constant 0 : index
    %swap3A_54 = arith.constant 0 : index
    %swap3A_55 = vector.load %arg14[%swap3A, %swap3A_54] : memref<10240x128xf32, #tpu.memory_space<vmem>>, vector<10240x128xf32>
    tpu.vector_store %arg14[%swap3A, %swap3A_54], %max3A_53 {strides = array<i32>} : memref<10240x128xf32, #tpu.memory_space<vmem>>, vector<10240x128xf32>,
    %get3A_56 = arith.constant 0 : index
    %get3A_57 = arith.constant 0 : index
    %get3A_58 = vector.load %arg10[%get3A_56, %get3A_57] : memref<1x128xf32, #tpu.memory_space<vmem>>, vector<1x128xf32>
    %get3A_59 = arith.constant 0 : index
    %get3A_60 = arith.constant 0 : index
    %get3A_61 = vector.load %arg11[%get3A_59, %get3A_60] : memref<1x128xf32, #tpu.memory_space<vmem>>, vector<1x128xf32>
    %get3A_62 = arith.constant 0 : index
    %get3A_63 = arith.constant 0 : index
    %get3A_64 = vector.load %arg12[%get3A_62, %get3A_63] : memref<1x128xf32, #tpu.memory_space<vmem>>, vector<1x128xf32>
    %get3A_65 = arith.constant 0 : index
    %get3A_66 = arith.constant 0 : index
    %get3A_67 = vector.load %arg13[%get3A_65, %get3A_66] : memref<1x128xf32, #tpu.memory_space<vmem>>, vector<1x128xf32>
    %add3A_68 = arith.constant 9.99999974E-6 : f32
    %add3A_69 = vector.broadcast %add3A_68 : f32 to vector<1x128xf32>
    %add3A_70 = arith.addf %get3A_67, %add3A_69 : vector<1x128xf32>
    %rsqrt3A_71 = math.rsqrt %add3A_70 : vector<1x128xf32>
    %mul3A_72 = arith.mulf %get3A_58, %rsqrt3A_71 : vector<1x128xf32>
    %mul3A_73 = arith.mulf %get3A_64, %mul3A_72 : vector<1x128xf32>
    %sub3A_74 = arith.subf %get3A_61, %mul3A_73 : vector<1x128xf32>
    %mul3A_75 = vector.broadcast %mul3A_72 : vector<1x128xf32> to vector<10240x128xf32>
    %mul3A_76 = arith.mulf %max3A_53, %mul3A_75 : vector<10240x128xf32>
    %add3A_77 = vector.broadcast %sub3A_74 : vector<1x128xf32> to vector<10240x128xf32>
    %add3A_78 = arith.addf %mul3A_76, %add3A_77 : vector<10240x128xf32>
    %max3A_79 = arith.constant 0.000000e+00 : f32
    %max3A_80 = vector.broadcast %max3A_79 : f32 to vector<10240x128xf32>
    %max3A_81 = arith.maximumf %add3A_78, %max3A_80 : vector<10240x128xf32>
    %iota3A = tpu.iota {dimensions = array<i32: 0>} : vector<10240x1xi32>
    %lt3A = arith.constant 10000 : i32
    %lt3A_82 = vector.broadcast %lt3A : i32 to vector<10240x1xi32>
    %lt3A_83 = arith.cmpi slt, %iota3A, %lt3A_82 : vector<10240x1xi32>
    %jit3A = arith.constant 0.000000e+00 : f32
    %broadcast_in_dim3A = vector.shape_cast %lt3A_83 : vector<10240x1xi1> to vector<10240x1xi1>
    %broadcast_in_dim3A_84 = vector.broadcast %broadcast_in_dim3A : vector<10240x1xi1> to vector<10240x128xi1>
    %broadcast_in_dim3A_85 = vector.broadcast %jit3A : f32 to vector<10240x128xf32>
    %select_n3A = arith.select %broadcast_in_dim3A_84, %max3A_81, %broadcast_in_dim3A_85 : vector<10240x128xi1>, vector<10240x128xf32>
    %reduce_sum3A = arith.constant dense<0.000000e+00> : vector<128xf32>
    %reduce_sum3A_86 = vector.multi_reduction <add>, %select_n3A, %reduce_sum3A [0] : vector<10240x128xf32> to vector<128xf32>
    %broadcast_in_dim3A_87 = vector.shape_cast %reduce_sum3A_86 : vector<128xf32> to vector<1x128xf32>
    %swap3A_88 = arith.constant 0 : index
    %swap3A_89 = arith.constant 0 : index
    %swap3A_90 = vector.load %arg15[%swap3A_88, %swap3A_89] : memref<1x128xf32, #tpu.memory_space<vmem>>, vector<1x128xf32>
    tpu.vector_store %arg15[%swap3A_88, %swap3A_89], %broadcast_in_dim3A_87 {strides = array<i32>} : memref<1x128xf32, #tpu.memory_space<vmem>>, vector<1x128xf32>,
    return
  }
}

module attributes {stable_mosaic.version = 14 : i64} {
  func.func @_readout_body(%arg0: memref<1x128xf32, #tpu.memory_space<vmem>>, %arg1: memref<1x128xf32, #tpu.memory_space<vmem>>, %arg2: memref<1x128xf32, #tpu.memory_space<vmem>>, %arg3: memref<1x128xf32, #tpu.memory_space<vmem>>, %arg4: memref<512x256xf32, #tpu.memory_space<vmem>>, %arg5: memref<1x256xf32, #tpu.memory_space<vmem>>, %arg6: memref<256x128xf32, #tpu.memory_space<vmem>>, %arg7: memref<1x128xf32, #tpu.memory_space<vmem>>, %arg8: memref<128x10xf32, #tpu.memory_space<vmem>>, %arg9: memref<1x10xf32, #tpu.memory_space<vmem>>, %arg10: memref<1x10xf32, #tpu.memory_space<vmem>>) attributes {dimension_semantics = [], scalar_prefetch = 0 : i64, scratch_operands = 0 : i64, tpu.core_type = #tpu.core_type<tc>} {
    %get3A = arith.constant 0 : index
    %get3A_0 = arith.constant 0 : index
    %get3A_1 = vector.load %arg0[%get3A, %get3A_0] : memref<1x128xf32, #tpu.memory_space<vmem>>, vector<1x128xf32>
    %get3A_2 = arith.constant 0 : index
    %get3A_3 = arith.constant 0 : index
    %get3A_4 = vector.load %arg1[%get3A_2, %get3A_3] : memref<1x128xf32, #tpu.memory_space<vmem>>, vector<1x128xf32>
    %get3A_5 = arith.constant 0 : index
    %get3A_6 = arith.constant 0 : index
    %get3A_7 = vector.load %arg2[%get3A_5, %get3A_6] : memref<1x128xf32, #tpu.memory_space<vmem>>, vector<1x128xf32>
    %get3A_8 = arith.constant 0 : index
    %get3A_9 = arith.constant 0 : index
    %get3A_10 = vector.load %arg3[%get3A_8, %get3A_9] : memref<1x128xf32, #tpu.memory_space<vmem>>, vector<1x128xf32>
    %concatenate3A = tpu.concatenate %get3A_1, %get3A_4, %get3A_7, %get3A_10 in 1 : vector<1x128xf32>, vector<1x128xf32>, vector<1x128xf32>, vector<1x128xf32> -> vector<1x512xf32>
    %div3A = arith.constant 1.000000e+04 : f32
    %div3A_11 = vector.broadcast %div3A : f32 to vector<1x512xf32>
    %div3A_12 = arith.divf %concatenate3A, %div3A_11 : vector<1x512xf32>
    %get3A_13 = arith.constant 0 : index
    %get3A_14 = arith.constant 0 : index
    %get3A_15 = vector.load %arg4[%get3A_13, %get3A_14] : memref<512x256xf32, #tpu.memory_space<vmem>>, vector<512x256xf32>
    %dot_general3A = arith.constant dense<0.000000e+00> : vector<1x256xf32>
    %dot_general3A_16 = tpu.matmul %div3A_12, %get3A_15, %dot_general3A {dimension_numbers = #tpu.dot_dimension_numbers<[1], [0], [0], [1], [0, 0, 1, 1], [], []>, transpose_lhs_hint = false} : vector<1x512xf32>, vector<512x256xf32>, vector<1x256xf32> -> vector<1x256xf32>
    %get3A_17 = arith.constant 0 : index
    %get3A_18 = arith.constant 0 : index
    %get3A_19 = vector.load %arg5[%get3A_17, %get3A_18] : memref<1x256xf32, #tpu.memory_space<vmem>>, vector<1x256xf32>
    %add3A = arith.addf %dot_general3A_16, %get3A_19 : vector<1x256xf32>
    %max3A = arith.constant 0.000000e+00 : f32
    %max3A_20 = vector.broadcast %max3A : f32 to vector<1x256xf32>
    %max3A_21 = arith.maximumf %add3A, %max3A_20 : vector<1x256xf32>
    %get3A_22 = arith.constant 0 : index
    %get3A_23 = arith.constant 0 : index
    %get3A_24 = vector.load %arg6[%get3A_22, %get3A_23] : memref<256x128xf32, #tpu.memory_space<vmem>>, vector<256x128xf32>
    %dot_general3A_25 = arith.constant dense<0.000000e+00> : vector<1x128xf32>
    %dot_general3A_26 = tpu.matmul %max3A_21, %get3A_24, %dot_general3A_25 {dimension_numbers = #tpu.dot_dimension_numbers<[1], [0], [0], [1], [0, 0, 1, 1], [], []>, transpose_lhs_hint = false} : vector<1x256xf32>, vector<256x128xf32>, vector<1x128xf32> -> vector<1x128xf32>
    %get3A_27 = arith.constant 0 : index
    %get3A_28 = arith.constant 0 : index
    %get3A_29 = vector.load %arg7[%get3A_27, %get3A_28] : memref<1x128xf32, #tpu.memory_space<vmem>>, vector<1x128xf32>
    %add3A_30 = arith.addf %dot_general3A_26, %get3A_29 : vector<1x128xf32>
    %max3A_31 = arith.constant 0.000000e+00 : f32
    %max3A_32 = vector.broadcast %max3A_31 : f32 to vector<1x128xf32>
    %max3A_33 = arith.maximumf %add3A_30, %max3A_32 : vector<1x128xf32>
    %get3A_34 = arith.constant 0 : index
    %get3A_35 = arith.constant 0 : index
    %get3A_36 = vector.load %arg8[%get3A_34, %get3A_35] : memref<128x10xf32, #tpu.memory_space<vmem>>, vector<128x10xf32>
    %dot_general3A_37 = arith.constant dense<0.000000e+00> : vector<1x10xf32>
    %dot_general3A_38 = tpu.matmul %max3A_33, %get3A_36, %dot_general3A_37 {dimension_numbers = #tpu.dot_dimension_numbers<[1], [0], [0], [1], [0, 0, 1, 1], [], []>, transpose_lhs_hint = false} : vector<1x128xf32>, vector<128x10xf32>, vector<1x10xf32> -> vector<1x10xf32>
    %get3A_39 = arith.constant 0 : index
    %get3A_40 = arith.constant 0 : index
    %get3A_41 = vector.load %arg9[%get3A_39, %get3A_40] : memref<1x10xf32, #tpu.memory_space<vmem>>, vector<1x10xf32>
    %add3A_42 = arith.addf %dot_general3A_38, %get3A_41 : vector<1x10xf32>
    %swap3A = arith.constant 0 : index
    %swap3A_43 = arith.constant 0 : index
    %swap3A_44 = vector.load %arg10[%swap3A, %swap3A_43] : memref<1x10xf32, #tpu.memory_space<vmem>>, vector<1x10xf32>
    tpu.vector_store %arg10[%swap3A, %swap3A_43], %add3A_42 {strides = array<i32>} : memref<1x10xf32, #tpu.memory_space<vmem>>, vector<1x10xf32>,
    return
  }
}

</mosaic_0001>

<sc_bundles>
// kernel: kernel.11.cloned.1.call-start
scs
__scs_entry_jumppad:
0x0: {  	(pc) =	sbr.rel $0x88, $3  }
0x1: {  	(tag) =	ssettag $0x0;
	lr =	simm.s32 $0x1  }
0x2: {  	[smem:$0x3F8B] =	sst lr;
	_ =	strace $0xD0000000  }
0x3: {  	_ = 	snop  }
0x4: {  	_ = 	snop  }
0x5: {  	_ = 	snop  }
0x6: {  	_ = 	snop  }
0x7: {  	_ = 	snop  }
__scs_overlays_trampoline_lowered:
0x8: {  	[smem:$0x3F9A] =	sst s0  }
0x9: {  	[smem:$0x3F9B] =	sst s1  }
0xa: {  	[smem:$0x3F9C] =	sst s2  }
0xb: {  	[smem:$0x3F9D] =	sst s3  }
0xc: {  	[smem:$0x3F9E] =	sst s4  }
0xd: {  	[smem:$0x3F9F] =	sst s5  }
0xe: {  	[smem:$0x3FA0] =	sst s6  }
0xf: {  	[smem:$0x3FA1] =	sst s7  }
0x10: {  	[smem:$0x3FA2] =	sst s8  }
0x11: {  	[smem:$0x3FA3] =	sst s9;
	s0 =	simm.s32 @!p0 $0x0  }
0x12: {  	s1 =	sld [smem:$0x3F89];
	s0 =	simm.s32 @p0 $0x1  }
0x13: {  	[smem:$0x3FA4] =	sst s0;
	s0 =	simm.s32 @!p1 $0x0  }
0x14: {  	s2 =	sld [smem:$0x3F88];
	s0 =	simm.s32 @p1 $0x1  }
0x15: {  	[smem:$0x3FA5] =	sst s0;
	s0 =	simm.s32 @!p2 $0x0  }
0x16: {  	s3 =	sld [smem:$0x3FDB];
	s0 =	simm.s32 @p2 $0x1  }
0x17: {  	s4 =	simm.s32 $0x1BF5;
	[smem:$0x3FA7] =	sst s0  }
0x18: {  	s0 =	sld [smem:$0x3F8A];
	_ =	swait.ge [sflag:s4], $0x0  }
0x19: {  	s7 =	sld [smem:$0x3F8B]  }
0x1a: {  	s8 =	sadd.s32 $0xFFFFE003, lr  }
0x1b: {  	s9 =	sadd.s32 $0xFFFFFEF7, lr;
	s5 =	simm.s32 $0xFFFFFFFF;
	p2 =	slt.u32 s8, $0xFFFFF086  }
0x1c: {  	p1 =	slt.u32 s9, $0xF7A;
	s5 =	simm.s32 @!p2 $0x0  }
0x1d: {  	s5 =	simm.s32 @p1 $0x1;
	p0 =	seq.s32 s7, s2  }
0x1e: {  	s7 =	smul.u32 @!p0 $0xF7A, s2;
	p2 =	seq.s32 @!p0 s5, $0x0  }
0x1f: {  	s9 =	smul.u32 $0xF7A, s1;
	s8 =	simm.s32 @!p0 $0x1BF5;
	p2 =	por !p2, p0  }
0x20: {  	[sflag:s8] =	ssyncset.s32 @!p0 $0xFFFFF086;
	s6 =	sadd.s32 @!p0 s3, s7;
	s7 =	simm.s32 @!p0 $0x108  }
0x21: {  	s3 =	sadd.s32 s3, s9;
	s6 =	sadd.s32 @!p0 $0x88, s6;
	s7 =	simm.s32 @p2 $0x1082  }
0x22: {  	[simem:s7], [sflag:s8] =	dma.local @!p0 [hbm:s6], $0xF7A  }
0x23: {  	s9 =	sor.u32 $0xD0000000, s2;
	s6 =	simm.s32 $0x108;
	_ =	swait.ge @!p0 [sflag:s8], $0x0  }
0x24: {  	s3 =	sadd.s32 $0x88, s3;
	s6 =	simm.s32 @!p1 $0x1082;
	[sflag:s4] =	ssyncset.s32 $0xFFFFF086  }
0x25: {  	[simem:s6], [sflag:s4] =	dma.local [hbm:s3], $0xF7A  }
0x26: {  	[smem:$0x3F8B] =	sst s1;
	(tag) =	ssettag s2;
	_ =	strace s9  }
0x27: {  	s1 =	sld [smem:$0x3F9B]  }
0x28: {  	s2 =	sld [smem:$0x3F9C]  }
0x29: {  	s4 =	sld [smem:$0x3F9E]  }
0x2a: {  	p0 =	seq.s32 s5, $0x0;
	s5 =	sld [smem:$0x3F9F]  }
0x2b: {  	s6 =	sld [smem:$0x3FA0]  }
0x2c: {  	s7 =	sld [smem:$0x3FA1]  }
0x2d: {  	s3 =	simm.s32 $0x108;
	s8 =	sld [smem:$0x3FA2]  }
0x2e: {  	s3 =	simm.s32 @!p0 $0x1082;
	s9 =	sld [smem:$0x3FA3]  }
0x2f: {  	lr =	sadd.s32 s0, s3;
	s0 =	sld [smem:$0x3F9A]  }
0x30: {  	s3 =	sld [smem:$0x3F9D]  }
0x31: {  	[smem:$0x3FA6] =	sst s10  }
0x32: {  	s10 =	sld [smem:$0x3FA4];
	_ =	sdelay $0x3  }
0x33: {  	p0 =	seq.s32 s10, $0x1;
	s10 =	sld [smem:$0x3FA6];
	_ =	sdelay $0x3  }
0x34: {  	[smem:$0x3FA6] =	sst s10  }
0x35: {  	s10 =	sld [smem:$0x3FA5];
	_ =	sdelay $0x3  }
0x36: {  	p1 =	seq.s32 s10, $0x1;
	s10 =	sld [smem:$0x3FA6];
	_ =	sdelay $0x3  }
0x37: {  	[smem:$0x3FA6] =	sst s10  }
0x38: {  	s10 =	sld [smem:$0x3FA7]  }
0x39: {  	_ = 	snop;
	(pc) =	sbr.ind lr, $3  }
0x3a: {  	_ = 	snop  }
0x3b: {  	_ = 	snop  }
0x3c: {  	p2 =	seq.s32 s10, $0x1;
	s10 =	sld [smem:$0x3FA6]  }
0x3d: {  	_ =	shalt  }
0x3e: {  	_ =	shalt  }
0x3f: {  	_ =	shalt  }
0x40: {  	_ =	shalt  }
0x41: {  	_ =	shalt  }
0x42: {  	_ =	shalt  }
0x43: {  	_ =	shalt  }
0x44: {  	_ =	shalt  }
0x45: {  	_ =	shalt  }
0x46: {  	_ =	shalt  }
0x47: {  	_ =	shalt  }
0x48: {  	_ =	shalt  }
0x49: {  	_ =	shalt  }
0x4a: {  	_ =	shalt  }
0x4b: {  	_ =	shalt  }
0x4c: {  	_ =	shalt  }
0x4d: {  	_ =	shalt  }
0x4e: {  	_ =	shalt  }
0x4f: {  	_ =	shalt  }
0x50: {  	_ =	shalt  }
0x51: {  	_ =	shalt  }
0x52: {  	_ =	shalt  }
0x53: {  	_ =	shalt  }
0x54: {  	_ =	shalt  }
0x55: {  	_ =	shalt  }
0x56: {  	_ =	shalt  }
0x57: {  	_ =	shalt  }
0x58: {  	_ =	shalt  }
0x59: {  	_ =	shalt  }
0x5a: {  	_ =	shalt  }
0x5b: {  	_ =	shalt  }
0x5c: {  	_ =	shalt  }
0x5d: {  	_ =	shalt  }
0x5e: {  	_ =	shalt  }
0x5f: {  	_ =	shalt  }
0x60: {  	_ =	shalt  }
0x61: {  	_ =	shalt  }
0x62: {  	_ =	shalt  }
0x63: {  	_ =	shalt  }
0x64: {  	_ =	shalt  }
0x65: {  	_ =	shalt  }
0x66: {  	_ =	shalt  }
0x67: {  	_ =	shalt  }
0x68: {  	_ =	shalt  }
0x69: {  	_ =	shalt  }
0x6a: {  	_ =	shalt  }
0x6b: {  	_ =	shalt  }
0x6c: {  	_ =	shalt  }
0x6d: {  	_ =	shalt  }
0x6e: {  	_ =	shalt  }
0x6f: {  	_ =	shalt  }
0x70: {  	_ =	shalt  }
0x71: {  	_ =	shalt  }
0x72: {  	_ =	shalt  }
0x73: {  	_ =	shalt  }
0x74: {  	_ =	shalt  }
0x75: {  	_ =	shalt  }
0x76: {  	_ =	shalt  }
0x77: {  	_ =	shalt  }
0x78: {  	_ =	shalt  }
0x79: {  	_ =	shalt  }
0x7a: {  	_ =	shalt  }
0x7b: {  	_ =	shalt  }
0x7c: {  	_ =	shalt  }
0x7d: {  	_ =	shalt  }
0x7e: {  	_ =	shalt  }
0x7f: {  	_ =	shalt  }
0x80: {  	_ =	shalt  }
0x81: {  	_ =	shalt  }
0x82: {  	_ =	shalt  }
0x83: {  	_ =	shalt  }
0x84: {  	_ =	shalt  }
0x85: {  	_ =	shalt  }
0x86: {  	_ =	shalt  }
0x87: {  	_ =	shalt  }
.Lfunc_end0:
.L_simem_size_0:
called_computation_lowered:
.L_overlay_start_0:
0x88: {  	s2 =	sld [smem:$0x3FD9]  }
0x89: {  	s3 =	sld [smem:$0x3FFE];
	_ =	sdelay $0x1  }
0x8a: {  	s1 =	srdreg.scid  }
0x8b: {  	s0 =	sand.u32 $0x1, s1  }
0x8c: {  	s16 =	sshll.u32 s0, $0xA;
	s2 =	sadd.s32 s3, s2  }
0x8d: {  	s2 =	sadd.s32 s2, s16  }
0x8e: {  	[smem:$0x3FB2] =	sst s2  }
0x8f: {  	_ = 	snop  }
0x90: {  	(tm) =	ssettm $0x1  }
0x91: {  	s17 =	sld [smem:$0x3FFB];
	_ =	sdelay $0x3  }
0x92: {  	_ =	strace s17  }
0x93: {  	s2 =	sld [smem:$0x3FFC];
	_ =	sdelay $0x3  }
0x94: {  	_ =	strace s2  }
0x95: {  	s2 =	sld [smem:$0x3FFD];
	_ =	sdelay $0x3  }
0x96: {  	_ =	strace s2  }
0x97: {  	_ =	strace $0x8FFFFFFF  }
0x98: {  	s18 =	sld [smem:$0x3FDB];
	_ =	sdelay $0x1  }
0x99: {  	s19 =	simm.s32 $_scs_section_size  }
0x9a: {  	s4 =	simm.s32 $_size__tile_overlayer_lowered;
	s5 =	simm.s32 $_tile_overlayer_lowered  }
0x9b: {  	s22 =	simm.s32 $0x1BFF;
	s21 =	sshll.u32 s5, $0x1;
	s2 =	sadd.s32 s19, s18  }
0x9c: {  	s6 =	simm.s32 $0x0;
	s20 =	sshll.u32 s4, $0x1;
	s4 =	sadd.s32 s21, s2  }
0x9d: {  	[timem:s6], [sflag:s22] =	dma.local [hbm:s4], s20  }
0x9e: {  	_ =	swait.ge [sflag:s22], s20  }
0x9f: {  	s3 =	ssub.s32 $0x0, s20;
	[sflag:s22] =	ssyncset.done $0x0  }
0xa0: {  	[sflag:s22] =	ssyncadd.s32 s3;
	_ =	sdelay $0x1  }
0xa1: {  	s23 =	simm.s32 $0x1B8B  }
0xa2: {  	_ =	swait.ge [sflag:s23], $0x1  }
0xa3: {  	[sflag:s23] =	ssyncset.done $0x0  }
0xa4: {  	s25 =	simm.s32 $0x1B8E;
	s24 =	sld [smem:$0x3FFE];
	[sflag:s23] =	ssyncadd.s32 $0xFFFFFFFF  }
0xa5: {  	s26 =	simm.s32 $execute0_lowered;
	[smem:$0x3FD2] =	sst s25  }
0xa6: {  	s4 =	sshll.u32 s26, $0x1;
	_ =	strace $0x80000046;
	[dreg:$0x1] =	wrdreg $0xFFFFFFFF  }
0xa7: {  	s28 =	simm.s32 $_size_execute0_lowered;
	s2 =	sadd.s32 s2, s4;
	[dreg:$0x0] =	wrdreg $0x0  }
0xa8: {  	s4 =	sshll.u32 s28, $0x1;
	[dreg:$0x2] =	wrdreg s2  }
0xa9: {  	[dreg:$0x3] =	wrdreg s4  }
0xaa: {  	[dreg:$0x4] =	wrdreg $0xC0  }
0xab: {  	_ =	task [dreg:s6], $0x5FFFF  }
0xac: {  	[dreg:$0x1] =	wrdreg $0xFFFFFFFF  }
0xad: {  	[dreg:$0x0] =	wrdreg $0x60  }
0xae: {  	[dreg:$0x2] =	wrdreg s24  }
0xaf: {  	[dreg:$0x3] =	wrdreg $0x0  }
0xb0: {  	[dreg:$0x4] =	wrdreg $0x9  }
0xb1: {  	_ =	task.clear_ibuf [dreg:s6], $0x5FFFF;
	_ =	strace $0x90000046  }
0xb2: {  	s29 =	simm.s32 $0x9;
	_ =	strace $0x80000048  }
0xb3: {  	_ =	swait.ge [sflag:s29], $0x1  }
0xb4: {  	[sflag:s29] =	ssyncadd.s32 $0xFFFFFFFF  }
0xb5: {  	_ =	strace $0x90000048  }
0xb6: {  	_ =	sfence  }
0xb7: {  	s30 =	sld [smem:$0x0];
	_ =	sdelay $0x2  }
0xb8: {  	s31 =	sshll.u32 s1, $0xD;
	s1 =	sshrl.u32 s1, $0x2  }
0xb9: {  	s3 =	sand.u32 $0x4000, s31;
	s1 =	sadd.s32 s1, s30  }
0xba: {  	s0 =	sor.u32 s3, s0;
	s1 =	sshll.u32 s1, $0x11  }
0xbb: {  	s0 =	sor.u32 s1, s0  }
0xbc: {  	s0 =	sadd.s32 $0x8F2B, s0  }
0xbd: {  	[sflag:s0] =	ssyncadd.remote.s32 $0x1  }
0xbe: {  	_ =	sfence.sel $0xFFFF  }
0xbf: {  	[dreg:$0x0] =	wrdreg $0xFFFFFFFF;
	(pc) =	sbr.abs _section_cstart, $3  }
0xc0: {  	[dreg:$0x1] =	wrdreg $0xFFFFFFFF  }
0xc1: {  	_ =	task.clear_ibuf [dreg:s6], $0x2FFFF;
	_ =	strace $0x9FFFFFFF  }
0xc2: {  	(tm) =	ssettm $0x7FFFFFFF  }
0xc3: {  	_ =	shalt  }
tec
execute0_lowered:
.L_overlay_start_1:
0x0: {  	(tag) =	ssettag $0x1  }
0x1: {  	s1 =	srdreg.scid  }
0x2: {  	s0 =	stileid.u32;
	s7 =	rddreg [dreg:$0x0]  }
0x3: {  	s2 =	rddreg [dreg:$0x1];
	s3 =	simm.s32 $0x0;
	s12 =	simm.s32 $0x14000  }
0x4: {  	s13 =	simm.s32 $0x18000;
	s14 =	simm.s32 $0x80;
	s15 =	simm.s32 $0x1  }
0x5: {  	s16 =	simm.s32 $0x2;
	s17 =	simm.s32 $0x0;
	s8 =	smul.u32 $0x14000, s0  }
0x6: {  	s6 =	sand.u32 $0x1, s1;
	s29 =	sshll.u32 s0, $0x1;
	s10 =	smul.u32 $0x50000, s0  }
0x7: {  	[smem:$0x7FF] =	sst s3;
	s1 =	sor.u32 s6, s29;
	s5 =	smul.u32 $0x140000, s6  }
0x8: {  	s31 =	sshll.u32 s0, $0x6;
	s6 =	ssub.s32 $0x2, s6;
	s4 =	smul.u32 $0x500, s1  }
0x9: {  	s1 =	rddreg [dreg:$0x2];
	_ =	strace $0x80000047;
	s30 =	sshrl.u32 s6, $0x1  }
0xa: {  	s10 =	sshrl.u32 s10, $0x2;
	s8 =	sadd.s32 s8, s5;
	s5 =	sadd.s32 $0xFA00, s7  }
0xb: {  	s11 =	ssub.s32 s6, s30;
	s10 =	sadd.s32 s10, s2;
	s6 =	sor.u32 $0x1C03, s31  }
0xc: {  	s9 =	sadd.s32 s4, s7;
	s4 =	sadd.s32 $0xF200, s7;
	s8 =	sshrl.u32 s8, $0x3  }
0xd: {  	s10 =	sshrl.u32 s10, $0x3;
	s8 =	sadd.s32 s8, s7;
	s7 =	sadd.s32 $0x5200, s9  }
0xe: {  	s9 =	smax.u32 s11, $0x1;
	s11 =	simm.s32 $0x3;
	s8 =	sadd.s32 $0x12200, s8  }
.LBB2_1:
0xf: {  	[spmem:s10], [sflag:s6] =	dma.local [hbm:s5], $0x2800  }
0x10: {  	_ =	swait.ge [sflag:s11], $0x2800  }
0x11: {  	[sflag:s11] =	ssyncset.done $0x0  }
0x12: {  	[sflag:s11] =	ssyncadd.s32 $0xFFFFD800  }
0x13: {  	[tilespmem:s12], [sflag:$0x3] =	stream.linear.gather [hbm4b:s4+s3], $0x4000, $0x38;
	[tilespmem:$0x1A800] =	vst v63  }
0x14: {  	_ =	swait.ge [sflag:s11], $0x4000  }
0x15: {  	[sflag:s11] =	ssyncset.done $0x0  }
0x16: {  	[sflag:s11] =	ssyncadd.s32 $0xFFFFC000  }
0x17: {  	[tilespmem:s13], [sflag:$0x3] =	stream.linear.gather [hbm4b:s7+s3], $0x2800, $0x38;
	[tilespmem:$0x1A800] =	vst v63  }
0x18: {  	_ =	swait.ge [sflag:s11], $0x2800  }
0x19: {  	[sflag:s11] =	ssyncset.done $0x0  }
0x1a: {  	[sflag:s11] =	ssyncadd.s32 $0xFFFFD800  }
0x1b: {  	s18 =	simm.s32 $0x18000;
	[bflag:$0x0] =	sbarrier.arrive $0xFFFF  }
0x1c: {  	[spmem:s2] =	stream.indirect.scatter.add.f32 [tilespmem:s12], [sflag:$0x1], $0x80, s18, s14, $0xb8;
	[tilespmem:$0x1A800] =	vst v63  }
0x1d: {  	s31 =	simm.s32 $0x18080  }
0x1e: {  	[spmem:s2] =	stream.indirect.scatter.add.f32 [tilespmem:s12], [sflag:$0x2], $0x80, s31, s14, $0xb8;
	[tilespmem:$0x1A800] =	vst v63  }
0x1f: {  	_ =	swait.ge [sflag:s15], $0x4000  }
0x20: {  	[sflag:s15] =	ssyncset.done $0x0  }
0x21: {  	[sflag:s15] =	ssyncadd.s32 $0xFFFFC000  }
0x22: {  	_ =	swait.ge [sflag:s16], $0x4000  }
0x23: {  	s19 =	simm.s32 $0x800;
	s18 =	simm.s32 $0x100;
	[sflag:s16] =	ssyncset.done $0x0  }
.LBB2_2:
0x24: {  	s20 =	sadd.s32 $0x18000, s18  }
0x25: {  	[sflag:s16] =	ssyncadd.s32 $0xFFFFC000;
	s21 =	smov.u32 s19;
	s22 =	sadd.s32 $0x400, s19  }
0x26: {  	[spmem:s2] =	stream.indirect.scatter.add.f32 [tilespmem:s12], [sflag:$0x1], $0x80, s20, s14, $0xb8;
	[tilespmem:$0x1A800] =	vst v63  }
0x27: {  	p0 =	sne.s32 s19, $0x9C00;
	s18 =	sadd.s32 $0x18080, s18  }
0x28: {  	[spmem:s2] =	stream.indirect.scatter.add.f32 [tilespmem:s12], [sflag:$0x2], $0x80, s18, s14, $0xb8;
	[tilespmem:$0x1A800] =	vst v63  }
.Ltmp0:
0x29: {  	_ =	swait.ge [sflag:s15], $0x4000;
	(pc) =	sbr.rel @p0 .LBB2_2-.Ltmp0, $4  }
0x2a: {  	[sflag:s15] =	ssyncset.done $0x0  }
0x2b: {  	[sflag:s15] =	ssyncadd.s32 $0xFFFFC000  }
0x2c: {  	_ =	swait.ge [sflag:s16], $0x4000  }
0x2d: {  	s19 =	smov.u32 s22;
	s18 =	sshra.s32 s21, $0x2;
	[sflag:s16] =	ssyncset.done $0x0  }
0x2e: {  	s19 =	sadd.s32 $0x18000, s18;
	[sflag:s16] =	ssyncadd.s32 $0xFFFFC000  }
0x2f: {  	[spmem:s2] =	stream.indirect.scatter.add.f32 [tilespmem:s12], [sflag:$0x1], $0x80, s19, s14, $0xb8;
	[tilespmem:$0x1A800] =	vst v63  }
0x30: {  	s31 =	sadd.s32 $0x18080, s18  }
0x31: {  	[spmem:s2] =	stream.indirect.scatter.add.f32 [tilespmem:s12], [sflag:$0x2], $0x80, s31, s14, $0xb8;
	[tilespmem:$0x1A800] =	vst v63  }
0x32: {  	_ =	swait.ge [sflag:s15], $0x4000  }
0x33: {  	[sflag:s15] =	ssyncset.done $0x0  }
0x34: {  	[sflag:s15] =	ssyncadd.s32 $0xFFFFC000  }
0x35: {  	_ =	swait.ge [sflag:s16], $0x4000  }
0x36: {  	s17 =	sadd.s32 $0x1, s17;
	[sflag:s16] =	ssyncset.done $0x0  }
0x37: {  	p0 =	sne.s32 s17, s9;
	[sflag:s16] =	ssyncadd.s32 $0xFFFFC000  }
.Ltmp1:
0x38: {  	[bflag:$0x0] =	sbarrier.arrive $0xFFFF;
	(pc) =	sbr.rel @p0 .LBB2_1-.Ltmp1, $4  }
0x39: {  	[hbm:s8], [sflag:s6] =	dma.local [spmem:s10], $0x2800  }
0x3a: {  	_ =	swait.ge [sflag:s11], $0x2800  }
0x3b: {  	[sflag:s11] =	ssyncset.done $0x0  }
0x3c: {  	[sflag:s11] =	ssyncadd.s32 $0xFFFFD800  }
0x3d: {  	_ =	sfence.sel $0x180000  }
0x3e: {  	[bflag:$0x0] =	sbarrier.arrive $0xFFFF  }
0x3f: {  	p0 =	sne.s32 s0, $0x0;
	_ =	strace $0x90000047  }
0x40: {  	s0 =	sadd.s32 @!p0 $0x100000, s1;
	[bflag:$0x2] =	sbarrier.arrive $0xFFFF  }
0x41: {  	[sflag:s0] =	ssyncadd.tile.s32 @!p0 $0x1;
	_ =	shalt  }
.Lfunc_end2:
_tile_overlayer_lowered:
.L_overlay_start_2:
0x42: {  	(tag) =	ssettag $0x2  }
0x43: {  	s0 =	rddreg [dreg:$0x0];
	s2 =	stileid.u32  }
0x44: {  	s1 =	rddreg [dreg:$0x1];
	p0 =	sne.s32 s2, $0x0  }
0x45: {  	s3 =	rddreg [dreg:$0x2];
	[bflag:$0x3] =	sbarrier.arrive $0xFFFF;
	s2 =	simm.s32 @!p0 $0x1C03  }
0x46: {  	[timem:s3], [sflag:s2] =	dma.local @!p0 [hbm:s0], s1  }
0x47: {  	s0 =	simm.s32 @!p0 $0x3  }
0x48: {  	_ =	swait.ge @!p0 [sflag:s0], s1  }
0x49: {  	s1 =	ssub.s32 @!p0 $0x0, s1;
	[sflag:s0] =	ssyncset.done @!p0 $0x0  }
0x4a: {  	[sflag:s0] =	ssyncadd.s32 @!p0 s1  }
0x4b: {  	[bflag:$0x3] =	sbarrier.arrive $0xFFFF  }
0x4c: {  	_ =	shalt  }

// kernel: kernel.14.cloned.1.call-start
scs
__scs_entry_jumppad:
0x0: {  	(pc) =	sbr.rel $0x88, $3  }
0x1: {  	(tag) =	ssettag $0x0;
	lr =	simm.s32 $0x1  }
0x2: {  	[smem:$0x3F8B] =	sst lr;
	_ =	strace $0xD0000000  }
0x3: {  	_ = 	snop  }
0x4: {  	_ = 	snop  }
0x5: {  	_ = 	snop  }
0x6: {  	_ = 	snop  }
0x7: {  	_ = 	snop  }
__scs_overlays_trampoline_lowered:
0x8: {  	[smem:$0x3F9A] =	sst s0  }
0x9: {  	[smem:$0x3F9B] =	sst s1  }
0xa: {  	[smem:$0x3F9C] =	sst s2  }
0xb: {  	[smem:$0x3F9D] =	sst s3  }
0xc: {  	[smem:$0x3F9E] =	sst s4  }
0xd: {  	[smem:$0x3F9F] =	sst s5  }
0xe: {  	[smem:$0x3FA0] =	sst s6  }
0xf: {  	[smem:$0x3FA1] =	sst s7  }
0x10: {  	[smem:$0x3FA2] =	sst s8  }
0x11: {  	[smem:$0x3FA3] =	sst s9;
	s0 =	simm.s32 @!p0 $0x0  }
0x12: {  	s1 =	sld [smem:$0x3F89];
	s0 =	simm.s32 @p0 $0x1  }
0x13: {  	[smem:$0x3FA4] =	sst s0;
	s0 =	simm.s32 @!p1 $0x0  }
0x14: {  	s2 =	sld [smem:$0x3F88];
	s0 =	simm.s32 @p1 $0x1  }
0x15: {  	[smem:$0x3FA5] =	sst s0;
	s0 =	simm.s32 @!p2 $0x0  }
0x16: {  	s3 =	sld [smem:$0x3FDB];
	s0 =	simm.s32 @p2 $0x1  }
0x17: {  	s4 =	simm.s32 $0x1BF5;
	[smem:$0x3FA7] =	sst s0  }
0x18: {  	s0 =	sld [smem:$0x3F8A];
	_ =	swait.ge [sflag:s4], $0x0  }
0x19: {  	s7 =	sld [smem:$0x3F8B]  }
0x1a: {  	s8 =	sadd.s32 $0xFFFFE003, lr  }
0x1b: {  	s9 =	sadd.s32 $0xFFFFFEF7, lr;
	s5 =	simm.s32 $0xFFFFFFFF;
	p2 =	slt.u32 s8, $0xFFFFF086  }
0x1c: {  	p1 =	slt.u32 s9, $0xF7A;
	s5 =	simm.s32 @!p2 $0x0  }
0x1d: {  	s5 =	simm.s32 @p1 $0x1;
	p0 =	seq.s32 s7, s2  }
0x1e: {  	s7 =	smul.u32 @!p0 $0xF7A, s2;
	p2 =	seq.s32 @!p0 s5, $0x0  }
0x1f: {  	s9 =	smul.u32 $0xF7A, s1;
	s8 =	simm.s32 @!p0 $0x1BF5;
	p2 =	por !p2, p0  }
0x20: {  	[sflag:s8] =	ssyncset.s32 @!p0 $0xFFFFF086;
	s6 =	sadd.s32 @!p0 s3, s7;
	s7 =	simm.s32 @!p0 $0x108  }
0x21: {  	s3 =	sadd.s32 s3, s9;
	s6 =	sadd.s32 @!p0 $0x88, s6;
	s7 =	simm.s32 @p2 $0x1082  }
0x22: {  	[simem:s7], [sflag:s8] =	dma.local @!p0 [hbm:s6], $0xF7A  }
0x23: {  	s9 =	sor.u32 $0xD0000000, s2;
	s6 =	simm.s32 $0x108;
	_ =	swait.ge @!p0 [sflag:s8], $0x0  }
0x24: {  	s3 =	sadd.s32 $0x88, s3;
	s6 =	simm.s32 @!p1 $0x1082;
	[sflag:s4] =	ssyncset.s32 $0xFFFFF086  }
0x25: {  	[simem:s6], [sflag:s4] =	dma.local [hbm:s3], $0xF7A  }
0x26: {  	[smem:$0x3F8B] =	sst s1;
	(tag) =	ssettag s2;
	_ =	strace s9  }
0x27: {  	s1 =	sld [smem:$0x3F9B]  }
0x28: {  	s2 =	sld [smem:$0x3F9C]  }
0x29: {  	s4 =	sld [smem:$0x3F9E]  }
0x2a: {  	p0 =	seq.s32 s5, $0x0;
	s5 =	sld [smem:$0x3F9F]  }
0x2b: {  	s6 =	sld [smem:$0x3FA0]  }
0x2c: {  	s7 =	sld [smem:$0x3FA1]  }
0x2d: {  	s3 =	simm.s32 $0x108;
	s8 =	sld [smem:$0x3FA2]  }
0x2e: {  	s3 =	simm.s32 @!p0 $0x1082;
	s9 =	sld [smem:$0x3FA3]  }
0x2f: {  	lr =	sadd.s32 s0, s3;
	s0 =	sld [smem:$0x3F9A]  }
0x30: {  	s3 =	sld [smem:$0x3F9D]  }
0x31: {  	[smem:$0x3FA6] =	sst s10  }
0x32: {  	s10 =	sld [smem:$0x3FA4];
	_ =	sdelay $0x3  }
0x33: {  	p0 =	seq.s32 s10, $0x1;
	s10 =	sld [smem:$0x3FA6];
	_ =	sdelay $0x3  }
0x34: {  	[smem:$0x3FA6] =	sst s10  }
0x35: {  	s10 =	sld [smem:$0x3FA5];
	_ =	sdelay $0x3  }
0x36: {  	p1 =	seq.s32 s10, $0x1;
	s10 =	sld [smem:$0x3FA6];
	_ =	sdelay $0x3  }
0x37: {  	[smem:$0x3FA6] =	sst s10  }
0x38: {  	s10 =	sld [smem:$0x3FA7]  }
0x39: {  	_ = 	snop;
	(pc) =	sbr.ind lr, $3  }
0x3a: {  	_ = 	snop  }
0x3b: {  	_ = 	snop  }
0x3c: {  	p2 =	seq.s32 s10, $0x1;
	s10 =	sld [smem:$0x3FA6]  }
0x3d: {  	_ =	shalt  }
0x3e: {  	_ =	shalt  }
0x3f: {  	_ =	shalt  }
0x40: {  	_ =	shalt  }
0x41: {  	_ =	shalt  }
0x42: {  	_ =	shalt  }
0x43: {  	_ =	shalt  }
0x44: {  	_ =	shalt  }
0x45: {  	_ =	shalt  }
0x46: {  	_ =	shalt  }
0x47: {  	_ =	shalt  }
0x48: {  	_ =	shalt  }
0x49: {  	_ =	shalt  }
0x4a: {  	_ =	shalt  }
0x4b: {  	_ =	shalt  }
0x4c: {  	_ =	shalt  }
0x4d: {  	_ =	shalt  }
0x4e: {  	_ =	shalt  }
0x4f: {  	_ =	shalt  }
0x50: {  	_ =	shalt  }
0x51: {  	_ =	shalt  }
0x52: {  	_ =	shalt  }
0x53: {  	_ =	shalt  }
0x54: {  	_ =	shalt  }
0x55: {  	_ =	shalt  }
0x56: {  	_ =	shalt  }
0x57: {  	_ =	shalt  }
0x58: {  	_ =	shalt  }
0x59: {  	_ =	shalt  }
0x5a: {  	_ =	shalt  }
0x5b: {  	_ =	shalt  }
0x5c: {  	_ =	shalt  }
0x5d: {  	_ =	shalt  }
0x5e: {  	_ =	shalt  }
0x5f: {  	_ =	shalt  }
0x60: {  	_ =	shalt  }
0x61: {  	_ =	shalt  }
0x62: {  	_ =	shalt  }
0x63: {  	_ =	shalt  }
0x64: {  	_ =	shalt  }
0x65: {  	_ =	shalt  }
0x66: {  	_ =	shalt  }
0x67: {  	_ =	shalt  }
0x68: {  	_ =	shalt  }
0x69: {  	_ =	shalt  }
0x6a: {  	_ =	shalt  }
0x6b: {  	_ =	shalt  }
0x6c: {  	_ =	shalt  }
0x6d: {  	_ =	shalt  }
0x6e: {  	_ =	shalt  }
0x6f: {  	_ =	shalt  }
0x70: {  	_ =	shalt  }
0x71: {  	_ =	shalt  }
0x72: {  	_ =	shalt  }
0x73: {  	_ =	shalt  }
0x74: {  	_ =	shalt  }
0x75: {  	_ =	shalt  }
0x76: {  	_ =	shalt  }
0x77: {  	_ =	shalt  }
0x78: {  	_ =	shalt  }
0x79: {  	_ =	shalt  }
0x7a: {  	_ =	shalt  }
0x7b: {  	_ =	shalt  }
0x7c: {  	_ =	shalt  }
0x7d: {  	_ =	shalt  }
0x7e: {  	_ =	shalt  }
0x7f: {  	_ =	shalt  }
0x80: {  	_ =	shalt  }
0x81: {  	_ =	shalt  }
0x82: {  	_ =	shalt  }
0x83: {  	_ =	shalt  }
0x84: {  	_ =	shalt  }
0x85: {  	_ =	shalt  }
0x86: {  	_ =	shalt  }
0x87: {  	_ =	shalt  }
.Lfunc_end0:
.L_simem_size_0:
called_computation.1_lowered:
.L_overlay_start_0:
0x88: {  	s2 =	sld [smem:$0x3FD9]  }
0x89: {  	s3 =	sld [smem:$0x3FFE];
	_ =	sdelay $0x1  }
0x8a: {  	s1 =	srdreg.scid  }
0x8b: {  	s0 =	sand.u32 $0x1, s1  }
0x8c: {  	s16 =	sshll.u32 s0, $0xA;
	s2 =	sadd.s32 s3, s2  }
0x8d: {  	s2 =	sadd.s32 s2, s16  }
0x8e: {  	[smem:$0x3FB2] =	sst s2  }
0x8f: {  	_ = 	snop  }
0x90: {  	(tm) =	ssettm $0x1  }
0x91: {  	s17 =	sld [smem:$0x3FFB];
	_ =	sdelay $0x3  }
0x92: {  	_ =	strace s17  }
0x93: {  	s2 =	sld [smem:$0x3FFC];
	_ =	sdelay $0x3  }
0x94: {  	_ =	strace s2  }
0x95: {  	s2 =	sld [smem:$0x3FFD];
	_ =	sdelay $0x3  }
0x96: {  	_ =	strace s2  }
0x97: {  	_ =	strace $0x8FFFFFFF  }
0x98: {  	s18 =	sld [smem:$0x3FDB];
	_ =	sdelay $0x1  }
0x99: {  	s19 =	simm.s32 $_scs_section_size  }
0x9a: {  	s4 =	simm.s32 $_size__tile_overlayer_lowered;
	s5 =	simm.s32 $_tile_overlayer_lowered  }
0x9b: {  	s22 =	simm.s32 $0x1BFF;
	s21 =	sshll.u32 s5, $0x1;
	s2 =	sadd.s32 s19, s18  }
0x9c: {  	s6 =	simm.s32 $0x0;
	s20 =	sshll.u32 s4, $0x1;
	s4 =	sadd.s32 s21, s2  }
0x9d: {  	[timem:s6], [sflag:s22] =	dma.local [hbm:s4], s20  }
0x9e: {  	_ =	swait.ge [sflag:s22], s20  }
0x9f: {  	s3 =	ssub.s32 $0x0, s20;
	[sflag:s22] =	ssyncset.done $0x0  }
0xa0: {  	[sflag:s22] =	ssyncadd.s32 s3;
	_ =	sdelay $0x1  }
0xa1: {  	s23 =	simm.s32 $0x1B8B  }
0xa2: {  	_ =	swait.ge [sflag:s23], $0x1  }
0xa3: {  	[sflag:s23] =	ssyncset.done $0x0  }
0xa4: {  	s25 =	simm.s32 $0x1B8E;
	s24 =	sld [smem:$0x3FFE];
	[sflag:s23] =	ssyncadd.s32 $0xFFFFFFFF  }
0xa5: {  	s26 =	simm.s32 $execute0_lowered;
	[smem:$0x3FD2] =	sst s25  }
0xa6: {  	s4 =	sshll.u32 s26, $0x1;
	_ =	strace $0x80000049;
	[dreg:$0x1] =	wrdreg $0xFFFFFFFF  }
0xa7: {  	s28 =	simm.s32 $_size_execute0_lowered;
	s2 =	sadd.s32 s2, s4;
	[dreg:$0x0] =	wrdreg $0x0  }
0xa8: {  	s4 =	sshll.u32 s28, $0x1;
	[dreg:$0x2] =	wrdreg s2  }
0xa9: {  	[dreg:$0x3] =	wrdreg s4  }
0xaa: {  	[dreg:$0x4] =	wrdreg $0xC0  }
0xab: {  	_ =	task [dreg:s6], $0x5FFFF  }
0xac: {  	[dreg:$0x1] =	wrdreg $0xFFFFFFFF  }
0xad: {  	[dreg:$0x0] =	wrdreg $0x60  }
0xae: {  	[dreg:$0x2] =	wrdreg s24  }
0xaf: {  	[dreg:$0x3] =	wrdreg $0x0  }
0xb0: {  	[dreg:$0x4] =	wrdreg $0x9  }
0xb1: {  	_ =	task.clear_ibuf [dreg:s6], $0x5FFFF;
	_ =	strace $0x90000049  }
0xb2: {  	s29 =	simm.s32 $0x9;
	_ =	strace $0x8000004B  }
0xb3: {  	_ =	swait.ge [sflag:s29], $0x1  }
0xb4: {  	[sflag:s29] =	ssyncadd.s32 $0xFFFFFFFF  }
0xb5: {  	_ =	strace $0x9000004B  }
0xb6: {  	_ =	sfence  }
0xb7: {  	s30 =	sld [smem:$0x0];
	_ =	sdelay $0x2  }
0xb8: {  	s31 =	sshll.u32 s1, $0xD;
	s1 =	sshrl.u32 s1, $0x2  }
0xb9: {  	s3 =	sand.u32 $0x4000, s31;
	s1 =	sadd.s32 s1, s30  }
0xba: {  	s0 =	sor.u32 s3, s0;
	s1 =	sshll.u32 s1, $0x11  }
0xbb: {  	s0 =	sor.u32 s1, s0  }
0xbc: {  	s0 =	sadd.s32 $0x8F2B, s0  }
0xbd: {  	[sflag:s0] =	ssyncadd.remote.s32 $0x1  }
0xbe: {  	_ =	sfence.sel $0xFFFF  }
0xbf: {  	[dreg:$0x0] =	wrdreg $0xFFFFFFFF;
	(pc) =	sbr.abs _section_cstart, $3  }
0xc0: {  	[dreg:$0x1] =	wrdreg $0xFFFFFFFF  }
0xc1: {  	_ =	task.clear_ibuf [dreg:s6], $0x2FFFF;
	_ =	strace $0x9FFFFFFF  }
0xc2: {  	(tm) =	ssettm $0x7FFFFFFF  }
0xc3: {  	_ =	shalt  }
tec
execute0_lowered:
.L_overlay_start_1:
0x0: {  	(tag) =	ssettag $0x1  }
0x1: {  	s0 =	srdreg.scid  }
0x2: {  	s15 =	stileid.u32;
	s7 =	rddreg [dreg:$0x0]  }
0x3: {  	s2 =	rddreg [dreg:$0x1];
	s3 =	simm.s32 $0x0;
	s17 =	simm.s32 $0x1C000  }
0x4: {  	s18 =	simm.s32 $0x1C080;
	s19 =	simm.s32 $0x1;
	s20 =	simm.s32 $0x80  }
0x5: {  	s21 =	simm.s32 $0x14000;
	s22 =	simm.s32 $0x2;
	s23 =	simm.s32 $0x18000  }
0x6: {  	s24 =	simm.s32 $0x3;
	s28 =	simm.s32 $0x6;
	s30 =	simm.s32 $0x1E880  }
0x7: {  	s31 =	simm.s32 $0x0;
	s0 =	sand.u32 $0x1, s0;
	s8 =	smul.u32 $0x14000, s15  }
0x8: {  	s1 =	sshll.u32 s15, $0x1;
	[smem:$0x7FF] =	sst s3;
	s11 =	smul.u32 $0x50000, s15  }
0x9: {  	s4 =	sadd.s32 $0x12200, s7;
	s29 =	sshll.u32 s15, $0x6;
	s15 =	smul.u32 $0xA00, s15  }
0xa: {  	s5 =	sadd.s32 $0x62200, s7;
	s1 =	sor.u32 s0, s1;
	s6 =	smul.u32 $0x140000, s0  }
0xb: {  	_ =	strace $0x8000004A;
	s10 =	ssub.s32 $0x2, s0;
	s0 =	smul.u32 $0x500, s0  }
0xc: {  	s1 =	smul.u32 $0x500, s1;
	s25 =	sshrl.u32 s10, $0x1;
	s26 =	sshrl.u32 s11, $0x2  }
0xd: {  	s6 =	sadd.s32 s8, s6;
	s13 =	ssub.s32 s10, s25;
	s14 =	sadd.s32 s26, s2  }
0xe: {  	s25 =	simm.s32 $0x4;
	s26 =	simm.s32 $0x5;
	s9 =	sadd.s32 s1, s7  }
0xf: {  	s8 =	sshrl.u32 s6, $0x3;
	s6 =	sadd.s32 $0xFA00, s7;
	s14 =	sshrl.u32 s14, $0x3  }
0x10: {  	s12 =	sadd.s32 s8, s7;
	s8 =	sadd.s32 $0x5200, s9;
	s9 =	sadd.s32 s5, s1  }
0x11: {  	s7 =	sor.u32 $0x1C07, s29;
	s10 =	sadd.s32 $0x10, s9;
	s11 =	sadd.s32 $0x6C200, s12  }
0x12: {  	s12 =	smax.u32 s13, $0x1;
	s13 =	sadd.s32 s0, s15;
	s15 =	simm.s32 $0x7  }
.LBB2_1:
0x13: {  	[spmem:s14], [sflag:s7] =	dma.local [hbm:s6], $0x2800  }
0x14: {  	_ =	swait.ge [sflag:s15], $0x2800  }
0x15: {  	[sflag:s15] =	ssyncset.done $0x0  }
0x16: {  	s0 =	simm.s32 $0x1C100;
	[sflag:s15] =	ssyncadd.s32 $0xFFFFD800  }
0x17: {  	[tilespmem:s0], [sflag:$0x7] =	stream.linear.gather [hbm4b:s8+s3], $0x2800, $0x38;
	[tilespmem:$0x1E900] =	vst v63  }
0x18: {  	_ =	swait.ge [sflag:s15], $0x2800  }
0x19: {  	[sflag:s15] =	ssyncset.done $0x0  }
0x1a: {  	[sflag:s15] =	ssyncadd.s32 $0xFFFFD800  }
0x1b: {  	[tilespmem:s17], [sflag:$0x1] =	stream.linear.gather [hbm4b:s9+s3], $0x80, $0x38;
	[tilespmem:$0x1E900] =	vst v63  }
0x1c: {  	_ = 	snop  }
0x1d: {  	[tilespmem:s18], [sflag:$0x2] =	stream.linear.gather [hbm4b:s10+s3], $0x80, $0x38;
	[tilespmem:$0x1E900] =	vst v63  }
0x1e: {  	[bflag:$0x0] =	sbarrier.arrive $0xFFFF  }
0x1f: {  	_ =	swait.ge [sflag:s19], $0x80  }
0x20: {  	[sflag:s19] =	ssyncset.done $0x0  }
0x21: {  	[sflag:s19] =	ssyncadd.s32 $0xFFFFFF80  }
0x22: {  	[tilespmem:s21], [sflag:$0x3] =	stream.indirect.gather [hbm4b:s4+s20], $0x80, s17, s20, $0xb8;
	[tilespmem:$0x1E900] =	vst v63  }
0x23: {  	_ =	swait.ge [sflag:s22], $0x80  }
0x24: {  	[sflag:s22] =	ssyncset.done $0x0  }
0x25: {  	s16 =	simm.s32 $0x20;
	[sflag:s22] =	ssyncadd.s32 $0xFFFFFF80  }
0x26: {  	[tilespmem:s23], [sflag:$0x4] =	stream.indirect.gather [hbm4b:s4+s20], $0x80, s18, s20, $0xb8;
	[tilespmem:$0x1E900] =	vst v63  }
0x27: {  	s1 =	sadd.s32 $0x20, s13;
	s0 =	sand.u32 $0x60, s16;
	_ =	swait.ge [sflag:s24], $0x4000  }
0x28: {  	s1 =	sand.u32 $0xFFFFF80, s1;
	s0 =	sadd.s32 s5, s0;
	[sflag:s24] =	ssyncset.done $0x0  }
0x29: {  	s0 =	sadd.s32 s1, s0;
	[sflag:s24] =	ssyncadd.s32 $0xFFFFC000  }
0x2a: {  	[tilespmem:s17], [sflag:$0x1] =	stream.linear.gather [hbm4b:s0+s3], $0x80, $0x38;
	[tilespmem:$0x1E900] =	vst v63  }
0x2b: {  	s29 =	simm.s32 $0x1C100  }
0x2c: {  	[spmem:s2] =	stream.indirect.scatter.add.f32 [tilespmem:s21], [sflag:$0x5], $0x80, s29, s20, $0xb8;
	[tilespmem:$0x1E900] =	vst v63  }
0x2d: {  	_ =	swait.ge [sflag:s25], $0x4000  }
0x2e: {  	[sflag:s25] =	ssyncset.done $0x0  }
0x2f: {  	s0 =	sadd.s32 $0x10, s0;
	[sflag:s25] =	ssyncadd.s32 $0xFFFFC000  }
0x30: {  	[tilespmem:s18], [sflag:$0x2] =	stream.linear.gather [hbm4b:s0+s3], $0x80, $0x38;
	[tilespmem:$0x1E900] =	vst v63  }
0x31: {  	s1 =	simm.s32 $0x1C180  }
0x32: {  	[spmem:s2] =	stream.indirect.scatter.add.f32 [tilespmem:s23], [sflag:$0x6], $0x80, s1, s20, $0xb8;
	[tilespmem:$0x1E900] =	vst v63  }
0x33: {  	_ =	swait.ge [sflag:s26], $0x4000  }
0x34: {  	[sflag:s26] =	ssyncset.done $0x0  }
0x35: {  	[sflag:s26] =	ssyncadd.s32 $0xFFFFC000  }
0x36: {  	_ =	swait.ge [sflag:s28], $0x4000  }
0x37: {  	s0 =	simm.s32 $0x40;
	[sflag:s28] =	ssyncset.done $0x0  }
.LBB2_2:
0x38: {  	p0 =	sne.s32 s0, $0x4E0;
	[sflag:s28] =	ssyncadd.s32 $0xFFFFC000;
	s1 =	sadd.s32 $0x100, s1  }
0x39: {  	s16 =	smov.u32 s0;
	s0 =	sadd.s32 $0x20, s0;
	_ =	swait.ge [sflag:s19], $0x80  }
0x3a: {  	[sflag:s19] =	ssyncset.done $0x0  }
0x3b: {  	[sflag:s19] =	ssyncadd.s32 $0xFFFFFF80  }
0x3c: {  	[tilespmem:s21], [sflag:$0x3] =	stream.indirect.gather [hbm4b:s4+s20], $0x80, s17, s20, $0xb8;
	[tilespmem:$0x1E900] =	vst v63  }
0x3d: {  	_ =	swait.ge [sflag:s22], $0x80  }
0x3e: {  	[sflag:s22] =	ssyncset.done $0x0  }
0x3f: {  	[sflag:s22] =	ssyncadd.s32 $0xFFFFFF80  }
0x40: {  	[tilespmem:s23], [sflag:$0x4] =	stream.indirect.gather [hbm4b:s4+s20], $0x80, s18, s20, $0xb8;
	[tilespmem:$0x1E900] =	vst v63  }
0x41: {  	s29 =	sadd.s32 s16, s13;
	s16 =	sand.u32 $0x60, s16;
	_ =	swait.ge [sflag:s24], $0x4000  }
0x42: {  	s29 =	sand.u32 $0xFFFFF80, s29;
	s16 =	sadd.s32 s5, s16;
	[sflag:s24] =	ssyncset.done $0x0  }
0x43: {  	s16 =	sadd.s32 s29, s16;
	[sflag:s24] =	ssyncadd.s32 $0xFFFFC000  }
0x44: {  	[tilespmem:s17], [sflag:$0x1] =	stream.linear.gather [hbm4b:s16+s3], $0x80, $0x38;
	[tilespmem:$0x1E900] =	vst v63  }
0x45: {  	s29 =	sadd.s32 $0xFFFFFF80, s1  }
0x46: {  	[spmem:s2] =	stream.indirect.scatter.add.f32 [tilespmem:s21], [sflag:$0x5], $0x80, s29, s20, $0xb8;
	[tilespmem:$0x1E900] =	vst v63  }
0x47: {  	_ =	swait.ge [sflag:s25], $0x4000  }
0x48: {  	[sflag:s25] =	ssyncset.done $0x0  }
0x49: {  	s16 =	sadd.s32 $0x10, s16;
	[sflag:s25] =	ssyncadd.s32 $0xFFFFC000  }
0x4a: {  	[tilespmem:s18], [sflag:$0x2] =	stream.linear.gather [hbm4b:s16+s3], $0x80, $0x38;
	[tilespmem:$0x1E900] =	vst v63  }
0x4b: {  	_ = 	snop  }
0x4c: {  	[spmem:s2] =	stream.indirect.scatter.add.f32 [tilespmem:s23], [sflag:$0x6], $0x80, s1, s20, $0xb8;
	[tilespmem:$0x1E900] =	vst v63  }
.Ltmp0:
0x4d: {  	_ =	swait.ge [sflag:s26], $0x4000;
	(pc) =	sbr.rel @p0 .LBB2_2-.Ltmp0, $4  }
0x4e: {  	[sflag:s26] =	ssyncset.done $0x0  }
0x4f: {  	[sflag:s26] =	ssyncadd.s32 $0xFFFFC000  }
0x50: {  	_ =	swait.ge [sflag:s28], $0x4000  }
0x51: {  	[sflag:s28] =	ssyncset.done $0x0  }
0x52: {  	[sflag:s28] =	ssyncadd.s32 $0xFFFFC000  }
0x53: {  	_ =	swait.ge [sflag:s19], $0x80  }
0x54: {  	[sflag:s19] =	ssyncset.done $0x0  }
0x55: {  	[sflag:s19] =	ssyncadd.s32 $0xFFFFFF80  }
0x56: {  	[tilespmem:s21], [sflag:$0x3] =	stream.indirect.gather [hbm4b:s4+s20], $0x80, s17, s20, $0xb8;
	[tilespmem:$0x1E900] =	vst v63  }
0x57: {  	_ =	swait.ge [sflag:s22], $0x80  }
0x58: {  	[sflag:s22] =	ssyncset.done $0x0  }
0x59: {  	[sflag:s22] =	ssyncadd.s32 $0xFFFFFF80  }
0x5a: {  	[tilespmem:s23], [sflag:$0x4] =	stream.indirect.gather [hbm4b:s4+s20], $0x80, s18, s20, $0xb8;
	[tilespmem:$0x1E900] =	vst v63  }
0x5b: {  	_ =	swait.ge [sflag:s24], $0x4000  }
0x5c: {  	[sflag:s24] =	ssyncset.done $0x0  }
0x5d: {  	[sflag:s24] =	ssyncadd.s32 $0xFFFFC000  }
0x5e: {  	[tilespmem:s17], [sflag:$0x1] =	stream.linear.gather [hbm4b:s9+s3], $0x80, $0x38;
	[tilespmem:$0x1E900] =	vst v63  }
0x5f: {  	s0 =	simm.s32 $0x1E800  }
0x60: {  	[spmem:s2] =	stream.indirect.scatter.add.f32 [tilespmem:s21], [sflag:$0x5], $0x80, s0, s20, $0xb8;
	[tilespmem:$0x1E900] =	vst v63  }
0x61: {  	_ =	swait.ge [sflag:s25], $0x4000  }
0x62: {  	[sflag:s25] =	ssyncset.done $0x0  }
0x63: {  	[sflag:s25] =	ssyncadd.s32 $0xFFFFC000  }
0x64: {  	[tilespmem:s18], [sflag:$0x2] =	stream.linear.gather [hbm4b:s10+s3], $0x80, $0x38;
	[tilespmem:$0x1E900] =	vst v63  }
0x65: {  	_ = 	snop  }
0x66: {  	[spmem:s2] =	stream.indirect.scatter.add.f32 [tilespmem:s23], [sflag:$0x6], $0x80, s30, s20, $0xb8;
	[tilespmem:$0x1E900] =	vst v63  }
0x67: {  	_ =	swait.ge [sflag:s26], $0x4000  }
0x68: {  	[sflag:s26] =	ssyncset.done $0x0  }
0x69: {  	[sflag:s26] =	ssyncadd.s32 $0xFFFFC000  }
0x6a: {  	_ =	swait.ge [sflag:s28], $0x4000  }
0x6b: {  	[sflag:s28] =	ssyncset.done $0x0  }
0x6c: {  	[sflag:s28] =	ssyncadd.s32 $0xFFFFC000  }
0x6d: {  	_ =	swait.ge [sflag:s19], $0x80  }
0x6e: {  	[sflag:s19] =	ssyncset.done $0x0  }
0x6f: {  	[sflag:s19] =	ssyncadd.s32 $0xFFFFFF80  }
0x70: {  	_ =	swait.ge [sflag:s22], $0x80  }
0x71: {  	s31 =	sadd.s32 $0x1, s31;
	[sflag:s22] =	ssyncset.done $0x0  }
0x72: {  	p0 =	sne.s32 s31, s12;
	[sflag:s22] =	ssyncadd.s32 $0xFFFFFF80  }
.Ltmp1:
0x73: {  	[bflag:$0x0] =	sbarrier.arrive $0xFFFF;
	(pc) =	sbr.rel @p0 .LBB2_1-.Ltmp1, $4  }
0x74: {  	[hbm:s11], [sflag:s7] =	dma.local [spmem:s14], $0x2800  }
0x75: {  	_ =	swait.ge [sflag:s15], $0x2800  }
0x76: {  	[sflag:s15] =	ssyncset.done $0x0  }
0x77: {  	[sflag:s15] =	ssyncadd.s32 $0xFFFFD800  }
0x78: {  	_ =	sfence.sel $0x180000  }
0x79: {  	[bflag:$0x0] =	sbarrier.arrive $0xFFFF  }
0x7a: {  	_ =	strace $0x9000004A  }
0x7b: {  	s0 =	stileid.u32;
	[bflag:$0x2] =	sbarrier.arrive $0xFFFF  }
0x7c: {  	p0 =	sne.s32 s0, $0x0;
	s0 =	rddreg [dreg:$0x2]  }
0x7d: {  	s0 =	sadd.s32 @!p0 $0x100000, s0  }
0x7e: {  	[sflag:s0] =	ssyncadd.tile.s32 @!p0 $0x1;
	_ =	shalt  }
.Lfunc_end2:
_tile_overlayer_lowered:
.L_overlay_start_2:
0x7f: {  	(tag) =	ssettag $0x2  }
0x80: {  	s0 =	rddreg [dreg:$0x0];
	s2 =	stileid.u32  }
0x81: {  	s1 =	rddreg [dreg:$0x1];
	p0 =	sne.s32 s2, $0x0  }
0x82: {  	s3 =	rddreg [dreg:$0x2];
	[bflag:$0x3] =	sbarrier.arrive $0xFFFF;
	s2 =	simm.s32 @!p0 $0x1C07  }
0x83: {  	[timem:s3], [sflag:s2] =	dma.local @!p0 [hbm:s0], s1  }
0x84: {  	s0 =	simm.s32 @!p0 $0x7  }
0x85: {  	_ =	swait.ge @!p0 [sflag:s0], s1  }
0x86: {  	s1 =	ssub.s32 @!p0 $0x0, s1;
	[sflag:s0] =	ssyncset.done @!p0 $0x0  }
0x87: {  	[sflag:s0] =	ssyncadd.s32 @!p0 s1  }
0x88: {  	[bflag:$0x3] =	sbarrier.arrive $0xFFFF  }
0x89: {  	_ =	shalt  }

// kernel: kernel.17.cloned.1.call-start
scs
__scs_entry_jumppad:
0x0: {  	(pc) =	sbr.rel $0x88, $3  }
0x1: {  	(tag) =	ssettag $0x0;
	lr =	simm.s32 $0x1  }
0x2: {  	[smem:$0x3F8B] =	sst lr;
	_ =	strace $0xD0000000  }
0x3: {  	_ = 	snop  }
0x4: {  	_ = 	snop  }
0x5: {  	_ = 	snop  }
0x6: {  	_ = 	snop  }
0x7: {  	_ = 	snop  }
__scs_overlays_trampoline_lowered:
0x8: {  	[smem:$0x3F9A] =	sst s0  }
0x9: {  	[smem:$0x3F9B] =	sst s1  }
0xa: {  	[smem:$0x3F9C] =	sst s2  }
0xb: {  	[smem:$0x3F9D] =	sst s3  }
0xc: {  	[smem:$0x3F9E] =	sst s4  }
0xd: {  	[smem:$0x3F9F] =	sst s5  }
0xe: {  	[smem:$0x3FA0] =	sst s6  }
0xf: {  	[smem:$0x3FA1] =	sst s7  }
0x10: {  	[smem:$0x3FA2] =	sst s8  }
0x11: {  	[smem:$0x3FA3] =	sst s9;
	s0 =	simm.s32 @!p0 $0x0  }
0x12: {  	s1 =	sld [smem:$0x3F89];
	s0 =	simm.s32 @p0 $0x1  }
0x13: {  	[smem:$0x3FA4] =	sst s0;
	s0 =	simm.s32 @!p1 $0x0  }
0x14: {  	s2 =	sld [smem:$0x3F88];
	s0 =	simm.s32 @p1 $0x1  }
0x15: {  	[smem:$0x3FA5] =	sst s0;
	s0 =	simm.s32 @!p2 $0x0  }
0x16: {  	s3 =	sld [smem:$0x3FDB];
	s0 =	simm.s32 @p2 $0x1  }
0x17: {  	s4 =	simm.s32 $0x1BF5;
	[smem:$0x3FA7] =	sst s0  }
0x18: {  	s0 =	sld [smem:$0x3F8A];
	_ =	swait.ge [sflag:s4], $0x0  }
0x19: {  	s7 =	sld [smem:$0x3F8B]  }
0x1a: {  	s8 =	sadd.s32 $0xFFFFE003, lr  }
0x1b: {  	s9 =	sadd.s32 $0xFFFFFEF7, lr;
	s5 =	simm.s32 $0xFFFFFFFF;
	p2 =	slt.u32 s8, $0xFFFFF086  }
0x1c: {  	p1 =	slt.u32 s9, $0xF7A;
	s5 =	simm.s32 @!p2 $0x0  }
0x1d: {  	s5 =	simm.s32 @p1 $0x1;
	p0 =	seq.s32 s7, s2  }
0x1e: {  	s7 =	smul.u32 @!p0 $0xF7A, s2;
	p2 =	seq.s32 @!p0 s5, $0x0  }
0x1f: {  	s9 =	smul.u32 $0xF7A, s1;
	s8 =	simm.s32 @!p0 $0x1BF5;
	p2 =	por !p2, p0  }
0x20: {  	[sflag:s8] =	ssyncset.s32 @!p0 $0xFFFFF086;
	s6 =	sadd.s32 @!p0 s3, s7;
	s7 =	simm.s32 @!p0 $0x108  }
0x21: {  	s3 =	sadd.s32 s3, s9;
	s6 =	sadd.s32 @!p0 $0x88, s6;
	s7 =	simm.s32 @p2 $0x1082  }
0x22: {  	[simem:s7], [sflag:s8] =	dma.local @!p0 [hbm:s6], $0xF7A  }
0x23: {  	s9 =	sor.u32 $0xD0000000, s2;
	s6 =	simm.s32 $0x108;
	_ =	swait.ge @!p0 [sflag:s8], $0x0  }
0x24: {  	s3 =	sadd.s32 $0x88, s3;
	s6 =	simm.s32 @!p1 $0x1082;
	[sflag:s4] =	ssyncset.s32 $0xFFFFF086  }
0x25: {  	[simem:s6], [sflag:s4] =	dma.local [hbm:s3], $0xF7A  }
0x26: {  	[smem:$0x3F8B] =	sst s1;
	(tag) =	ssettag s2;
	_ =	strace s9  }
0x27: {  	s1 =	sld [smem:$0x3F9B]  }
0x28: {  	s2 =	sld [smem:$0x3F9C]  }
0x29: {  	s4 =	sld [smem:$0x3F9E]  }
0x2a: {  	p0 =	seq.s32 s5, $0x0;
	s5 =	sld [smem:$0x3F9F]  }
0x2b: {  	s6 =	sld [smem:$0x3FA0]  }
0x2c: {  	s7 =	sld [smem:$0x3FA1]  }
0x2d: {  	s3 =	simm.s32 $0x108;
	s8 =	sld [smem:$0x3FA2]  }
0x2e: {  	s3 =	simm.s32 @!p0 $0x1082;
	s9 =	sld [smem:$0x3FA3]  }
0x2f: {  	lr =	sadd.s32 s0, s3;
	s0 =	sld [smem:$0x3F9A]  }
0x30: {  	s3 =	sld [smem:$0x3F9D]  }
0x31: {  	[smem:$0x3FA6] =	sst s10  }
0x32: {  	s10 =	sld [smem:$0x3FA4];
	_ =	sdelay $0x3  }
0x33: {  	p0 =	seq.s32 s10, $0x1;
	s10 =	sld [smem:$0x3FA6];
	_ =	sdelay $0x3  }
0x34: {  	[smem:$0x3FA6] =	sst s10  }
0x35: {  	s10 =	sld [smem:$0x3FA5];
	_ =	sdelay $0x3  }
0x36: {  	p1 =	seq.s32 s10, $0x1;
	s10 =	sld [smem:$0x3FA6];
	_ =	sdelay $0x3  }
0x37: {  	[smem:$0x3FA6] =	sst s10  }
0x38: {  	s10 =	sld [smem:$0x3FA7]  }
0x39: {  	_ = 	snop;
	(pc) =	sbr.ind lr, $3  }
0x3a: {  	_ = 	snop  }
0x3b: {  	_ = 	snop  }
0x3c: {  	p2 =	seq.s32 s10, $0x1;
	s10 =	sld [smem:$0x3FA6]  }
0x3d: {  	_ =	shalt  }
0x3e: {  	_ =	shalt  }
0x3f: {  	_ =	shalt  }
0x40: {  	_ =	shalt  }
0x41: {  	_ =	shalt  }
0x42: {  	_ =	shalt  }
0x43: {  	_ =	shalt  }
0x44: {  	_ =	shalt  }
0x45: {  	_ =	shalt  }
0x46: {  	_ =	shalt  }
0x47: {  	_ =	shalt  }
0x48: {  	_ =	shalt  }
0x49: {  	_ =	shalt  }
0x4a: {  	_ =	shalt  }
0x4b: {  	_ =	shalt  }
0x4c: {  	_ =	shalt  }
0x4d: {  	_ =	shalt  }
0x4e: {  	_ =	shalt  }
0x4f: {  	_ =	shalt  }
0x50: {  	_ =	shalt  }
0x51: {  	_ =	shalt  }
0x52: {  	_ =	shalt  }
0x53: {  	_ =	shalt  }
0x54: {  	_ =	shalt  }
0x55: {  	_ =	shalt  }
0x56: {  	_ =	shalt  }
0x57: {  	_ =	shalt  }
0x58: {  	_ =	shalt  }
0x59: {  	_ =	shalt  }
0x5a: {  	_ =	shalt  }
0x5b: {  	_ =	shalt  }
0x5c: {  	_ =	shalt  }
0x5d: {  	_ =	shalt  }
0x5e: {  	_ =	shalt  }
0x5f: {  	_ =	shalt  }
0x60: {  	_ =	shalt  }
0x61: {  	_ =	shalt  }
0x62: {  	_ =	shalt  }
0x63: {  	_ =	shalt  }
0x64: {  	_ =	shalt  }
0x65: {  	_ =	shalt  }
0x66: {  	_ =	shalt  }
0x67: {  	_ =	shalt  }
0x68: {  	_ =	shalt  }
0x69: {  	_ =	shalt  }
0x6a: {  	_ =	shalt  }
0x6b: {  	_ =	shalt  }
0x6c: {  	_ =	shalt  }
0x6d: {  	_ =	shalt  }
0x6e: {  	_ =	shalt  }
0x6f: {  	_ =	shalt  }
0x70: {  	_ =	shalt  }
0x71: {  	_ =	shalt  }
0x72: {  	_ =	shalt  }
0x73: {  	_ =	shalt  }
0x74: {  	_ =	shalt  }
0x75: {  	_ =	shalt  }
0x76: {  	_ =	shalt  }
0x77: {  	_ =	shalt  }
0x78: {  	_ =	shalt  }
0x79: {  	_ =	shalt  }
0x7a: {  	_ =	shalt  }
0x7b: {  	_ =	shalt  }
0x7c: {  	_ =	shalt  }
0x7d: {  	_ =	shalt  }
0x7e: {  	_ =	shalt  }
0x7f: {  	_ =	shalt  }
0x80: {  	_ =	shalt  }
0x81: {  	_ =	shalt  }
0x82: {  	_ =	shalt  }
0x83: {  	_ =	shalt  }
0x84: {  	_ =	shalt  }
0x85: {  	_ =	shalt  }
0x86: {  	_ =	shalt  }
0x87: {  	_ =	shalt  }
.Lfunc_end0:
.L_simem_size_0:
called_computation.2_lowered:
.L_overlay_start_0:
0x88: {  	s2 =	sld [smem:$0x3FD9]  }
0x89: {  	s3 =	sld [smem:$0x3FFE];
	_ =	sdelay $0x1  }
0x8a: {  	s1 =	srdreg.scid  }
0x8b: {  	s0 =	sand.u32 $0x1, s1  }
0x8c: {  	s16 =	sshll.u32 s0, $0xA;
	s2 =	sadd.s32 s3, s2  }
0x8d: {  	s2 =	sadd.s32 s2, s16  }
0x8e: {  	[smem:$0x3FB2] =	sst s2  }
0x8f: {  	_ = 	snop  }
0x90: {  	(tm) =	ssettm $0x1  }
0x91: {  	s17 =	sld [smem:$0x3FFB];
	_ =	sdelay $0x3  }
0x92: {  	_ =	strace s17  }
0x93: {  	s2 =	sld [smem:$0x3FFC];
	_ =	sdelay $0x3  }
0x94: {  	_ =	strace s2  }
0x95: {  	s2 =	sld [smem:$0x3FFD];
	_ =	sdelay $0x3  }
0x96: {  	_ =	strace s2  }
0x97: {  	_ =	strace $0x8FFFFFFF  }
0x98: {  	s18 =	sld [smem:$0x3FDB];
	_ =	sdelay $0x1  }
0x99: {  	s19 =	simm.s32 $_scs_section_size  }
0x9a: {  	s4 =	simm.s32 $_size__tile_overlayer_lowered;
	s5 =	simm.s32 $_tile_overlayer_lowered  }
0x9b: {  	s22 =	simm.s32 $0x1BFF;
	s21 =	sshll.u32 s5, $0x1;
	s2 =	sadd.s32 s19, s18  }
0x9c: {  	s6 =	simm.s32 $0x0;
	s20 =	sshll.u32 s4, $0x1;
	s4 =	sadd.s32 s21, s2  }
0x9d: {  	[timem:s6], [sflag:s22] =	dma.local [hbm:s4], s20  }
0x9e: {  	_ =	swait.ge [sflag:s22], s20  }
0x9f: {  	s3 =	ssub.s32 $0x0, s20;
	[sflag:s22] =	ssyncset.done $0x0  }
0xa0: {  	[sflag:s22] =	ssyncadd.s32 s3;
	_ =	sdelay $0x1  }
0xa1: {  	s23 =	simm.s32 $0x1B8B  }
0xa2: {  	_ =	swait.ge [sflag:s23], $0x1  }
0xa3: {  	[sflag:s23] =	ssyncset.done $0x0  }
0xa4: {  	s25 =	simm.s32 $0x1B8E;
	s24 =	sld [smem:$0x3FFE];
	[sflag:s23] =	ssyncadd.s32 $0xFFFFFFFF  }
0xa5: {  	s26 =	simm.s32 $execute0_lowered;
	[smem:$0x3FD2] =	sst s25  }
0xa6: {  	s4 =	sshll.u32 s26, $0x1;
	_ =	strace $0x8000004C;
	[dreg:$0x1] =	wrdreg $0xFFFFFFFF  }
0xa7: {  	s28 =	simm.s32 $_size_execute0_lowered;
	s2 =	sadd.s32 s2, s4;
	[dreg:$0x0] =	wrdreg $0x0  }
0xa8: {  	s4 =	sshll.u32 s28, $0x1;
	[dreg:$0x2] =	wrdreg s2  }
0xa9: {  	[dreg:$0x3] =	wrdreg s4  }
0xaa: {  	[dreg:$0x4] =	wrdreg $0xC0  }
0xab: {  	_ =	task [dreg:s6], $0x5FFFF  }
0xac: {  	[dreg:$0x1] =	wrdreg $0xFFFFFFFF  }
0xad: {  	[dreg:$0x0] =	wrdreg $0x60  }
0xae: {  	[dreg:$0x2] =	wrdreg s24  }
0xaf: {  	[dreg:$0x3] =	wrdreg $0x0  }
0xb0: {  	[dreg:$0x4] =	wrdreg $0x9  }
0xb1: {  	_ =	task.clear_ibuf [dreg:s6], $0x5FFFF;
	_ =	strace $0x9000004C  }
0xb2: {  	s29 =	simm.s32 $0x9;
	_ =	strace $0x8000004E  }
0xb3: {  	_ =	swait.ge [sflag:s29], $0x1  }
0xb4: {  	[sflag:s29] =	ssyncadd.s32 $0xFFFFFFFF  }
0xb5: {  	_ =	strace $0x9000004E  }
0xb6: {  	_ =	sfence  }
0xb7: {  	s30 =	sld [smem:$0x0];
	_ =	sdelay $0x2  }
0xb8: {  	s31 =	sshll.u32 s1, $0xD;
	s1 =	sshrl.u32 s1, $0x2  }
0xb9: {  	s3 =	sand.u32 $0x4000, s31;
	s1 =	sadd.s32 s1, s30  }
0xba: {  	s0 =	sor.u32 s3, s0;
	s1 =	sshll.u32 s1, $0x11  }
0xbb: {  	s0 =	sor.u32 s1, s0  }
0xbc: {  	s0 =	sadd.s32 $0x8F2B, s0  }
0xbd: {  	[sflag:s0] =	ssyncadd.remote.s32 $0x1  }
0xbe: {  	_ =	sfence.sel $0xFFFF  }
0xbf: {  	[dreg:$0x0] =	wrdreg $0xFFFFFFFF;
	(pc) =	sbr.abs _section_cstart, $3  }
0xc0: {  	[dreg:$0x1] =	wrdreg $0xFFFFFFFF  }
0xc1: {  	_ =	task.clear_ibuf [dreg:s6], $0x2FFFF;
	_ =	strace $0x9FFFFFFF  }
0xc2: {  	(tm) =	ssettm $0x7FFFFFFF  }
0xc3: {  	_ =	shalt  }
tec
execute0_lowered:
.L_overlay_start_1:
0x0: {  	(tag) =	ssettag $0x1  }
0x1: {  	s0 =	srdreg.scid  }
0x2: {  	s15 =	stileid.u32;
	s7 =	rddreg [dreg:$0x0]  }
0x3: {  	s2 =	rddreg [dreg:$0x1];
	s3 =	simm.s32 $0x0;
	s17 =	simm.s32 $0x1C000  }
0x4: {  	s18 =	simm.s32 $0x1C080;
	s19 =	simm.s32 $0x1;
	s20 =	simm.s32 $0x80  }
0x5: {  	s21 =	simm.s32 $0x14000;
	s22 =	simm.s32 $0x2;
	s23 =	simm.s32 $0x18000  }
0x6: {  	s24 =	simm.s32 $0x3;
	s28 =	simm.s32 $0x6;
	s30 =	simm.s32 $0x1E880  }
0x7: {  	s31 =	simm.s32 $0x0;
	s0 =	sand.u32 $0x1, s0;
	s8 =	smul.u32 $0x14000, s15  }
0x8: {  	s1 =	sshll.u32 s15, $0x1;
	[smem:$0x7FF] =	sst s3;
	s11 =	smul.u32 $0x50000, s15  }
0x9: {  	s4 =	sadd.s32 $0x12200, s7;
	s29 =	sshll.u32 s15, $0x6;
	s15 =	smul.u32 $0xA00, s15  }
0xa: {  	s5 =	sadd.s32 $0x62200, s7;
	s1 =	sor.u32 s0, s1;
	s6 =	smul.u32 $0x140000, s0  }
0xb: {  	_ =	strace $0x8000004D;
	s10 =	ssub.s32 $0x2, s0;
	s0 =	smul.u32 $0x500, s0  }
0xc: {  	s1 =	smul.u32 $0x500, s1;
	s25 =	sshrl.u32 s10, $0x1;
	s26 =	sshrl.u32 s11, $0x2  }
0xd: {  	s6 =	sadd.s32 s8, s6;
	s13 =	ssub.s32 s10, s25;
	s14 =	sadd.s32 s26, s2  }
0xe: {  	s25 =	simm.s32 $0x4;
	s26 =	simm.s32 $0x5;
	s9 =	sadd.s32 s1, s7  }
0xf: {  	s8 =	sshrl.u32 s6, $0x3;
	s6 =	sadd.s32 $0xFA00, s7;
	s14 =	sshrl.u32 s14, $0x3  }
0x10: {  	s12 =	sadd.s32 s8, s7;
	s8 =	sadd.s32 $0x5200, s9;
	s9 =	sadd.s32 s5, s1  }
0x11: {  	s7 =	sor.u32 $0x1C07, s29;
	s10 =	sadd.s32 $0x10, s9;
	s11 =	sadd.s32 $0x6C200, s12  }
0x12: {  	s12 =	smax.u32 s13, $0x1;
	s13 =	sadd.s32 s0, s15;
	s15 =	simm.s32 $0x7  }
.LBB2_1:
0x13: {  	[spmem:s14], [sflag:s7] =	dma.local [hbm:s6], $0x2800  }
0x14: {  	_ =	swait.ge [sflag:s15], $0x2800  }
0x15: {  	[sflag:s15] =	ssyncset.done $0x0  }
0x16: {  	s0 =	simm.s32 $0x1C100;
	[sflag:s15] =	ssyncadd.s32 $0xFFFFD800  }
0x17: {  	[tilespmem:s0], [sflag:$0x7] =	stream.linear.gather [hbm4b:s8+s3], $0x2800, $0x38;
	[tilespmem:$0x1E900] =	vst v63  }
0x18: {  	_ =	swait.ge [sflag:s15], $0x2800  }
0x19: {  	[sflag:s15] =	ssyncset.done $0x0  }
0x1a: {  	[sflag:s15] =	ssyncadd.s32 $0xFFFFD800  }
0x1b: {  	[tilespmem:s17], [sflag:$0x1] =	stream.linear.gather [hbm4b:s9+s3], $0x80, $0x38;
	[tilespmem:$0x1E900] =	vst v63  }
0x1c: {  	_ = 	snop  }
0x1d: {  	[tilespmem:s18], [sflag:$0x2] =	stream.linear.gather [hbm4b:s10+s3], $0x80, $0x38;
	[tilespmem:$0x1E900] =	vst v63  }
0x1e: {  	[bflag:$0x0] =	sbarrier.arrive $0xFFFF  }
0x1f: {  	_ =	swait.ge [sflag:s19], $0x80  }
0x20: {  	[sflag:s19] =	ssyncset.done $0x0  }
0x21: {  	[sflag:s19] =	ssyncadd.s32 $0xFFFFFF80  }
0x22: {  	[tilespmem:s21], [sflag:$0x3] =	stream.indirect.gather [hbm4b:s4+s20], $0x80, s17, s20, $0xb8;
	[tilespmem:$0x1E900] =	vst v63  }
0x23: {  	_ =	swait.ge [sflag:s22], $0x80  }
0x24: {  	[sflag:s22] =	ssyncset.done $0x0  }
0x25: {  	s16 =	simm.s32 $0x20;
	[sflag:s22] =	ssyncadd.s32 $0xFFFFFF80  }
0x26: {  	[tilespmem:s23], [sflag:$0x4] =	stream.indirect.gather [hbm4b:s4+s20], $0x80, s18, s20, $0xb8;
	[tilespmem:$0x1E900] =	vst v63  }
0x27: {  	s1 =	sadd.s32 $0x20, s13;
	s0 =	sand.u32 $0x60, s16;
	_ =	swait.ge [sflag:s24], $0x4000  }
0x28: {  	s1 =	sand.u32 $0xFFFFF80, s1;
	s0 =	sadd.s32 s5, s0;
	[sflag:s24] =	ssyncset.done $0x0  }
0x29: {  	s0 =	sadd.s32 s1, s0;
	[sflag:s24] =	ssyncadd.s32 $0xFFFFC000  }
0x2a: {  	[tilespmem:s17], [sflag:$0x1] =	stream.linear.gather [hbm4b:s0+s3], $0x80, $0x38;
	[tilespmem:$0x1E900] =	vst v63  }
0x2b: {  	s29 =	simm.s32 $0x1C100  }
0x2c: {  	[spmem:s2] =	stream.indirect.scatter.add.f32 [tilespmem:s21], [sflag:$0x5], $0x80, s29, s20, $0xb8;
	[tilespmem:$0x1E900] =	vst v63  }
0x2d: {  	_ =	swait.ge [sflag:s25], $0x4000  }
0x2e: {  	[sflag:s25] =	ssyncset.done $0x0  }
0x2f: {  	s0 =	sadd.s32 $0x10, s0;
	[sflag:s25] =	ssyncadd.s32 $0xFFFFC000  }
0x30: {  	[tilespmem:s18], [sflag:$0x2] =	stream.linear.gather [hbm4b:s0+s3], $0x80, $0x38;
	[tilespmem:$0x1E900] =	vst v63  }
0x31: {  	s1 =	simm.s32 $0x1C180  }
0x32: {  	[spmem:s2] =	stream.indirect.scatter.add.f32 [tilespmem:s23], [sflag:$0x6], $0x80, s1, s20, $0xb8;
	[tilespmem:$0x1E900] =	vst v63  }
0x33: {  	_ =	swait.ge [sflag:s26], $0x4000  }
0x34: {  	[sflag:s26] =	ssyncset.done $0x0  }
0x35: {  	[sflag:s26] =	ssyncadd.s32 $0xFFFFC000  }
0x36: {  	_ =	swait.ge [sflag:s28], $0x4000  }
0x37: {  	s0 =	simm.s32 $0x40;
	[sflag:s28] =	ssyncset.done $0x0  }
.LBB2_2:
0x38: {  	p0 =	sne.s32 s0, $0x4E0;
	[sflag:s28] =	ssyncadd.s32 $0xFFFFC000;
	s1 =	sadd.s32 $0x100, s1  }
0x39: {  	s16 =	smov.u32 s0;
	s0 =	sadd.s32 $0x20, s0;
	_ =	swait.ge [sflag:s19], $0x80  }
0x3a: {  	[sflag:s19] =	ssyncset.done $0x0  }
0x3b: {  	[sflag:s19] =	ssyncadd.s32 $0xFFFFFF80  }
0x3c: {  	[tilespmem:s21], [sflag:$0x3] =	stream.indirect.gather [hbm4b:s4+s20], $0x80, s17, s20, $0xb8;
	[tilespmem:$0x1E900] =	vst v63  }
0x3d: {  	_ =	swait.ge [sflag:s22], $0x80  }
0x3e: {  	[sflag:s22] =	ssyncset.done $0x0  }
0x3f: {  	[sflag:s22] =	ssyncadd.s32 $0xFFFFFF80  }
0x40: {  	[tilespmem:s23], [sflag:$0x4] =	stream.indirect.gather [hbm4b:s4+s20], $0x80, s18, s20, $0xb8;
	[tilespmem:$0x1E900] =	vst v63  }
0x41: {  	s29 =	sadd.s32 s16, s13;
	s16 =	sand.u32 $0x60, s16;
	_ =	swait.ge [sflag:s24], $0x4000  }
0x42: {  	s29 =	sand.u32 $0xFFFFF80, s29;
	s16 =	sadd.s32 s5, s16;
	[sflag:s24] =	ssyncset.done $0x0  }
0x43: {  	s16 =	sadd.s32 s29, s16;
	[sflag:s24] =	ssyncadd.s32 $0xFFFFC000  }
0x44: {  	[tilespmem:s17], [sflag:$0x1] =	stream.linear.gather [hbm4b:s16+s3], $0x80, $0x38;
	[tilespmem:$0x1E900] =	vst v63  }
0x45: {  	s29 =	sadd.s32 $0xFFFFFF80, s1  }
0x46: {  	[spmem:s2] =	stream.indirect.scatter.add.f32 [tilespmem:s21], [sflag:$0x5], $0x80, s29, s20, $0xb8;
	[tilespmem:$0x1E900] =	vst v63  }
0x47: {  	_ =	swait.ge [sflag:s25], $0x4000  }
0x48: {  	[sflag:s25] =	ssyncset.done $0x0  }
0x49: {  	s16 =	sadd.s32 $0x10, s16;
	[sflag:s25] =	ssyncadd.s32 $0xFFFFC000  }
0x4a: {  	[tilespmem:s18], [sflag:$0x2] =	stream.linear.gather [hbm4b:s16+s3], $0x80, $0x38;
	[tilespmem:$0x1E900] =	vst v63  }
0x4b: {  	_ = 	snop  }
0x4c: {  	[spmem:s2] =	stream.indirect.scatter.add.f32 [tilespmem:s23], [sflag:$0x6], $0x80, s1, s20, $0xb8;
	[tilespmem:$0x1E900] =	vst v63  }
.Ltmp0:
0x4d: {  	_ =	swait.ge [sflag:s26], $0x4000;
	(pc) =	sbr.rel @p0 .LBB2_2-.Ltmp0, $4  }
0x4e: {  	[sflag:s26] =	ssyncset.done $0x0  }
0x4f: {  	[sflag:s26] =	ssyncadd.s32 $0xFFFFC000  }
0x50: {  	_ =	swait.ge [sflag:s28], $0x4000  }
0x51: {  	[sflag:s28] =	ssyncset.done $0x0  }
0x52: {  	[sflag:s28] =	ssyncadd.s32 $0xFFFFC000  }
0x53: {  	_ =	swait.ge [sflag:s19], $0x80  }
0x54: {  	[sflag:s19] =	ssyncset.done $0x0  }
0x55: {  	[sflag:s19] =	ssyncadd.s32 $0xFFFFFF80  }
0x56: {  	[tilespmem:s21], [sflag:$0x3] =	stream.indirect.gather [hbm4b:s4+s20], $0x80, s17, s20, $0xb8;
	[tilespmem:$0x1E900] =	vst v63  }
0x57: {  	_ =	swait.ge [sflag:s22], $0x80  }
0x58: {  	[sflag:s22] =	ssyncset.done $0x0  }
0x59: {  	[sflag:s22] =	ssyncadd.s32 $0xFFFFFF80  }
0x5a: {  	[tilespmem:s23], [sflag:$0x4] =	stream.indirect.gather [hbm4b:s4+s20], $0x80, s18, s20, $0xb8;
	[tilespmem:$0x1E900] =	vst v63  }
0x5b: {  	_ =	swait.ge [sflag:s24], $0x4000  }
0x5c: {  	[sflag:s24] =	ssyncset.done $0x0  }
0x5d: {  	[sflag:s24] =	ssyncadd.s32 $0xFFFFC000  }
0x5e: {  	[tilespmem:s17], [sflag:$0x1] =	stream.linear.gather [hbm4b:s9+s3], $0x80, $0x38;
	[tilespmem:$0x1E900] =	vst v63  }
0x5f: {  	s0 =	simm.s32 $0x1E800  }
0x60: {  	[spmem:s2] =	stream.indirect.scatter.add.f32 [tilespmem:s21], [sflag:$0x5], $0x80, s0, s20, $0xb8;
	[tilespmem:$0x1E900] =	vst v63  }
0x61: {  	_ =	swait.ge [sflag:s25], $0x4000  }
0x62: {  	[sflag:s25] =	ssyncset.done $0x0  }
0x63: {  	[sflag:s25] =	ssyncadd.s32 $0xFFFFC000  }
0x64: {  	[tilespmem:s18], [sflag:$0x2] =	stream.linear.gather [hbm4b:s10+s3], $0x80, $0x38;
	[tilespmem:$0x1E900] =	vst v63  }
0x65: {  	_ = 	snop  }
0x66: {  	[spmem:s2] =	stream.indirect.scatter.add.f32 [tilespmem:s23], [sflag:$0x6], $0x80, s30, s20, $0xb8;
	[tilespmem:$0x1E900] =	vst v63  }
0x67: {  	_ =	swait.ge [sflag:s26], $0x4000  }
0x68: {  	[sflag:s26] =	ssyncset.done $0x0  }
0x69: {  	[sflag:s26] =	ssyncadd.s32 $0xFFFFC000  }
0x6a: {  	_ =	swait.ge [sflag:s28], $0x4000  }
0x6b: {  	[sflag:s28] =	ssyncset.done $0x0  }
0x6c: {  	[sflag:s28] =	ssyncadd.s32 $0xFFFFC000  }
0x6d: {  	_ =	swait.ge [sflag:s19], $0x80  }
0x6e: {  	[sflag:s19] =	ssyncset.done $0x0  }
0x6f: {  	[sflag:s19] =	ssyncadd.s32 $0xFFFFFF80  }
0x70: {  	_ =	swait.ge [sflag:s22], $0x80  }
0x71: {  	s31 =	sadd.s32 $0x1, s31;
	[sflag:s22] =	ssyncset.done $0x0  }
0x72: {  	p0 =	sne.s32 s31, s12;
	[sflag:s22] =	ssyncadd.s32 $0xFFFFFF80  }
.Ltmp1:
0x73: {  	[bflag:$0x0] =	sbarrier.arrive $0xFFFF;
	(pc) =	sbr.rel @p0 .LBB2_1-.Ltmp1, $4  }
0x74: {  	[hbm:s11], [sflag:s7] =	dma.local [spmem:s14], $0x2800  }
0x75: {  	_ =	swait.ge [sflag:s15], $0x2800  }
0x76: {  	[sflag:s15] =	ssyncset.done $0x0  }
0x77: {  	[sflag:s15] =	ssyncadd.s32 $0xFFFFD800  }
0x78: {  	_ =	sfence.sel $0x180000  }
0x79: {  	[bflag:$0x0] =	sbarrier.arrive $0xFFFF  }
0x7a: {  	_ =	strace $0x9000004D  }
0x7b: {  	s0 =	stileid.u32;
	[bflag:$0x2] =	sbarrier.arrive $0xFFFF  }
0x7c: {  	p0 =	sne.s32 s0, $0x0;
	s0 =	rddreg [dreg:$0x2]  }
0x7d: {  	s0 =	sadd.s32 @!p0 $0x100000, s0  }
0x7e: {  	[sflag:s0] =	ssyncadd.tile.s32 @!p0 $0x1;
	_ =	shalt  }
.Lfunc_end2:
_tile_overlayer_lowered:
.L_overlay_start_2:
0x7f: {  	(tag) =	ssettag $0x2  }
0x80: {  	s0 =	rddreg [dreg:$0x0];
	s2 =	stileid.u32  }
0x81: {  	s1 =	rddreg [dreg:$0x1];
	p0 =	sne.s32 s2, $0x0  }
0x82: {  	s3 =	rddreg [dreg:$0x2];
	[bflag:$0x3] =	sbarrier.arrive $0xFFFF;
	s2 =	simm.s32 @!p0 $0x1C07  }
0x83: {  	[timem:s3], [sflag:s2] =	dma.local @!p0 [hbm:s0], s1  }
0x84: {  	s0 =	simm.s32 @!p0 $0x7  }
0x85: {  	_ =	swait.ge @!p0 [sflag:s0], s1  }
0x86: {  	s1 =	ssub.s32 @!p0 $0x0, s1;
	[sflag:s0] =	ssyncset.done @!p0 $0x0  }
0x87: {  	[sflag:s0] =	ssyncadd.s32 @!p0 s1  }
0x88: {  	[bflag:$0x3] =	sbarrier.arrive $0xFFFF  }
0x89: {  	_ =	shalt  }

// kernel: kernel.20.cloned.1.call-start
scs
__scs_entry_jumppad:
0x0: {  	(pc) =	sbr.rel $0x88, $3  }
0x1: {  	(tag) =	ssettag $0x0;
	lr =	simm.s32 $0x1  }
0x2: {  	[smem:$0x3F8B] =	sst lr;
	_ =	strace $0xD0000000  }
0x3: {  	_ = 	snop  }
0x4: {  	_ = 	snop  }
0x5: {  	_ = 	snop  }
0x6: {  	_ = 	snop  }
0x7: {  	_ = 	snop  }
__scs_overlays_trampoline_lowered:
0x8: {  	[smem:$0x3F9A] =	sst s0  }
0x9: {  	[smem:$0x3F9B] =	sst s1  }
0xa: {  	[smem:$0x3F9C] =	sst s2  }
0xb: {  	[smem:$0x3F9D] =	sst s3  }
0xc: {  	[smem:$0x3F9E] =	sst s4  }
0xd: {  	[smem:$0x3F9F] =	sst s5  }
0xe: {  	[smem:$0x3FA0] =	sst s6  }
0xf: {  	[smem:$0x3FA1] =	sst s7  }
0x10: {  	[smem:$0x3FA2] =	sst s8  }
0x11: {  	[smem:$0x3FA3] =	sst s9;
	s0 =	simm.s32 @!p0 $0x0  }
0x12: {  	s1 =	sld [smem:$0x3F89];
	s0 =	simm.s32 @p0 $0x1  }
0x13: {  	[smem:$0x3FA4] =	sst s0;
	s0 =	simm.s32 @!p1 $0x0  }
0x14: {  	s2 =	sld [smem:$0x3F88];
	s0 =	simm.s32 @p1 $0x1  }
0x15: {  	[smem:$0x3FA5] =	sst s0;
	s0 =	simm.s32 @!p2 $0x0  }
0x16: {  	s3 =	sld [smem:$0x3FDB];
	s0 =	simm.s32 @p2 $0x1  }
0x17: {  	s4 =	simm.s32 $0x1BF5;
	[smem:$0x3FA7] =	sst s0  }
0x18: {  	s0 =	sld [smem:$0x3F8A];
	_ =	swait.ge [sflag:s4], $0x0  }
0x19: {  	s7 =	sld [smem:$0x3F8B]  }
0x1a: {  	s8 =	sadd.s32 $0xFFFFE003, lr  }
0x1b: {  	s9 =	sadd.s32 $0xFFFFFEF7, lr;
	s5 =	simm.s32 $0xFFFFFFFF;
	p2 =	slt.u32 s8, $0xFFFFF086  }
0x1c: {  	p1 =	slt.u32 s9, $0xF7A;
	s5 =	simm.s32 @!p2 $0x0  }
0x1d: {  	s5 =	simm.s32 @p1 $0x1;
	p0 =	seq.s32 s7, s2  }
0x1e: {  	s7 =	smul.u32 @!p0 $0xF7A, s2;
	p2 =	seq.s32 @!p0 s5, $0x0  }
0x1f: {  	s9 =	smul.u32 $0xF7A, s1;
	s8 =	simm.s32 @!p0 $0x1BF5;
	p2 =	por !p2, p0  }
0x20: {  	[sflag:s8] =	ssyncset.s32 @!p0 $0xFFFFF086;
	s6 =	sadd.s32 @!p0 s3, s7;
	s7 =	simm.s32 @!p0 $0x108  }
0x21: {  	s3 =	sadd.s32 s3, s9;
	s6 =	sadd.s32 @!p0 $0x88, s6;
	s7 =	simm.s32 @p2 $0x1082  }
0x22: {  	[simem:s7], [sflag:s8] =	dma.local @!p0 [hbm:s6], $0xF7A  }
0x23: {  	s9 =	sor.u32 $0xD0000000, s2;
	s6 =	simm.s32 $0x108;
	_ =	swait.ge @!p0 [sflag:s8], $0x0  }
0x24: {  	s3 =	sadd.s32 $0x88, s3;
	s6 =	simm.s32 @!p1 $0x1082;
	[sflag:s4] =	ssyncset.s32 $0xFFFFF086  }
0x25: {  	[simem:s6], [sflag:s4] =	dma.local [hbm:s3], $0xF7A  }
0x26: {  	[smem:$0x3F8B] =	sst s1;
	(tag) =	ssettag s2;
	_ =	strace s9  }
0x27: {  	s1 =	sld [smem:$0x3F9B]  }
0x28: {  	s2 =	sld [smem:$0x3F9C]  }
0x29: {  	s4 =	sld [smem:$0x3F9E]  }
0x2a: {  	p0 =	seq.s32 s5, $0x0;
	s5 =	sld [smem:$0x3F9F]  }
0x2b: {  	s6 =	sld [smem:$0x3FA0]  }
0x2c: {  	s7 =	sld [smem:$0x3FA1]  }
0x2d: {  	s3 =	simm.s32 $0x108;
	s8 =	sld [smem:$0x3FA2]  }
0x2e: {  	s3 =	simm.s32 @!p0 $0x1082;
	s9 =	sld [smem:$0x3FA3]  }
0x2f: {  	lr =	sadd.s32 s0, s3;
	s0 =	sld [smem:$0x3F9A]  }
0x30: {  	s3 =	sld [smem:$0x3F9D]  }
0x31: {  	[smem:$0x3FA6] =	sst s10  }
0x32: {  	s10 =	sld [smem:$0x3FA4];
	_ =	sdelay $0x3  }
0x33: {  	p0 =	seq.s32 s10, $0x1;
	s10 =	sld [smem:$0x3FA6];
	_ =	sdelay $0x3  }
0x34: {  	[smem:$0x3FA6] =	sst s10  }
0x35: {  	s10 =	sld [smem:$0x3FA5];
	_ =	sdelay $0x3  }
0x36: {  	p1 =	seq.s32 s10, $0x1;
	s10 =	sld [smem:$0x3FA6];
	_ =	sdelay $0x3  }
0x37: {  	[smem:$0x3FA6] =	sst s10  }
0x38: {  	s10 =	sld [smem:$0x3FA7]  }
0x39: {  	_ = 	snop;
	(pc) =	sbr.ind lr, $3  }
0x3a: {  	_ = 	snop  }
0x3b: {  	_ = 	snop  }
0x3c: {  	p2 =	seq.s32 s10, $0x1;
	s10 =	sld [smem:$0x3FA6]  }
0x3d: {  	_ =	shalt  }
0x3e: {  	_ =	shalt  }
0x3f: {  	_ =	shalt  }
0x40: {  	_ =	shalt  }
0x41: {  	_ =	shalt  }
0x42: {  	_ =	shalt  }
0x43: {  	_ =	shalt  }
0x44: {  	_ =	shalt  }
0x45: {  	_ =	shalt  }
0x46: {  	_ =	shalt  }
0x47: {  	_ =	shalt  }
0x48: {  	_ =	shalt  }
0x49: {  	_ =	shalt  }
0x4a: {  	_ =	shalt  }
0x4b: {  	_ =	shalt  }
0x4c: {  	_ =	shalt  }
0x4d: {  	_ =	shalt  }
0x4e: {  	_ =	shalt  }
0x4f: {  	_ =	shalt  }
0x50: {  	_ =	shalt  }
0x51: {  	_ =	shalt  }
0x52: {  	_ =	shalt  }
0x53: {  	_ =	shalt  }
0x54: {  	_ =	shalt  }
0x55: {  	_ =	shalt  }
0x56: {  	_ =	shalt  }
0x57: {  	_ =	shalt  }
0x58: {  	_ =	shalt  }
0x59: {  	_ =	shalt  }
0x5a: {  	_ =	shalt  }
0x5b: {  	_ =	shalt  }
0x5c: {  	_ =	shalt  }
0x5d: {  	_ =	shalt  }
0x5e: {  	_ =	shalt  }
0x5f: {  	_ =	shalt  }
0x60: {  	_ =	shalt  }
0x61: {  	_ =	shalt  }
0x62: {  	_ =	shalt  }
0x63: {  	_ =	shalt  }
0x64: {  	_ =	shalt  }
0x65: {  	_ =	shalt  }
0x66: {  	_ =	shalt  }
0x67: {  	_ =	shalt  }
0x68: {  	_ =	shalt  }
0x69: {  	_ =	shalt  }
0x6a: {  	_ =	shalt  }
0x6b: {  	_ =	shalt  }
0x6c: {  	_ =	shalt  }
0x6d: {  	_ =	shalt  }
0x6e: {  	_ =	shalt  }
0x6f: {  	_ =	shalt  }
0x70: {  	_ =	shalt  }
0x71: {  	_ =	shalt  }
0x72: {  	_ =	shalt  }
0x73: {  	_ =	shalt  }
0x74: {  	_ =	shalt  }
0x75: {  	_ =	shalt  }
0x76: {  	_ =	shalt  }
0x77: {  	_ =	shalt  }
0x78: {  	_ =	shalt  }
0x79: {  	_ =	shalt  }
0x7a: {  	_ =	shalt  }
0x7b: {  	_ =	shalt  }
0x7c: {  	_ =	shalt  }
0x7d: {  	_ =	shalt  }
0x7e: {  	_ =	shalt  }
0x7f: {  	_ =	shalt  }
0x80: {  	_ =	shalt  }
0x81: {  	_ =	shalt  }
0x82: {  	_ =	shalt  }
0x83: {  	_ =	shalt  }
0x84: {  	_ =	shalt  }
0x85: {  	_ =	shalt  }
0x86: {  	_ =	shalt  }
0x87: {  	_ =	shalt  }
.Lfunc_end0:
.L_simem_size_0:
called_computation.3_lowered:
.L_overlay_start_0:
0x88: {  	s2 =	sld [smem:$0x3FD9]  }
0x89: {  	s3 =	sld [smem:$0x3FFE];
	_ =	sdelay $0x1  }
0x8a: {  	s1 =	srdreg.scid  }
0x8b: {  	s0 =	sand.u32 $0x1, s1  }
0x8c: {  	s16 =	sshll.u32 s0, $0xA;
	s2 =	sadd.s32 s3, s2  }
0x8d: {  	s2 =	sadd.s32 s2, s16  }
0x8e: {  	[smem:$0x3FB2] =	sst s2  }
0x8f: {  	_ = 	snop  }
0x90: {  	(tm) =	ssettm $0x1  }
0x91: {  	s17 =	sld [smem:$0x3FFB];
	_ =	sdelay $0x3  }
0x92: {  	_ =	strace s17  }
0x93: {  	s2 =	sld [smem:$0x3FFC];
	_ =	sdelay $0x3  }
0x94: {  	_ =	strace s2  }
0x95: {  	s2 =	sld [smem:$0x3FFD];
	_ =	sdelay $0x3  }
0x96: {  	_ =	strace s2  }
0x97: {  	_ =	strace $0x8FFFFFFF  }
0x98: {  	s18 =	sld [smem:$0x3FDB];
	_ =	sdelay $0x1  }
0x99: {  	s19 =	simm.s32 $_scs_section_size  }
0x9a: {  	s4 =	simm.s32 $_size__tile_overlayer_lowered;
	s5 =	simm.s32 $_tile_overlayer_lowered  }
0x9b: {  	s22 =	simm.s32 $0x1BFF;
	s21 =	sshll.u32 s5, $0x1;
	s2 =	sadd.s32 s19, s18  }
0x9c: {  	s6 =	simm.s32 $0x0;
	s20 =	sshll.u32 s4, $0x1;
	s4 =	sadd.s32 s21, s2  }
0x9d: {  	[timem:s6], [sflag:s22] =	dma.local [hbm:s4], s20  }
0x9e: {  	_ =	swait.ge [sflag:s22], s20  }
0x9f: {  	s3 =	ssub.s32 $0x0, s20;
	[sflag:s22] =	ssyncset.done $0x0  }
0xa0: {  	[sflag:s22] =	ssyncadd.s32 s3;
	_ =	sdelay $0x1  }
0xa1: {  	s23 =	simm.s32 $0x1B8B  }
0xa2: {  	_ =	swait.ge [sflag:s23], $0x1  }
0xa3: {  	[sflag:s23] =	ssyncset.done $0x0  }
0xa4: {  	s25 =	simm.s32 $0x1B8E;
	s24 =	sld [smem:$0x3FFE];
	[sflag:s23] =	ssyncadd.s32 $0xFFFFFFFF  }
0xa5: {  	s26 =	simm.s32 $execute0_lowered;
	[smem:$0x3FD2] =	sst s25  }
0xa6: {  	s4 =	sshll.u32 s26, $0x1;
	_ =	strace $0x8000004F;
	[dreg:$0x1] =	wrdreg $0xFFFFFFFF  }
0xa7: {  	s28 =	simm.s32 $_size_execute0_lowered;
	s2 =	sadd.s32 s2, s4;
	[dreg:$0x0] =	wrdreg $0x0  }
0xa8: {  	s4 =	sshll.u32 s28, $0x1;
	[dreg:$0x2] =	wrdreg s2  }
0xa9: {  	[dreg:$0x3] =	wrdreg s4  }
0xaa: {  	[dreg:$0x4] =	wrdreg $0xC0  }
0xab: {  	_ =	task [dreg:s6], $0x5FFFF  }
0xac: {  	[dreg:$0x1] =	wrdreg $0xFFFFFFFF  }
0xad: {  	[dreg:$0x0] =	wrdreg $0x60  }
0xae: {  	[dreg:$0x2] =	wrdreg s24  }
0xaf: {  	[dreg:$0x3] =	wrdreg $0x0  }
0xb0: {  	[dreg:$0x4] =	wrdreg $0x9  }
0xb1: {  	_ =	task.clear_ibuf [dreg:s6], $0x5FFFF;
	_ =	strace $0x9000004F  }
0xb2: {  	s29 =	simm.s32 $0x9;
	_ =	strace $0x80000051  }
0xb3: {  	_ =	swait.ge [sflag:s29], $0x1  }
0xb4: {  	[sflag:s29] =	ssyncadd.s32 $0xFFFFFFFF  }
0xb5: {  	_ =	strace $0x90000051  }
0xb6: {  	_ =	sfence  }
0xb7: {  	s30 =	sld [smem:$0x0];
	_ =	sdelay $0x2  }
0xb8: {  	s31 =	sshll.u32 s1, $0xD;
	s1 =	sshrl.u32 s1, $0x2  }
0xb9: {  	s3 =	sand.u32 $0x4000, s31;
	s1 =	sadd.s32 s1, s30  }
0xba: {  	s0 =	sor.u32 s3, s0;
	s1 =	sshll.u32 s1, $0x11  }
0xbb: {  	s0 =	sor.u32 s1, s0  }
0xbc: {  	s0 =	sadd.s32 $0x8F2B, s0  }
0xbd: {  	[sflag:s0] =	ssyncadd.remote.s32 $0x1  }
0xbe: {  	_ =	sfence.sel $0xFFFF  }
0xbf: {  	[dreg:$0x0] =	wrdreg $0xFFFFFFFF;
	(pc) =	sbr.abs _section_cstart, $3  }
0xc0: {  	[dreg:$0x1] =	wrdreg $0xFFFFFFFF  }
0xc1: {  	_ =	task.clear_ibuf [dreg:s6], $0x2FFFF;
	_ =	strace $0x9FFFFFFF  }
0xc2: {  	(tm) =	ssettm $0x7FFFFFFF  }
0xc3: {  	_ =	shalt  }
tec
execute0_lowered:
.L_overlay_start_1:
0x0: {  	(tag) =	ssettag $0x1  }
0x1: {  	s0 =	srdreg.scid  }
0x2: {  	s15 =	stileid.u32;
	s7 =	rddreg [dreg:$0x0]  }
0x3: {  	s2 =	rddreg [dreg:$0x1];
	s3 =	simm.s32 $0x0;
	s17 =	simm.s32 $0x1C000  }
0x4: {  	s18 =	simm.s32 $0x1C080;
	s19 =	simm.s32 $0x1;
	s20 =	simm.s32 $0x80  }
0x5: {  	s21 =	simm.s32 $0x14000;
	s22 =	simm.s32 $0x2;
	s23 =	simm.s32 $0x18000  }
0x6: {  	s24 =	simm.s32 $0x3;
	s28 =	simm.s32 $0x6;
	s30 =	simm.s32 $0x1E880  }
0x7: {  	s31 =	simm.s32 $0x0;
	s0 =	sand.u32 $0x1, s0;
	s8 =	smul.u32 $0x14000, s15  }
0x8: {  	s1 =	sshll.u32 s15, $0x1;
	[smem:$0x7FF] =	sst s3;
	s11 =	smul.u32 $0x50000, s15  }
0x9: {  	s4 =	sadd.s32 $0x12200, s7;
	s29 =	sshll.u32 s15, $0x6;
	s15 =	smul.u32 $0xA00, s15  }
0xa: {  	s5 =	sadd.s32 $0x62200, s7;
	s1 =	sor.u32 s0, s1;
	s6 =	smul.u32 $0x140000, s0  }
0xb: {  	_ =	strace $0x80000050;
	s10 =	ssub.s32 $0x2, s0;
	s0 =	smul.u32 $0x500, s0  }
0xc: {  	s1 =	smul.u32 $0x500, s1;
	s25 =	sshrl.u32 s10, $0x1;
	s26 =	sshrl.u32 s11, $0x2  }
0xd: {  	s6 =	sadd.s32 s8, s6;
	s13 =	ssub.s32 s10, s25;
	s14 =	sadd.s32 s26, s2  }
0xe: {  	s25 =	simm.s32 $0x4;
	s26 =	simm.s32 $0x5;
	s9 =	sadd.s32 s1, s7  }
0xf: {  	s8 =	sshrl.u32 s6, $0x3;
	s6 =	sadd.s32 $0xFA00, s7;
	s14 =	sshrl.u32 s14, $0x3  }
0x10: {  	s12 =	sadd.s32 s8, s7;
	s8 =	sadd.s32 $0x5200, s9;
	s9 =	sadd.s32 s5, s1  }
0x11: {  	s7 =	sor.u32 $0x1C07, s29;
	s10 =	sadd.s32 $0x10, s9;
	s11 =	sadd.s32 $0x6C200, s12  }
0x12: {  	s12 =	smax.u32 s13, $0x1;
	s13 =	sadd.s32 s0, s15;
	s15 =	simm.s32 $0x7  }
.LBB2_1:
0x13: {  	[spmem:s14], [sflag:s7] =	dma.local [hbm:s6], $0x2800  }
0x14: {  	_ =	swait.ge [sflag:s15], $0x2800  }
0x15: {  	[sflag:s15] =	ssyncset.done $0x0  }
0x16: {  	s0 =	simm.s32 $0x1C100;
	[sflag:s15] =	ssyncadd.s32 $0xFFFFD800  }
0x17: {  	[tilespmem:s0], [sflag:$0x7] =	stream.linear.gather [hbm4b:s8+s3], $0x2800, $0x38;
	[tilespmem:$0x1E900] =	vst v63  }
0x18: {  	_ =	swait.ge [sflag:s15], $0x2800  }
0x19: {  	[sflag:s15] =	ssyncset.done $0x0  }
0x1a: {  	[sflag:s15] =	ssyncadd.s32 $0xFFFFD800  }
0x1b: {  	[tilespmem:s17], [sflag:$0x1] =	stream.linear.gather [hbm4b:s9+s3], $0x80, $0x38;
	[tilespmem:$0x1E900] =	vst v63  }
0x1c: {  	_ = 	snop  }
0x1d: {  	[tilespmem:s18], [sflag:$0x2] =	stream.linear.gather [hbm4b:s10+s3], $0x80, $0x38;
	[tilespmem:$0x1E900] =	vst v63  }
0x1e: {  	[bflag:$0x0] =	sbarrier.arrive $0xFFFF  }
0x1f: {  	_ =	swait.ge [sflag:s19], $0x80  }
0x20: {  	[sflag:s19] =	ssyncset.done $0x0  }
0x21: {  	[sflag:s19] =	ssyncadd.s32 $0xFFFFFF80  }
0x22: {  	[tilespmem:s21], [sflag:$0x3] =	stream.indirect.gather [hbm4b:s4+s20], $0x80, s17, s20, $0xb8;
	[tilespmem:$0x1E900] =	vst v63  }
0x23: {  	_ =	swait.ge [sflag:s22], $0x80  }
0x24: {  	[sflag:s22] =	ssyncset.done $0x0  }
0x25: {  	s16 =	simm.s32 $0x20;
	[sflag:s22] =	ssyncadd.s32 $0xFFFFFF80  }
0x26: {  	[tilespmem:s23], [sflag:$0x4] =	stream.indirect.gather [hbm4b:s4+s20], $0x80, s18, s20, $0xb8;
	[tilespmem:$0x1E900] =	vst v63  }
0x27: {  	s1 =	sadd.s32 $0x20, s13;
	s0 =	sand.u32 $0x60, s16;
	_ =	swait.ge [sflag:s24], $0x4000  }
0x28: {  	s1 =	sand.u32 $0xFFFFF80, s1;
	s0 =	sadd.s32 s5, s0;
	[sflag:s24] =	ssyncset.done $0x0  }
0x29: {  	s0 =	sadd.s32 s1, s0;
	[sflag:s24] =	ssyncadd.s32 $0xFFFFC000  }
0x2a: {  	[tilespmem:s17], [sflag:$0x1] =	stream.linear.gather [hbm4b:s0+s3], $0x80, $0x38;
	[tilespmem:$0x1E900] =	vst v63  }
0x2b: {  	s29 =	simm.s32 $0x1C100  }
0x2c: {  	[spmem:s2] =	stream.indirect.scatter.add.f32 [tilespmem:s21], [sflag:$0x5], $0x80, s29, s20, $0xb8;
	[tilespmem:$0x1E900] =	vst v63  }
0x2d: {  	_ =	swait.ge [sflag:s25], $0x4000  }
0x2e: {  	[sflag:s25] =	ssyncset.done $0x0  }
0x2f: {  	s0 =	sadd.s32 $0x10, s0;
	[sflag:s25] =	ssyncadd.s32 $0xFFFFC000  }
0x30: {  	[tilespmem:s18], [sflag:$0x2] =	stream.linear.gather [hbm4b:s0+s3], $0x80, $0x38;
	[tilespmem:$0x1E900] =	vst v63  }
0x31: {  	s1 =	simm.s32 $0x1C180  }
0x32: {  	[spmem:s2] =	stream.indirect.scatter.add.f32 [tilespmem:s23], [sflag:$0x6], $0x80, s1, s20, $0xb8;
	[tilespmem:$0x1E900] =	vst v63  }
0x33: {  	_ =	swait.ge [sflag:s26], $0x4000  }
0x34: {  	[sflag:s26] =	ssyncset.done $0x0  }
0x35: {  	[sflag:s26] =	ssyncadd.s32 $0xFFFFC000  }
0x36: {  	_ =	swait.ge [sflag:s28], $0x4000  }
0x37: {  	s0 =	simm.s32 $0x40;
	[sflag:s28] =	ssyncset.done $0x0  }
.LBB2_2:
0x38: {  	p0 =	sne.s32 s0, $0x4E0;
	[sflag:s28] =	ssyncadd.s32 $0xFFFFC000;
	s1 =	sadd.s32 $0x100, s1  }
0x39: {  	s16 =	smov.u32 s0;
	s0 =	sadd.s32 $0x20, s0;
	_ =	swait.ge [sflag:s19], $0x80  }
0x3a: {  	[sflag:s19] =	ssyncset.done $0x0  }
0x3b: {  	[sflag:s19] =	ssyncadd.s32 $0xFFFFFF80  }
0x3c: {  	[tilespmem:s21], [sflag:$0x3] =	stream.indirect.gather [hbm4b:s4+s20], $0x80, s17, s20, $0xb8;
	[tilespmem:$0x1E900] =	vst v63  }
0x3d: {  	_ =	swait.ge [sflag:s22], $0x80  }
0x3e: {  	[sflag:s22] =	ssyncset.done $0x0  }
0x3f: {  	[sflag:s22] =	ssyncadd.s32 $0xFFFFFF80  }
0x40: {  	[tilespmem:s23], [sflag:$0x4] =	stream.indirect.gather [hbm4b:s4+s20], $0x80, s18, s20, $0xb8;
	[tilespmem:$0x1E900] =	vst v63  }
0x41: {  	s29 =	sadd.s32 s16, s13;
	s16 =	sand.u32 $0x60, s16;
	_ =	swait.ge [sflag:s24], $0x4000  }
0x42: {  	s29 =	sand.u32 $0xFFFFF80, s29;
	s16 =	sadd.s32 s5, s16;
	[sflag:s24] =	ssyncset.done $0x0  }
0x43: {  	s16 =	sadd.s32 s29, s16;
	[sflag:s24] =	ssyncadd.s32 $0xFFFFC000  }
0x44: {  	[tilespmem:s17], [sflag:$0x1] =	stream.linear.gather [hbm4b:s16+s3], $0x80, $0x38;
	[tilespmem:$0x1E900] =	vst v63  }
0x45: {  	s29 =	sadd.s32 $0xFFFFFF80, s1  }
0x46: {  	[spmem:s2] =	stream.indirect.scatter.add.f32 [tilespmem:s21], [sflag:$0x5], $0x80, s29, s20, $0xb8;
	[tilespmem:$0x1E900] =	vst v63  }
0x47: {  	_ =	swait.ge [sflag:s25], $0x4000  }
0x48: {  	[sflag:s25] =	ssyncset.done $0x0  }
0x49: {  	s16 =	sadd.s32 $0x10, s16;
	[sflag:s25] =	ssyncadd.s32 $0xFFFFC000  }
0x4a: {  	[tilespmem:s18], [sflag:$0x2] =	stream.linear.gather [hbm4b:s16+s3], $0x80, $0x38;
	[tilespmem:$0x1E900] =	vst v63  }
0x4b: {  	_ = 	snop  }
0x4c: {  	[spmem:s2] =	stream.indirect.scatter.add.f32 [tilespmem:s23], [sflag:$0x6], $0x80, s1, s20, $0xb8;
	[tilespmem:$0x1E900] =	vst v63  }
.Ltmp0:
0x4d: {  	_ =	swait.ge [sflag:s26], $0x4000;
	(pc) =	sbr.rel @p0 .LBB2_2-.Ltmp0, $4  }
0x4e: {  	[sflag:s26] =	ssyncset.done $0x0  }
0x4f: {  	[sflag:s26] =	ssyncadd.s32 $0xFFFFC000  }
0x50: {  	_ =	swait.ge [sflag:s28], $0x4000  }
0x51: {  	[sflag:s28] =	ssyncset.done $0x0  }
0x52: {  	[sflag:s28] =	ssyncadd.s32 $0xFFFFC000  }
0x53: {  	_ =	swait.ge [sflag:s19], $0x80  }
0x54: {  	[sflag:s19] =	ssyncset.done $0x0  }
0x55: {  	[sflag:s19] =	ssyncadd.s32 $0xFFFFFF80  }
0x56: {  	[tilespmem:s21], [sflag:$0x3] =	stream.indirect.gather [hbm4b:s4+s20], $0x80, s17, s20, $0xb8;
	[tilespmem:$0x1E900] =	vst v63  }
0x57: {  	_ =	swait.ge [sflag:s22], $0x80  }
0x58: {  	[sflag:s22] =	ssyncset.done $0x0  }
0x59: {  	[sflag:s22] =	ssyncadd.s32 $0xFFFFFF80  }
0x5a: {  	[tilespmem:s23], [sflag:$0x4] =	stream.indirect.gather [hbm4b:s4+s20], $0x80, s18, s20, $0xb8;
	[tilespmem:$0x1E900] =	vst v63  }
0x5b: {  	_ =	swait.ge [sflag:s24], $0x4000  }
0x5c: {  	[sflag:s24] =	ssyncset.done $0x0  }
0x5d: {  	[sflag:s24] =	ssyncadd.s32 $0xFFFFC000  }
0x5e: {  	[tilespmem:s17], [sflag:$0x1] =	stream.linear.gather [hbm4b:s9+s3], $0x80, $0x38;
	[tilespmem:$0x1E900] =	vst v63  }
0x5f: {  	s0 =	simm.s32 $0x1E800  }
0x60: {  	[spmem:s2] =	stream.indirect.scatter.add.f32 [tilespmem:s21], [sflag:$0x5], $0x80, s0, s20, $0xb8;
	[tilespmem:$0x1E900] =	vst v63  }
0x61: {  	_ =	swait.ge [sflag:s25], $0x4000  }
0x62: {  	[sflag:s25] =	ssyncset.done $0x0  }
0x63: {  	[sflag:s25] =	ssyncadd.s32 $0xFFFFC000  }
0x64: {  	[tilespmem:s18], [sflag:$0x2] =	stream.linear.gather [hbm4b:s10+s3], $0x80, $0x38;
	[tilespmem:$0x1E900] =	vst v63  }
0x65: {  	_ = 	snop  }
0x66: {  	[spmem:s2] =	stream.indirect.scatter.add.f32 [tilespmem:s23], [sflag:$0x6], $0x80, s30, s20, $0xb8;
	[tilespmem:$0x1E900] =	vst v63  }
0x67: {  	_ =	swait.ge [sflag:s26], $0x4000  }
0x68: {  	[sflag:s26] =	ssyncset.done $0x0  }
0x69: {  	[sflag:s26] =	ssyncadd.s32 $0xFFFFC000  }
0x6a: {  	_ =	swait.ge [sflag:s28], $0x4000  }
0x6b: {  	[sflag:s28] =	ssyncset.done $0x0  }
0x6c: {  	[sflag:s28] =	ssyncadd.s32 $0xFFFFC000  }
0x6d: {  	_ =	swait.ge [sflag:s19], $0x80  }
0x6e: {  	[sflag:s19] =	ssyncset.done $0x0  }
0x6f: {  	[sflag:s19] =	ssyncadd.s32 $0xFFFFFF80  }
0x70: {  	_ =	swait.ge [sflag:s22], $0x80  }
0x71: {  	s31 =	sadd.s32 $0x1, s31;
	[sflag:s22] =	ssyncset.done $0x0  }
0x72: {  	p0 =	sne.s32 s31, s12;
	[sflag:s22] =	ssyncadd.s32 $0xFFFFFF80  }
.Ltmp1:
0x73: {  	[bflag:$0x0] =	sbarrier.arrive $0xFFFF;
	(pc) =	sbr.rel @p0 .LBB2_1-.Ltmp1, $4  }
0x74: {  	[hbm:s11], [sflag:s7] =	dma.local [spmem:s14], $0x2800  }
0x75: {  	_ =	swait.ge [sflag:s15], $0x2800  }
0x76: {  	[sflag:s15] =	ssyncset.done $0x0  }
0x77: {  	[sflag:s15] =	ssyncadd.s32 $0xFFFFD800  }
0x78: {  	_ =	sfence.sel $0x180000  }
0x79: {  	[bflag:$0x0] =	sbarrier.arrive $0xFFFF  }
0x7a: {  	_ =	strace $0x90000050  }
0x7b: {  	s0 =	stileid.u32;
	[bflag:$0x2] =	sbarrier.arrive $0xFFFF  }
0x7c: {  	p0 =	sne.s32 s0, $0x0;
	s0 =	rddreg [dreg:$0x2]  }
0x7d: {  	s0 =	sadd.s32 @!p0 $0x100000, s0  }
0x7e: {  	[sflag:s0] =	ssyncadd.tile.s32 @!p0 $0x1;
	_ =	shalt  }
.Lfunc_end2:
_tile_overlayer_lowered:
.L_overlay_start_2:
0x7f: {  	(tag) =	ssettag $0x2  }
0x80: {  	s0 =	rddreg [dreg:$0x0];
	s2 =	stileid.u32  }
0x81: {  	s1 =	rddreg [dreg:$0x1];
	p0 =	sne.s32 s2, $0x0  }
0x82: {  	s3 =	rddreg [dreg:$0x2];
	[bflag:$0x3] =	sbarrier.arrive $0xFFFF;
	s2 =	simm.s32 @!p0 $0x1C07  }
0x83: {  	[timem:s3], [sflag:s2] =	dma.local @!p0 [hbm:s0], s1  }
0x84: {  	s0 =	simm.s32 @!p0 $0x7  }
0x85: {  	_ =	swait.ge @!p0 [sflag:s0], s1  }
0x86: {  	s1 =	ssub.s32 @!p0 $0x0, s1;
	[sflag:s0] =	ssyncset.done @!p0 $0x0  }
0x87: {  	[sflag:s0] =	ssyncadd.s32 @!p0 s1  }
0x88: {  	[bflag:$0x3] =	sbarrier.arrive $0xFFFF  }
0x89: {  	_ =	shalt  }

</sc_bundles>
